<compile_context>
chip_gen: v7x
topology: tpu7x:2x2x1
jax: 0.10.2.dev20260603
libtpu: 0.0.44.dev20260713+nightly
codegen_flags: <defaults>
</compile_context>

<pallas_src>
import functools

import jax
import jax.numpy as jnp
from jax import lax
from jax.experimental import pallas as pl
from jax.experimental.pallas import tpu as pltpu
from jax.experimental.pallas import tpu_sc as plsc

B = 32768
K = 8192
D = 32
BB = 2048
KC = 512
NB = B // BB
NKC = K // KC
LW = 128
RG = 512
COMMITMENT = 0.25


def _argmin_body(x_ref, cb_ref, idx_ref, loss_ref, bsc_ref):
    i = pl.program_id(0)
    x = x_ref[...]
    a = jnp.sum(x * x, axis=1, keepdims=True)
    x2 = x * (-2.0)

    @pl.when(i == 0)
    def _():
        cb = cb_ref[...]
        bsc_ref[...] = jnp.sum(cb * cb, axis=1)

    NR = BB // RG
    bvs = [jnp.full((RG, LW), jnp.inf, dtype=jnp.float32) for _ in range(NR)]
    bis = [jnp.zeros((RG, LW), dtype=jnp.int32) for _ in range(NR)]
    for k in range(NKC):
        cbk = cb_ref[pl.ds(k * KC, KC), :]
        bk = bsc_ref[pl.ds(k * KC, KC)]
        for r in range(NR):
            xr = x2[r * RG:(r + 1) * RG]
            ar = a[r * RG:(r + 1) * RG]
            m2 = lax.dot_general(xr, cbk, (((1,), (1,)), ((), ())),
                                 preferred_element_type=jnp.float32)
            d = (ar + bk[None, :]) + m2
            d0, d1 = d[:, 0:128], d[:, 128:256]
            d2, d3 = d[:, 256:384], d[:, 384:512]
            m01 = jnp.minimum(d0, d1)
            g01 = jnp.where(d1 < d0, jnp.int32(128), jnp.int32(0))
            m23 = jnp.minimum(d2, d3)
            g23 = jnp.where(d3 < d2, jnp.int32(384), jnp.int32(256))
            dmin = jnp.minimum(m01, m23)
            gbase = jnp.where(m23 < m01, g23 + k * KC, g01 + k * KC)
            upd = dmin < bvs[r]
            bvs[r] = jnp.minimum(bvs[r], dmin)
            bis[r] = jnp.where(upd, gbase, bis[r])

    @pl.when(i == 0)
    def _():
        loss_ref[...] = jnp.zeros((1, 1), dtype=jnp.float32)

    lsum = jnp.zeros((1, 1), dtype=jnp.float32)
    for r in range(NR):
        full_idx = bis[r] + lax.broadcasted_iota(jnp.int32, (RG, LW), 1)
        minv = jnp.min(bvs[r], axis=1, keepdims=True)
        idxm = jnp.where(bvs[r] == minv, full_idx, jnp.int32(2**31 - 1))
        idx_ref[pl.ds(r * RG, RG)] = jnp.min(idxm, axis=1)
        lsum = lsum + jnp.sum(minv).reshape(1, 1)

    loss_ref[...] += lsum


_dist_argmin = pl.pallas_call(
    _argmin_body,
    grid=(NB,),
    in_specs=[
        pl.BlockSpec((BB, D), lambda i: (i, 0)),
        pl.BlockSpec((K, D), lambda i: (0, 0)),
    ],
    out_specs=[
        pl.BlockSpec((BB,), lambda i: (i,)),
        pl.BlockSpec((1, 1), lambda i: (0, 0)),
    ],
    out_shape=[
        jax.ShapeDtypeStruct((B,), jnp.int32),
        jax.ShapeDtypeStruct((1, 1), jnp.float32),
    ],
    scratch_shapes=[pltpu.VMEM((K,), jnp.float32)],
)


_NW = 32
_NCORES = 2
_BPW = B // _NW
_CH = 128
_NCH = _BPW // _CH


@functools.cache
def _make_gather():
    mesh = plsc.VectorSubcoreMesh(core_axis_name="c", subcore_axis_name="s")

    @functools.partial(
        pl.kernel,
        mesh=mesh,
        out_type=jax.ShapeDtypeStruct((_NW, _NCH, _CH, D), jnp.float32),
        scratch_types=[
            pltpu.VMEM((_NCH, _CH), jnp.int32),
            pltpu.VMEM((_NCH, _CH, D), jnp.float32),
            pltpu.SemaphoreType.DMA,
        ],
        compiler_params=pltpu.CompilerParams(use_tc_tiling_on_sc=False),
    )
    def _gather_body(cb_hbm, idx_hbm, out_hbm, idx_v, rows_v, sem):
        wid = lax.axis_index("s") * _NCORES + lax.axis_index("c")
        pltpu.sync_copy(idx_hbm.at[wid], idx_v)
        copies = [
            pltpu.async_copy(cb_hbm.at[idx_v.at[j]], rows_v.at[j], sem)
            for j in range(_NCH)
        ]
        for cp in copies:
            cp.wait()
        pltpu.sync_copy(rows_v, out_hbm.at[wid])

    return _gather_body


def kernel(inputs, codebook):
    idx, loss_acc = _dist_argmin(inputs, codebook)
    rows = _make_gather()(codebook, idx.reshape(_NW, _NCH, _CH))
    quantized = rows.reshape(B, D)
    mean_sq = loss_acc[0, 0] / (B * D)
    loss = mean_sq + COMMITMENT * mean_sq
    quantized_st = inputs + (quantized - inputs)
    return quantized_st, loss

# --- scband reference (transcript-rebuilt; emitter-appended) ---
"""Pipeline reference for scband-vector-quantizer-47253230191063 (READ-ONLY COPY).

The authoritative reference and input builder live on the scoring server;
editing this copy changes nothing except your own understanding.
"""

import jax, jax.numpy as jnp
import numpy as np

NUM_EMBEDDINGS = 8192
EMBEDDING_DIM = 32
COMMITMENT_COST = 0.25


def setup_inputs(seed: int = 0) -> dict:
    key = jax.random.key(seed)
    k1, k2 = jax.random.split(key)
    inputs = jax.random.normal(k1, (32768, EMBEDDING_DIM), dtype=jnp.float32)
    codebook = jax.random.normal(k2, (NUM_EMBEDDINGS, EMBEDDING_DIM), dtype=jnp.float32)
    return {"inputs": inputs, "codebook": codebook}


def reference(inputs, codebook):
    # distances: (B, K) = |x|^2 + |e|^2 - 2 x e^T
    distances = (
        jnp.sum(inputs ** 2, axis=1, keepdims=True)
        + jnp.sum(codebook ** 2, axis=1)
        - 2.0 * jnp.matmul(inputs, codebook.T)
    )
    encoding_indices = jnp.argmin(distances, axis=1)
    quantized = jnp.take(codebook, encoding_indices, axis=0)
    loss = (
        jnp.mean((jax.lax.stop_gradient(quantized) - inputs) ** 2)
        + COMMITMENT_COST * jnp.mean((quantized - jax.lax.stop_gradient(inputs)) ** 2)
    )
    # straight-through estimator
    quantized_st = inputs + jax.lax.stop_gradient(quantized - inputs)
    return quantized_st, loss

if __name__ == "__main__":
    import jax
    _d = setup_inputs()
    print(jax.jit(kernel)(*tuple(_d.values())))

</pallas_src>

<mosaic_0001>
#map = affine_map<(d0, d1) -> (0, 0)>
#map1 = affine_map<(d0, d1) -> (0, 0, 0)>
#map2 = affine_map<(d0, d1) -> (0, 0, 0, 0)>
module attributes {stable_mosaic.version = 14 : i64} {
  func.func @_gather_body(%arg0: i32, %arg1: i32, %arg2: memref<8192x32xf32, #tpu.memory_space<hbm>>, %arg3: memref<32x8x128xi32, #tpu.memory_space<hbm>>, %arg4: memref<32x8x128x32xf32, #tpu.memory_space<hbm>>, %arg5: memref<8x128xi32, #tpu.memory_space<vmem>>, %arg6: memref<8x128x32xf32, #tpu.memory_space<vmem>>, %arg7: memref<!tpu.dma_semaphore, #tpu.memory_space<semaphore_mem>>) attributes {dimension_semantics = [#tpu.dimension_semantics<core_parallel>, #tpu.dimension_semantics<subcore_parallel>], iteration_bounds = array<i64: 2, 16>, scalar_prefetch = 0 : i64, scratch_operands = 3 : i64, tpu.core_type = #tpu.core_type<sc_vector_subcore>, window_params = [{transform_indices = #map}, {transform_indices = #map1}, {transform_indices = #map2}]} {
    %mul3A = arith.constant 2 : i32
    %mul3A_0 = arith.muli %arg1, %mul3A : i32
    %add3A = arith.addi %mul3A_0, %arg0 : i32
    "tpu.region"() ({
      %run_scoped3A = tpu.sem_alloc : memref<!tpu.dma_semaphore, #tpu.memory_space<semaphore_mem>>
      %dma_start3A_191 = arith.constant 0 : i32
      %dma_start3A_192 = arith.constant 0 : i32
      %dma_start3A_193 = tpu.memref_slice %arg3[%add3A, %dma_start3A_191, %dma_start3A_192] : memref<32x8x128xi32, #tpu.memory_space<hbm>> -> memref<1x8x128xi32, #tpu.memory_space<hbm>>
      %dma_start3A_194 = tpu.memref_squeeze %dma_start3A_193 : memref<1x8x128xi32, #tpu.memory_space<hbm>> -> memref<8x128xi32, #tpu.memory_space<hbm>>
      %dma_start3A_195 = arith.constant 0 : i32
      %dma_start3A_196 = arith.constant 0 : i32
      %dma_start3A_197 = tpu.memref_slice %arg3[%add3A, %dma_start3A_195, %dma_start3A_196] : memref<32x8x128xi32, #tpu.memory_space<hbm>> -> memref<1x8x128xi32, #tpu.memory_space<hbm>>
      %dma_start3A_198 = tpu.memref_squeeze %dma_start3A_197 : memref<1x8x128xi32, #tpu.memory_space<hbm>> -> memref<8x128xi32, #tpu.memory_space<hbm>>
      tpu.enqueue_dma source(%dma_start3A_198 : memref<8x128xi32, #tpu.memory_space<hbm>>) target(%arg5 : memref<8x128xi32, #tpu.memory_space<vmem>>) target_semaphore(%run_scoped3A : memref<!tpu.dma_semaphore, #tpu.memory_space<semaphore_mem>>)
      %dma_wait3A_199 = arith.constant 0 : i32
      %dma_wait3A_200 = arith.constant 0 : i32
      %dma_wait3A_201 = tpu.memref_slice %arg3[%add3A, %dma_wait3A_199, %dma_wait3A_200] : memref<32x8x128xi32, #tpu.memory_space<hbm>> -> memref<1x8x128xi32, #tpu.memory_space<hbm>>
      %dma_wait3A_202 = tpu.memref_squeeze %dma_wait3A_201 : memref<1x8x128xi32, #tpu.memory_space<hbm>> -> memref<8x128xi32, #tpu.memory_space<hbm>>
      %dma_wait3A_203 = arith.constant 0 : i32
      %dma_wait3A_204 = arith.constant 0 : i32
      %dma_wait3A_205 = tpu.memref_slice %arg3[%add3A, %dma_wait3A_203, %dma_wait3A_204] : memref<32x8x128xi32, #tpu.memory_space<hbm>> -> memref<1x8x128xi32, #tpu.memory_space<hbm>>
      %dma_wait3A_206 = tpu.memref_squeeze %dma_wait3A_205 : memref<1x8x128xi32, #tpu.memory_space<hbm>> -> memref<8x128xi32, #tpu.memory_space<hbm>>
      tpu.wait_dma2 semaphore(%run_scoped3A : memref<!tpu.dma_semaphore, #tpu.memory_space<semaphore_mem>>) src(%dma_wait3A_206 : memref<8x128xi32, #tpu.memory_space<hbm>>) dst(%arg5 : memref<8x128xi32, #tpu.memory_space<vmem>>)
      tpu.yield
    }) : () -> ()
    %dma_start3A = arith.constant 0 : i32
    %dma_start3A_1 = arith.constant 0 : i32
    %dma_start3A_2 = arith.constant 0 : i32
    %dma_start3A_3 = arith.constant 0 : i32
    %dma_start3A_4 = tpu.memref_slice %arg6[%dma_start3A_1, %dma_start3A_2, %dma_start3A_3] : memref<8x128x32xf32, #tpu.memory_space<vmem>> -> memref<1x128x32xf32, #tpu.memory_space<vmem>>
    %dma_start3A_5 = tpu.memref_squeeze %dma_start3A_4 : memref<1x128x32xf32, #tpu.memory_space<vmem>> -> memref<128x32xf32, #tpu.memory_space<vmem>>
    %dma_start3A_6 = arith.constant 0 : i32
    %dma_start3A_7 = tpu.memref_slice %arg5[%dma_start3A, %dma_start3A_6] : memref<8x128xi32, #tpu.memory_space<vmem>> -> memref<1x128xi32, #tpu.memory_space<vmem>>
    %dma_start3A_8 = tpu.memref_squeeze %dma_start3A_7 : memref<1x128xi32, #tpu.memory_space<vmem>> -> memref<128xi32, #tpu.memory_space<vmem>>
    %dma_start3A_9 = arith.constant 0 : i32
    %dma_start3A_10 = arith.constant 0 : i32
    %dma_start3A_11 = tpu.memref_slice %arg2[%dma_start3A_9, %dma_start3A_10] : memref<8192x32xf32, #tpu.memory_space<hbm>> -> memref<8192x32xf32, #tpu.memory_space<hbm>>
    tpu.enqueue_indirect_dma source(%dma_start3A_11 : memref<8192x32xf32, #tpu.memory_space<hbm>>) target(%dma_start3A_5 : memref<128x32xf32, #tpu.memory_space<vmem>>) offsets(%dma_start3A_8 : memref<128xi32, #tpu.memory_space<vmem>>) semaphore(%arg7 : memref<!tpu.dma_semaphore, #tpu.memory_space<semaphore_mem>>)
    %dma_start3A_12 = arith.constant 1 : i32
    %dma_start3A_13 = arith.constant 1 : i32
    %dma_start3A_14 = arith.constant 0 : i32
    %dma_start3A_15 = arith.constant 0 : i32
    %dma_start3A_16 = tpu.memref_slice %arg6[%dma_start3A_13, %dma_start3A_14, %dma_start3A_15] : memref<8x128x32xf32, #tpu.memory_space<vmem>> -> memref<1x128x32xf32, #tpu.memory_space<vmem>>
    %dma_start3A_17 = tpu.memref_squeeze %dma_start3A_16 : memref<1x128x32xf32, #tpu.memory_space<vmem>> -> memref<128x32xf32, #tpu.memory_space<vmem>>
    %dma_start3A_18 = arith.constant 0 : i32
    %dma_start3A_19 = tpu.memref_slice %arg5[%dma_start3A_12, %dma_start3A_18] : memref<8x128xi32, #tpu.memory_space<vmem>> -> memref<1x128xi32, #tpu.memory_space<vmem>>
    %dma_start3A_20 = tpu.memref_squeeze %dma_start3A_19 : memref<1x128xi32, #tpu.memory_space<vmem>> -> memref<128xi32, #tpu.memory_space<vmem>>
    %dma_start3A_21 = arith.constant 0 : i32
    %dma_start3A_22 = arith.constant 0 : i32
    %dma_start3A_23 = tpu.memref_slice %arg2[%dma_start3A_21, %dma_start3A_22] : memref<8192x32xf32, #tpu.memory_space<hbm>> -> memref<8192x32xf32, #tpu.memory_space<hbm>>
    tpu.enqueue_indirect_dma source(%dma_start3A_23 : memref<8192x32xf32, #tpu.memory_space<hbm>>) target(%dma_start3A_17 : memref<128x32xf32, #tpu.memory_space<vmem>>) offsets(%dma_start3A_20 : memref<128xi32, #tpu.memory_space<vmem>>) semaphore(%arg7 : memref<!tpu.dma_semaphore, #tpu.memory_space<semaphore_mem>>)
    %dma_start3A_24 = arith.constant 2 : i32
    %dma_start3A_25 = arith.constant 2 : i32
    %dma_start3A_26 = arith.constant 0 : i32
    %dma_start3A_27 = arith.constant 0 : i32
    %dma_start3A_28 = tpu.memref_slice %arg6[%dma_start3A_25, %dma_start3A_26, %dma_start3A_27] : memref<8x128x32xf32, #tpu.memory_space<vmem>> -> memref<1x128x32xf32, #tpu.memory_space<vmem>>
    %dma_start3A_29 = tpu.memref_squeeze %dma_start3A_28 : memref<1x128x32xf32, #tpu.memory_space<vmem>> -> memref<128x32xf32, #tpu.memory_space<vmem>>
    %dma_start3A_30 = arith.constant 0 : i32
    %dma_start3A_31 = tpu.memref_slice %arg5[%dma_start3A_24, %dma_start3A_30] : memref<8x128xi32, #tpu.memory_space<vmem>> -> memref<1x128xi32, #tpu.memory_space<vmem>>
    %dma_start3A_32 = tpu.memref_squeeze %dma_start3A_31 : memref<1x128xi32, #tpu.memory_space<vmem>> -> memref<128xi32, #tpu.memory_space<vmem>>
    %dma_start3A_33 = arith.constant 0 : i32
    %dma_start3A_34 = arith.constant 0 : i32
    %dma_start3A_35 = tpu.memref_slice %arg2[%dma_start3A_33, %dma_start3A_34] : memref<8192x32xf32, #tpu.memory_space<hbm>> -> memref<8192x32xf32, #tpu.memory_space<hbm>>
    tpu.enqueue_indirect_dma source(%dma_start3A_35 : memref<8192x32xf32, #tpu.memory_space<hbm>>) target(%dma_start3A_29 : memref<128x32xf32, #tpu.memory_space<vmem>>) offsets(%dma_start3A_32 : memref<128xi32, #tpu.memory_space<vmem>>) semaphore(%arg7 : memref<!tpu.dma_semaphore, #tpu.memory_space<semaphore_mem>>)
    %dma_start3A_36 = arith.constant 3 : i32
    %dma_start3A_37 = arith.constant 3 : i32
    %dma_start3A_38 = arith.constant 0 : i32
    %dma_start3A_39 = arith.constant 0 : i32
    %dma_start3A_40 = tpu.memref_slice %arg6[%dma_start3A_37, %dma_start3A_38, %dma_start3A_39] : memref<8x128x32xf32, #tpu.memory_space<vmem>> -> memref<1x128x32xf32, #tpu.memory_space<vmem>>
    %dma_start3A_41 = tpu.memref_squeeze %dma_start3A_40 : memref<1x128x32xf32, #tpu.memory_space<vmem>> -> memref<128x32xf32, #tpu.memory_space<vmem>>
    %dma_start3A_42 = arith.constant 0 : i32
    %dma_start3A_43 = tpu.memref_slice %arg5[%dma_start3A_36, %dma_start3A_42] : memref<8x128xi32, #tpu.memory_space<vmem>> -> memref<1x128xi32, #tpu.memory_space<vmem>>
    %dma_start3A_44 = tpu.memref_squeeze %dma_start3A_43 : memref<1x128xi32, #tpu.memory_space<vmem>> -> memref<128xi32, #tpu.memory_space<vmem>>
    %dma_start3A_45 = arith.constant 0 : i32
    %dma_start3A_46 = arith.constant 0 : i32
    %dma_start3A_47 = tpu.memref_slice %arg2[%dma_start3A_45, %dma_start3A_46] : memref<8192x32xf32, #tpu.memory_space<hbm>> -> memref<8192x32xf32, #tpu.memory_space<hbm>>
    tpu.enqueue_indirect_dma source(%dma_start3A_47 : memref<8192x32xf32, #tpu.memory_space<hbm>>) target(%dma_start3A_41 : memref<128x32xf32, #tpu.memory_space<vmem>>) offsets(%dma_start3A_44 : memref<128xi32, #tpu.memory_space<vmem>>) semaphore(%arg7 : memref<!tpu.dma_semaphore, #tpu.memory_space<semaphore_mem>>)
    %dma_start3A_48 = arith.constant 4 : i32
    %dma_start3A_49 = arith.constant 4 : i32
    %dma_start3A_50 = arith.constant 0 : i32
    %dma_start3A_51 = arith.constant 0 : i32
    %dma_start3A_52 = tpu.memref_slice %arg6[%dma_start3A_49, %dma_start3A_50, %dma_start3A_51] : memref<8x128x32xf32, #tpu.memory_space<vmem>> -> memref<1x128x32xf32, #tpu.memory_space<vmem>>
    %dma_start3A_53 = tpu.memref_squeeze %dma_start3A_52 : memref<1x128x32xf32, #tpu.memory_space<vmem>> -> memref<128x32xf32, #tpu.memory_space<vmem>>
    %dma_start3A_54 = arith.constant 0 : i32
    %dma_start3A_55 = tpu.memref_slice %arg5[%dma_start3A_48, %dma_start3A_54] : memref<8x128xi32, #tpu.memory_space<vmem>> -> memref<1x128xi32, #tpu.memory_space<vmem>>
    %dma_start3A_56 = tpu.memref_squeeze %dma_start3A_55 : memref<1x128xi32, #tpu.memory_space<vmem>> -> memref<128xi32, #tpu.memory_space<vmem>>
    %dma_start3A_57 = arith.constant 0 : i32
    %dma_start3A_58 = arith.constant 0 : i32
    %dma_start3A_59 = tpu.memref_slice %arg2[%dma_start3A_57, %dma_start3A_58] : memref<8192x32xf32, #tpu.memory_space<hbm>> -> memref<8192x32xf32, #tpu.memory_space<hbm>>
    tpu.enqueue_indirect_dma source(%dma_start3A_59 : memref<8192x32xf32, #tpu.memory_space<hbm>>) target(%dma_start3A_53 : memref<128x32xf32, #tpu.memory_space<vmem>>) offsets(%dma_start3A_56 : memref<128xi32, #tpu.memory_space<vmem>>) semaphore(%arg7 : memref<!tpu.dma_semaphore, #tpu.memory_space<semaphore_mem>>)
    %dma_start3A_60 = arith.constant 5 : i32
    %dma_start3A_61 = arith.constant 5 : i32
    %dma_start3A_62 = arith.constant 0 : i32
    %dma_start3A_63 = arith.constant 0 : i32
    %dma_start3A_64 = tpu.memref_slice %arg6[%dma_start3A_61, %dma_start3A_62, %dma_start3A_63] : memref<8x128x32xf32, #tpu.memory_space<vmem>> -> memref<1x128x32xf32, #tpu.memory_space<vmem>>
    %dma_start3A_65 = tpu.memref_squeeze %dma_start3A_64 : memref<1x128x32xf32, #tpu.memory_space<vmem>> -> memref<128x32xf32, #tpu.memory_space<vmem>>
    %dma_start3A_66 = arith.constant 0 : i32
    %dma_start3A_67 = tpu.memref_slice %arg5[%dma_start3A_60, %dma_start3A_66] : memref<8x128xi32, #tpu.memory_space<vmem>> -> memref<1x128xi32, #tpu.memory_space<vmem>>
    %dma_start3A_68 = tpu.memref_squeeze %dma_start3A_67 : memref<1x128xi32, #tpu.memory_space<vmem>> -> memref<128xi32, #tpu.memory_space<vmem>>
    %dma_start3A_69 = arith.constant 0 : i32
    %dma_start3A_70 = arith.constant 0 : i32
    %dma_start3A_71 = tpu.memref_slice %arg2[%dma_start3A_69, %dma_start3A_70] : memref<8192x32xf32, #tpu.memory_space<hbm>> -> memref<8192x32xf32, #tpu.memory_space<hbm>>
    tpu.enqueue_indirect_dma source(%dma_start3A_71 : memref<8192x32xf32, #tpu.memory_space<hbm>>) target(%dma_start3A_65 : memref<128x32xf32, #tpu.memory_space<vmem>>) offsets(%dma_start3A_68 : memref<128xi32, #tpu.memory_space<vmem>>) semaphore(%arg7 : memref<!tpu.dma_semaphore, #tpu.memory_space<semaphore_mem>>)
    %dma_start3A_72 = arith.constant 6 : i32
    %dma_start3A_73 = arith.constant 6 : i32
    %dma_start3A_74 = arith.constant 0 : i32
    %dma_start3A_75 = arith.constant 0 : i32
    %dma_start3A_76 = tpu.memref_slice %arg6[%dma_start3A_73, %dma_start3A_74, %dma_start3A_75] : memref<8x128x32xf32, #tpu.memory_space<vmem>> -> memref<1x128x32xf32, #tpu.memory_space<vmem>>
    %dma_start3A_77 = tpu.memref_squeeze %dma_start3A_76 : memref<1x128x32xf32, #tpu.memory_space<vmem>> -> memref<128x32xf32, #tpu.memory_space<vmem>>
    %dma_start3A_78 = arith.constant 0 : i32
    %dma_start3A_79 = tpu.memref_slice %arg5[%dma_start3A_72, %dma_start3A_78] : memref<8x128xi32, #tpu.memory_space<vmem>> -> memref<1x128xi32, #tpu.memory_space<vmem>>
    %dma_start3A_80 = tpu.memref_squeeze %dma_start3A_79 : memref<1x128xi32, #tpu.memory_space<vmem>> -> memref<128xi32, #tpu.memory_space<vmem>>
    %dma_start3A_81 = arith.constant 0 : i32
    %dma_start3A_82 = arith.constant 0 : i32
    %dma_start3A_83 = tpu.memref_slice %arg2[%dma_start3A_81, %dma_start3A_82] : memref<8192x32xf32, #tpu.memory_space<hbm>> -> memref<8192x32xf32, #tpu.memory_space<hbm>>
    tpu.enqueue_indirect_dma source(%dma_start3A_83 : memref<8192x32xf32, #tpu.memory_space<hbm>>) target(%dma_start3A_77 : memref<128x32xf32, #tpu.memory_space<vmem>>) offsets(%dma_start3A_80 : memref<128xi32, #tpu.memory_space<vmem>>) semaphore(%arg7 : memref<!tpu.dma_semaphore, #tpu.memory_space<semaphore_mem>>)
    %dma_start3A_84 = arith.constant 7 : i32
    %dma_start3A_85 = arith.constant 7 : i32
    %dma_start3A_86 = arith.constant 0 : i32
    %dma_start3A_87 = arith.constant 0 : i32
    %dma_start3A_88 = tpu.memref_slice %arg6[%dma_start3A_85, %dma_start3A_86, %dma_start3A_87] : memref<8x128x32xf32, #tpu.memory_space<vmem>> -> memref<1x128x32xf32, #tpu.memory_space<vmem>>
    %dma_start3A_89 = tpu.memref_squeeze %dma_start3A_88 : memref<1x128x32xf32, #tpu.memory_space<vmem>> -> memref<128x32xf32, #tpu.memory_space<vmem>>
    %dma_start3A_90 = arith.constant 0 : i32
    %dma_start3A_91 = tpu.memref_slice %arg5[%dma_start3A_84, %dma_start3A_90] : memref<8x128xi32, #tpu.memory_space<vmem>> -> memref<1x128xi32, #tpu.memory_space<vmem>>
    %dma_start3A_92 = tpu.memref_squeeze %dma_start3A_91 : memref<1x128xi32, #tpu.memory_space<vmem>> -> memref<128xi32, #tpu.memory_space<vmem>>
    %dma_start3A_93 = arith.constant 0 : i32
    %dma_start3A_94 = arith.constant 0 : i32
    %dma_start3A_95 = tpu.memref_slice %arg2[%dma_start3A_93, %dma_start3A_94] : memref<8192x32xf32, #tpu.memory_space<hbm>> -> memref<8192x32xf32, #tpu.memory_space<hbm>>
    tpu.enqueue_indirect_dma source(%dma_start3A_95 : memref<8192x32xf32, #tpu.memory_space<hbm>>) target(%dma_start3A_89 : memref<128x32xf32, #tpu.memory_space<vmem>>) offsets(%dma_start3A_92 : memref<128xi32, #tpu.memory_space<vmem>>) semaphore(%arg7 : memref<!tpu.dma_semaphore, #tpu.memory_space<semaphore_mem>>)
    %dma_wait3A = arith.constant 0 : i32
    %dma_wait3A_96 = arith.constant 0 : i32
    %dma_wait3A_97 = arith.constant 0 : i32
    %dma_wait3A_98 = arith.constant 0 : i32
    %dma_wait3A_99 = tpu.memref_slice %arg6[%dma_wait3A_96, %dma_wait3A_97, %dma_wait3A_98] : memref<8x128x32xf32, #tpu.memory_space<vmem>> -> memref<1x128x32xf32, #tpu.memory_space<vmem>>
    %dma_wait3A_100 = tpu.memref_squeeze %dma_wait3A_99 : memref<1x128x32xf32, #tpu.memory_space<vmem>> -> memref<128x32xf32, #tpu.memory_space<vmem>>
    %dma_wait3A_101 = arith.constant 0 : i32
    %dma_wait3A_102 = tpu.memref_slice %arg5[%dma_wait3A, %dma_wait3A_101] : memref<8x128xi32, #tpu.memory_space<vmem>> -> memref<1x128xi32, #tpu.memory_space<vmem>>
    %dma_wait3A_103 = tpu.memref_squeeze %dma_wait3A_102 : memref<1x128xi32, #tpu.memory_space<vmem>> -> memref<128xi32, #tpu.memory_space<vmem>>
    %dma_wait3A_104 = arith.constant 0 : i32
    %dma_wait3A_105 = arith.constant 0 : i32
    %dma_wait3A_106 = tpu.memref_slice %arg2[%dma_wait3A_104, %dma_wait3A_105] : memref<8192x32xf32, #tpu.memory_space<hbm>> -> memref<8192x32xf32, #tpu.memory_space<hbm>>
    tpu.wait_indirect_dma semaphore(%arg7 : memref<!tpu.dma_semaphore, #tpu.memory_space<semaphore_mem>>) src(%dma_wait3A_106 : memref<8192x32xf32, #tpu.memory_space<hbm>>) dst(%dma_wait3A_100 : memref<128x32xf32, #tpu.memory_space<vmem>>)
    %dma_wait3A_107 = arith.constant 1 : i32
    %dma_wait3A_108 = arith.constant 1 : i32
    %dma_wait3A_109 = arith.constant 0 : i32
    %dma_wait3A_110 = arith.constant 0 : i32
    %dma_wait3A_111 = tpu.memref_slice %arg6[%dma_wait3A_108, %dma_wait3A_109, %dma_wait3A_110] : memref<8x128x32xf32, #tpu.memory_space<vmem>> -> memref<1x128x32xf32, #tpu.memory_space<vmem>>
    %dma_wait3A_112 = tpu.memref_squeeze %dma_wait3A_111 : memref<1x128x32xf32, #tpu.memory_space<vmem>> -> memref<128x32xf32, #tpu.memory_space<vmem>>
    %dma_wait3A_113 = arith.constant 0 : i32
    %dma_wait3A_114 = tpu.memref_slice %arg5[%dma_wait3A_107, %dma_wait3A_113] : memref<8x128xi32, #tpu.memory_space<vmem>> -> memref<1x128xi32, #tpu.memory_space<vmem>>
    %dma_wait3A_115 = tpu.memref_squeeze %dma_wait3A_114 : memref<1x128xi32, #tpu.memory_space<vmem>> -> memref<128xi32, #tpu.memory_space<vmem>>
    %dma_wait3A_116 = arith.constant 0 : i32
    %dma_wait3A_117 = arith.constant 0 : i32
    %dma_wait3A_118 = tpu.memref_slice %arg2[%dma_wait3A_116, %dma_wait3A_117] : memref<8192x32xf32, #tpu.memory_space<hbm>> -> memref<8192x32xf32, #tpu.memory_space<hbm>>
    tpu.wait_indirect_dma semaphore(%arg7 : memref<!tpu.dma_semaphore, #tpu.memory_space<semaphore_mem>>) src(%dma_wait3A_118 : memref<8192x32xf32, #tpu.memory_space<hbm>>) dst(%dma_wait3A_112 : memref<128x32xf32, #tpu.memory_space<vmem>>)
    %dma_wait3A_119 = arith.constant 2 : i32
    %dma_wait3A_120 = arith.constant 2 : i32
    %dma_wait3A_121 = arith.constant 0 : i32
    %dma_wait3A_122 = arith.constant 0 : i32
    %dma_wait3A_123 = tpu.memref_slice %arg6[%dma_wait3A_120, %dma_wait3A_121, %dma_wait3A_122] : memref<8x128x32xf32, #tpu.memory_space<vmem>> -> memref<1x128x32xf32, #tpu.memory_space<vmem>>
    %dma_wait3A_124 = tpu.memref_squeeze %dma_wait3A_123 : memref<1x128x32xf32, #tpu.memory_space<vmem>> -> memref<128x32xf32, #tpu.memory_space<vmem>>
    %dma_wait3A_125 = arith.constant 0 : i32
    %dma_wait3A_126 = tpu.memref_slice %arg5[%dma_wait3A_119, %dma_wait3A_125] : memref<8x128xi32, #tpu.memory_space<vmem>> -> memref<1x128xi32, #tpu.memory_space<vmem>>
    %dma_wait3A_127 = tpu.memref_squeeze %dma_wait3A_126 : memref<1x128xi32, #tpu.memory_space<vmem>> -> memref<128xi32, #tpu.memory_space<vmem>>
    %dma_wait3A_128 = arith.constant 0 : i32
    %dma_wait3A_129 = arith.constant 0 : i32
    %dma_wait3A_130 = tpu.memref_slice %arg2[%dma_wait3A_128, %dma_wait3A_129] : memref<8192x32xf32, #tpu.memory_space<hbm>> -> memref<8192x32xf32, #tpu.memory_space<hbm>>
    tpu.wait_indirect_dma semaphore(%arg7 : memref<!tpu.dma_semaphore, #tpu.memory_space<semaphore_mem>>) src(%dma_wait3A_130 : memref<8192x32xf32, #tpu.memory_space<hbm>>) dst(%dma_wait3A_124 : memref<128x32xf32, #tpu.memory_space<vmem>>)
    %dma_wait3A_131 = arith.constant 3 : i32
    %dma_wait3A_132 = arith.constant 3 : i32
    %dma_wait3A_133 = arith.constant 0 : i32
    %dma_wait3A_134 = arith.constant 0 : i32
    %dma_wait3A_135 = tpu.memref_slice %arg6[%dma_wait3A_132, %dma_wait3A_133, %dma_wait3A_134] : memref<8x128x32xf32, #tpu.memory_space<vmem>> -> memref<1x128x32xf32, #tpu.memory_space<vmem>>
    %dma_wait3A_136 = tpu.memref_squeeze %dma_wait3A_135 : memref<1x128x32xf32, #tpu.memory_space<vmem>> -> memref<128x32xf32, #tpu.memory_space<vmem>>
    %dma_wait3A_137 = arith.constant 0 : i32
    %dma_wait3A_138 = tpu.memref_slice %arg5[%dma_wait3A_131, %dma_wait3A_137] : memref<8x128xi32, #tpu.memory_space<vmem>> -> memref<1x128xi32, #tpu.memory_space<vmem>>
    %dma_wait3A_139 = tpu.memref_squeeze %dma_wait3A_138 : memref<1x128xi32, #tpu.memory_space<vmem>> -> memref<128xi32, #tpu.memory_space<vmem>>
    %dma_wait3A_140 = arith.constant 0 : i32
    %dma_wait3A_141 = arith.constant 0 : i32
    %dma_wait3A_142 = tpu.memref_slice %arg2[%dma_wait3A_140, %dma_wait3A_141] : memref<8192x32xf32, #tpu.memory_space<hbm>> -> memref<8192x32xf32, #tpu.memory_space<hbm>>
    tpu.wait_indirect_dma semaphore(%arg7 : memref<!tpu.dma_semaphore, #tpu.memory_space<semaphore_mem>>) src(%dma_wait3A_142 : memref<8192x32xf32, #tpu.memory_space<hbm>>) dst(%dma_wait3A_136 : memref<128x32xf32, #tpu.memory_space<vmem>>)
    %dma_wait3A_143 = arith.constant 4 : i32
    %dma_wait3A_144 = arith.constant 4 : i32
    %dma_wait3A_145 = arith.constant 0 : i32
    %dma_wait3A_146 = arith.constant 0 : i32
    %dma_wait3A_147 = tpu.memref_slice %arg6[%dma_wait3A_144, %dma_wait3A_145, %dma_wait3A_146] : memref<8x128x32xf32, #tpu.memory_space<vmem>> -> memref<1x128x32xf32, #tpu.memory_space<vmem>>
    %dma_wait3A_148 = tpu.memref_squeeze %dma_wait3A_147 : memref<1x128x32xf32, #tpu.memory_space<vmem>> -> memref<128x32xf32, #tpu.memory_space<vmem>>
    %dma_wait3A_149 = arith.constant 0 : i32
    %dma_wait3A_150 = tpu.memref_slice %arg5[%dma_wait3A_143, %dma_wait3A_149] : memref<8x128xi32, #tpu.memory_space<vmem>> -> memref<1x128xi32, #tpu.memory_space<vmem>>
    %dma_wait3A_151 = tpu.memref_squeeze %dma_wait3A_150 : memref<1x128xi32, #tpu.memory_space<vmem>> -> memref<128xi32, #tpu.memory_space<vmem>>
    %dma_wait3A_152 = arith.constant 0 : i32
    %dma_wait3A_153 = arith.constant 0 : i32
    %dma_wait3A_154 = tpu.memref_slice %arg2[%dma_wait3A_152, %dma_wait3A_153] : memref<8192x32xf32, #tpu.memory_space<hbm>> -> memref<8192x32xf32, #tpu.memory_space<hbm>>
    tpu.wait_indirect_dma semaphore(%arg7 : memref<!tpu.dma_semaphore, #tpu.memory_space<semaphore_mem>>) src(%dma_wait3A_154 : memref<8192x32xf32, #tpu.memory_space<hbm>>) dst(%dma_wait3A_148 : memref<128x32xf32, #tpu.memory_space<vmem>>)
    %dma_wait3A_155 = arith.constant 5 : i32
    %dma_wait3A_156 = arith.constant 5 : i32
    %dma_wait3A_157 = arith.constant 0 : i32
    %dma_wait3A_158 = arith.constant 0 : i32
    %dma_wait3A_159 = tpu.memref_slice %arg6[%dma_wait3A_156, %dma_wait3A_157, %dma_wait3A_158] : memref<8x128x32xf32, #tpu.memory_space<vmem>> -> memref<1x128x32xf32, #tpu.memory_space<vmem>>
    %dma_wait3A_160 = tpu.memref_squeeze %dma_wait3A_159 : memref<1x128x32xf32, #tpu.memory_space<vmem>> -> memref<128x32xf32, #tpu.memory_space<vmem>>
    %dma_wait3A_161 = arith.constant 0 : i32
    %dma_wait3A_162 = tpu.memref_slice %arg5[%dma_wait3A_155, %dma_wait3A_161] : memref<8x128xi32, #tpu.memory_space<vmem>> -> memref<1x128xi32, #tpu.memory_space<vmem>>
    %dma_wait3A_163 = tpu.memref_squeeze %dma_wait3A_162 : memref<1x128xi32, #tpu.memory_space<vmem>> -> memref<128xi32, #tpu.memory_space<vmem>>
    %dma_wait3A_164 = arith.constant 0 : i32
    %dma_wait3A_165 = arith.constant 0 : i32
    %dma_wait3A_166 = tpu.memref_slice %arg2[%dma_wait3A_164, %dma_wait3A_165] : memref<8192x32xf32, #tpu.memory_space<hbm>> -> memref<8192x32xf32, #tpu.memory_space<hbm>>
    tpu.wait_indirect_dma semaphore(%arg7 : memref<!tpu.dma_semaphore, #tpu.memory_space<semaphore_mem>>) src(%dma_wait3A_166 : memref<8192x32xf32, #tpu.memory_space<hbm>>) dst(%dma_wait3A_160 : memref<128x32xf32, #tpu.memory_space<vmem>>)
    %dma_wait3A_167 = arith.constant 6 : i32
    %dma_wait3A_168 = arith.constant 6 : i32
    %dma_wait3A_169 = arith.constant 0 : i32
    %dma_wait3A_170 = arith.constant 0 : i32
    %dma_wait3A_171 = tpu.memref_slice %arg6[%dma_wait3A_168, %dma_wait3A_169, %dma_wait3A_170] : memref<8x128x32xf32, #tpu.memory_space<vmem>> -> memref<1x128x32xf32, #tpu.memory_space<vmem>>
    %dma_wait3A_172 = tpu.memref_squeeze %dma_wait3A_171 : memref<1x128x32xf32, #tpu.memory_space<vmem>> -> memref<128x32xf32, #tpu.memory_space<vmem>>
    %dma_wait3A_173 = arith.constant 0 : i32
    %dma_wait3A_174 = tpu.memref_slice %arg5[%dma_wait3A_167, %dma_wait3A_173] : memref<8x128xi32, #tpu.memory_space<vmem>> -> memref<1x128xi32, #tpu.memory_space<vmem>>
    %dma_wait3A_175 = tpu.memref_squeeze %dma_wait3A_174 : memref<1x128xi32, #tpu.memory_space<vmem>> -> memref<128xi32, #tpu.memory_space<vmem>>
    %dma_wait3A_176 = arith.constant 0 : i32
    %dma_wait3A_177 = arith.constant 0 : i32
    %dma_wait3A_178 = tpu.memref_slice %arg2[%dma_wait3A_176, %dma_wait3A_177] : memref<8192x32xf32, #tpu.memory_space<hbm>> -> memref<8192x32xf32, #tpu.memory_space<hbm>>
    tpu.wait_indirect_dma semaphore(%arg7 : memref<!tpu.dma_semaphore, #tpu.memory_space<semaphore_mem>>) src(%dma_wait3A_178 : memref<8192x32xf32, #tpu.memory_space<hbm>>) dst(%dma_wait3A_172 : memref<128x32xf32, #tpu.memory_space<vmem>>)
    %dma_wait3A_179 = arith.constant 7 : i32
    %dma_wait3A_180 = arith.constant 7 : i32
    %dma_wait3A_181 = arith.constant 0 : i32
    %dma_wait3A_182 = arith.constant 0 : i32
    %dma_wait3A_183 = tpu.memref_slice %arg6[%dma_wait3A_180, %dma_wait3A_181, %dma_wait3A_182] : memref<8x128x32xf32, #tpu.memory_space<vmem>> -> memref<1x128x32xf32, #tpu.memory_space<vmem>>
    %dma_wait3A_184 = tpu.memref_squeeze %dma_wait3A_183 : memref<1x128x32xf32, #tpu.memory_space<vmem>> -> memref<128x32xf32, #tpu.memory_space<vmem>>
    %dma_wait3A_185 = arith.constant 0 : i32
    %dma_wait3A_186 = tpu.memref_slice %arg5[%dma_wait3A_179, %dma_wait3A_185] : memref<8x128xi32, #tpu.memory_space<vmem>> -> memref<1x128xi32, #tpu.memory_space<vmem>>
    %dma_wait3A_187 = tpu.memref_squeeze %dma_wait3A_186 : memref<1x128xi32, #tpu.memory_space<vmem>> -> memref<128xi32, #tpu.memory_space<vmem>>
    %dma_wait3A_188 = arith.constant 0 : i32
    %dma_wait3A_189 = arith.constant 0 : i32
    %dma_wait3A_190 = tpu.memref_slice %arg2[%dma_wait3A_188, %dma_wait3A_189] : memref<8192x32xf32, #tpu.memory_space<hbm>> -> memref<8192x32xf32, #tpu.memory_space<hbm>>
    tpu.wait_indirect_dma semaphore(%arg7 : memref<!tpu.dma_semaphore, #tpu.memory_space<semaphore_mem>>) src(%dma_wait3A_190 : memref<8192x32xf32, #tpu.memory_space<hbm>>) dst(%dma_wait3A_184 : memref<128x32xf32, #tpu.memory_space<vmem>>)
    "tpu.region"() ({
      %run_scoped3A = tpu.sem_alloc : memref<!tpu.dma_semaphore, #tpu.memory_space<semaphore_mem>>
      %dma_start3A_191 = arith.constant 0 : i32
      %dma_start3A_192 = arith.constant 0 : i32
      %dma_start3A_193 = arith.constant 0 : i32
      %dma_start3A_194 = tpu.memref_slice %arg4[%add3A, %dma_start3A_191, %dma_start3A_192, %dma_start3A_193] : memref<32x8x128x32xf32, #tpu.memory_space<hbm>> -> memref<1x8x128x32xf32, #tpu.memory_space<hbm>>
      %dma_start3A_195 = tpu.memref_squeeze %dma_start3A_194 : memref<1x8x128x32xf32, #tpu.memory_space<hbm>> -> memref<8x128x32xf32, #tpu.memory_space<hbm>>
      %dma_start3A_196 = arith.constant 0 : i32
      %dma_start3A_197 = arith.constant 0 : i32
      %dma_start3A_198 = arith.constant 0 : i32
      %dma_start3A_199 = tpu.memref_slice %arg4[%add3A, %dma_start3A_196, %dma_start3A_197, %dma_start3A_198] : memref<32x8x128x32xf32, #tpu.memory_space<hbm>> -> memref<1x8x128x32xf32, #tpu.memory_space<hbm>>
      %dma_start3A_200 = tpu.memref_squeeze %dma_start3A_199 : memref<1x8x128x32xf32, #tpu.memory_space<hbm>> -> memref<8x128x32xf32, #tpu.memory_space<hbm>>
      tpu.enqueue_dma source(%arg6 : memref<8x128x32xf32, #tpu.memory_space<vmem>>) target(%dma_start3A_200 : memref<8x128x32xf32, #tpu.memory_space<hbm>>) target_semaphore(%run_scoped3A : memref<!tpu.dma_semaphore, #tpu.memory_space<semaphore_mem>>)
      %dma_wait3A_201 = arith.constant 0 : i32
      %dma_wait3A_202 = arith.constant 0 : i32
      %dma_wait3A_203 = arith.constant 0 : i32
      %dma_wait3A_204 = tpu.memref_slice %arg4[%add3A, %dma_wait3A_201, %dma_wait3A_202, %dma_wait3A_203] : memref<32x8x128x32xf32, #tpu.memory_space<hbm>> -> memref<1x8x128x32xf32, #tpu.memory_space<hbm>>
      %dma_wait3A_205 = tpu.memref_squeeze %dma_wait3A_204 : memref<1x8x128x32xf32, #tpu.memory_space<hbm>> -> memref<8x128x32xf32, #tpu.memory_space<hbm>>
      %dma_wait3A_206 = arith.constant 0 : i32
      %dma_wait3A_207 = arith.constant 0 : i32
      %dma_wait3A_208 = arith.constant 0 : i32
      %dma_wait3A_209 = tpu.memref_slice %arg4[%add3A, %dma_wait3A_206, %dma_wait3A_207, %dma_wait3A_208] : memref<32x8x128x32xf32, #tpu.memory_space<hbm>> -> memref<1x8x128x32xf32, #tpu.memory_space<hbm>>
      %dma_wait3A_210 = tpu.memref_squeeze %dma_wait3A_209 : memref<1x8x128x32xf32, #tpu.memory_space<hbm>> -> memref<8x128x32xf32, #tpu.memory_space<hbm>>
      tpu.wait_dma2 semaphore(%run_scoped3A : memref<!tpu.dma_semaphore, #tpu.memory_space<semaphore_mem>>) src(%arg6 : memref<8x128x32xf32, #tpu.memory_space<vmem>>) dst(%dma_wait3A_210 : memref<8x128x32xf32, #tpu.memory_space<hbm>>)
      tpu.yield
    }) : () -> ()
    return
  }
}

module attributes {stable_mosaic.version = 14 : i64} {
  func.func @_argmin_body(%arg0: i32, %arg1: memref<2048x32xf32, #tpu.memory_space<vmem>>, %arg2: memref<8192x32xf32, #tpu.memory_space<vmem>>, %arg3: memref<2048xi32, #tpu.memory_space<vmem>>, %arg4: memref<1x1xf32, #tpu.memory_space<vmem>>, %arg5: memref<8192xf32, #tpu.memory_space<vmem>>) attributes {dimension_semantics = [#tpu.dimension_semantics<arbitrary>], iteration_bounds = array<i64: 16>, scalar_prefetch = 0 : i64, scratch_operands = 1 : i64, tpu.core_type = #tpu.core_type<tc>, window_params = [{transform_indices = @transform_0, window_bounds = array<i64: 2048, 32>}, {pipeline_mode = #tpu.pipeline_mode<synchronous>, transform_indices = @transform_1, window_bounds = array<i64: 8192, 32>}, {transform_indices = @transform_2, window_bounds = array<i64: 2048>}, {pipeline_mode = #tpu.pipeline_mode<synchronous>, transform_indices = @transform_3, window_bounds = array<i64: 1, 1>}]} {
    %get3A = arith.constant 0 : index
    %get3A_0 = arith.constant 0 : index
    %get3A_1 = vector.load %arg1[%get3A, %get3A_0] : memref<2048x32xf32, #tpu.memory_space<vmem>>, vector<2048x32xf32>
    %mul3A = arith.mulf %get3A_1, %get3A_1 : vector<2048x32xf32>
    %reduce_sum3A = arith.constant dense<0.000000e+00> : vector<2048xf32>
    %reduce_sum3A_2 = vector.multi_reduction <add>, %mul3A, %reduce_sum3A [1] : vector<2048x32xf32> to vector<2048xf32>
    %broadcast_in_dim3A = vector.shape_cast %reduce_sum3A_2 : vector<2048xf32> to vector<2048x1xf32>
    %mul3A_3 = arith.constant -2.000000e+00 : f32
    %mul3A_4 = vector.broadcast %mul3A_3 : f32 to vector<2048x32xf32>
    %mul3A_5 = arith.mulf %get3A_1, %mul3A_4 : vector<2048x32xf32>
    %eq3A = arith.constant 0 : i32
    %eq3A_6 = arith.cmpi eq, %arg0, %eq3A : i32
    %convert_element_type3A = arith.extui %eq3A_6 : i1 to i32
    %cond3A = arith.constant 0 : i32
    %cond3A_7 = arith.cmpi ne, %convert_element_type3A, %cond3A : i32
    scf.if %cond3A_7 {
      %get3A_2687 = arith.constant 0 : index
      %get3A_2688 = arith.constant 0 : index
      %get3A_2689 = vector.load %arg2[%get3A_2687, %get3A_2688] : memref<8192x32xf32, #tpu.memory_space<vmem>>, vector<8192x32xf32>
      %mul3A_2690 = arith.mulf %get3A_2689, %get3A_2689 : vector<8192x32xf32>
      %reduce_sum3A_2691 = arith.constant dense<0.000000e+00> : vector<8192xf32>
      %reduce_sum3A_2692 = vector.multi_reduction <add>, %mul3A_2690, %reduce_sum3A_2691 [1] : vector<8192x32xf32> to vector<8192xf32>
      %swap3A_2693 = arith.constant 0 : index
      %swap3A_2694 = vector.load %arg5[%swap3A_2693] : memref<8192xf32, #tpu.memory_space<vmem>>, vector<8192xf32>
      tpu.vector_store %arg5[%swap3A_2693], %reduce_sum3A_2692 {strides = array<i32>} : memref<8192xf32, #tpu.memory_space<vmem>>, vector<8192xf32>,
    } else {
    }
    %broadcast_in_dim3A_8 = arith.constant 0x7F800000 : f32
    %broadcast_in_dim3A_9 = vector.broadcast %broadcast_in_dim3A_8 : f32 to vector<512x128xf32>
    %broadcast_in_dim3A_10 = arith.constant 0x7F800000 : f32
    %broadcast_in_dim3A_11 = vector.broadcast %broadcast_in_dim3A_10 : f32 to vector<512x128xf32>
    %broadcast_in_dim3A_12 = arith.constant 0x7F800000 : f32
    %broadcast_in_dim3A_13 = vector.broadcast %broadcast_in_dim3A_12 : f32 to vector<512x128xf32>
    %broadcast_in_dim3A_14 = arith.constant 0x7F800000 : f32
    %broadcast_in_dim3A_15 = vector.broadcast %broadcast_in_dim3A_14 : f32 to vector<512x128xf32>
    %broadcast_in_dim3A_16 = arith.constant 0 : i32
    %broadcast_in_dim3A_17 = vector.broadcast %broadcast_in_dim3A_16 : i32 to vector<512x128xi32>
    %broadcast_in_dim3A_18 = arith.constant 0 : i32
    %broadcast_in_dim3A_19 = vector.broadcast %broadcast_in_dim3A_18 : i32 to vector<512x128xi32>
    %broadcast_in_dim3A_20 = arith.constant 0 : i32
    %broadcast_in_dim3A_21 = vector.broadcast %broadcast_in_dim3A_20 : i32 to vector<512x128xi32>
    %broadcast_in_dim3A_22 = arith.constant 0 : i32
    %broadcast_in_dim3A_23 = vector.broadcast %broadcast_in_dim3A_22 : i32 to vector<512x128xi32>
    %get3A_24 = arith.constant 0 : index
    %get3A_25 = arith.constant 0 : index
    %get3A_26 = vector.load %arg2[%get3A_24, %get3A_25] : memref<8192x32xf32, #tpu.memory_space<vmem>>, vector<512x32xf32>
    %get3A_27 = arith.constant 0 : index
    %get3A_28 = vector.load %arg5[%get3A_27] : memref<8192xf32, #tpu.memory_space<vmem>>, vector<512xf32>
    %slice3A = vector.extract_strided_slice %mul3A_5 {offsets = [0, 0], sizes = [512, 32], strides = [1, 1]} : vector<2048x32xf32> to vector<512x32xf32>
    %slice3A_29 = vector.extract_strided_slice %broadcast_in_dim3A {offsets = [0, 0], sizes = [512, 1], strides = [1, 1]} : vector<2048x1xf32> to vector<512x1xf32>
    %dot_general3A = arith.constant dense<0.000000e+00> : vector<512x512xf32>
    %dot_general3A_30 = tpu.matmul %slice3A, %get3A_26, %dot_general3A {dimension_numbers = #tpu.dot_dimension_numbers<[1], [1], [0], [0], [0, 0, 1, 0], [], []>, transpose_lhs_hint = false} : vector<512x32xf32>, vector<512x32xf32>, vector<512x512xf32> -> vector<512x512xf32>
    %broadcast_in_dim3A_31 = vector.shape_cast %get3A_28 : vector<512xf32> to vector<1x512xf32>
    %add3A = vector.broadcast %slice3A_29 : vector<512x1xf32> to vector<512x512xf32>
    %add3A_32 = vector.broadcast %broadcast_in_dim3A_31 : vector<1x512xf32> to vector<512x512xf32>
    %add3A_33 = arith.addf %add3A, %add3A_32 : vector<512x512xf32>
    %add3A_34 = arith.addf %add3A_33, %dot_general3A_30 : vector<512x512xf32>
    %slice3A_35 = vector.extract_strided_slice %add3A_34 {offsets = [0, 0], sizes = [512, 128], strides = [1, 1]} : vector<512x512xf32> to vector<512x128xf32>
    %slice3A_36 = vector.extract_strided_slice %add3A_34 {offsets = [0, 128], sizes = [512, 128], strides = [1, 1]} : vector<512x512xf32> to vector<512x128xf32>
    %slice3A_37 = vector.extract_strided_slice %add3A_34 {offsets = [0, 256], sizes = [512, 128], strides = [1, 1]} : vector<512x512xf32> to vector<512x128xf32>
    %slice3A_38 = vector.extract_strided_slice %add3A_34 {offsets = [0, 384], sizes = [512, 128], strides = [1, 1]} : vector<512x512xf32> to vector<512x128xf32>
    %min3A = arith.minimumf %slice3A_35, %slice3A_36 : vector<512x128xf32>
    %lt3A = arith.cmpf olt, %slice3A_36, %slice3A_35 : vector<512x128xf32>
    %jit3A = arith.constant 128 : i32
    %jit3A_39 = arith.constant 0 : i32
    %broadcast_in_dim3A_40 = vector.broadcast %jit3A : i32 to vector<512x128xi32>
    %broadcast_in_dim3A_41 = vector.broadcast %jit3A_39 : i32 to vector<512x128xi32>
    %select_n3A = arith.select %lt3A, %broadcast_in_dim3A_40, %broadcast_in_dim3A_41 : vector<512x128xi1>, vector<512x128xi32>
    %min3A_42 = arith.minimumf %slice3A_37, %slice3A_38 : vector<512x128xf32>
    %lt3A_43 = arith.cmpf olt, %slice3A_38, %slice3A_37 : vector<512x128xf32>
    %jit3A_44 = arith.constant 384 : i32
    %jit3A_45 = arith.constant 256 : i32
    %broadcast_in_dim3A_46 = vector.broadcast %jit3A_44 : i32 to vector<512x128xi32>
    %broadcast_in_dim3A_47 = vector.broadcast %jit3A_45 : i32 to vector<512x128xi32>
    %select_n3A_48 = arith.select %lt3A_43, %broadcast_in_dim3A_46, %broadcast_in_dim3A_47 : vector<512x128xi1>, vector<512x128xi32>
    %min3A_49 = arith.minimumf %min3A, %min3A_42 : vector<512x128xf32>
    %lt3A_50 = arith.cmpf olt, %min3A_42, %min3A : vector<512x128xf32>
    %add3A_51 = arith.constant 0 : i32
    %add3A_52 = vector.broadcast %add3A_51 : i32 to vector<512x128xi32>
    %add3A_53 = arith.addi %select_n3A_48, %add3A_52 : vector<512x128xi32>
    %add3A_54 = arith.constant 0 : i32
    %add3A_55 = vector.broadcast %add3A_54 : i32 to vector<512x128xi32>
    %add3A_56 = arith.addi %select_n3A, %add3A_55 : vector<512x128xi32>
    %select_n3A_57 = arith.select %lt3A_50, %add3A_53, %add3A_56 : vector<512x128xi1>, vector<512x128xi32>
    %lt3A_58 = arith.cmpf olt, %min3A_49, %broadcast_in_dim3A_9 : vector<512x128xf32>
    %min3A_59 = arith.minimumf %broadcast_in_dim3A_9, %min3A_49 : vector<512x128xf32>
    %select_n3A_60 = arith.select %lt3A_58, %select_n3A_57, %broadcast_in_dim3A_17 : vector<512x128xi1>, vector<512x128xi32>
    %slice3A_61 = vector.extract_strided_slice %mul3A_5 {offsets = [512, 0], sizes = [512, 32], strides = [1, 1]} : vector<2048x32xf32> to vector<512x32xf32>
    %slice3A_62 = vector.extract_strided_slice %broadcast_in_dim3A {offsets = [512, 0], sizes = [512, 1], strides = [1, 1]} : vector<2048x1xf32> to vector<512x1xf32>
    %dot_general3A_63 = arith.constant dense<0.000000e+00> : vector<512x512xf32>
    %dot_general3A_64 = tpu.matmul %slice3A_61, %get3A_26, %dot_general3A_63 {dimension_numbers = #tpu.dot_dimension_numbers<[1], [1], [0], [0], [0, 0, 1, 0], [], []>, transpose_lhs_hint = false} : vector<512x32xf32>, vector<512x32xf32>, vector<512x512xf32> -> vector<512x512xf32>
    %broadcast_in_dim3A_65 = vector.shape_cast %get3A_28 : vector<512xf32> to vector<1x512xf32>
    %add3A_66 = vector.broadcast %slice3A_62 : vector<512x1xf32> to vector<512x512xf32>
    %add3A_67 = vector.broadcast %broadcast_in_dim3A_65 : vector<1x512xf32> to vector<512x512xf32>
    %add3A_68 = arith.addf %add3A_66, %add3A_67 : vector<512x512xf32>
    %add3A_69 = arith.addf %add3A_68, %dot_general3A_64 : vector<512x512xf32>
    %slice3A_70 = vector.extract_strided_slice %add3A_69 {offsets = [0, 0], sizes = [512, 128], strides = [1, 1]} : vector<512x512xf32> to vector<512x128xf32>
    %slice3A_71 = vector.extract_strided_slice %add3A_69 {offsets = [0, 128], sizes = [512, 128], strides = [1, 1]} : vector<512x512xf32> to vector<512x128xf32>
    %slice3A_72 = vector.extract_strided_slice %add3A_69 {offsets = [0, 256], sizes = [512, 128], strides = [1, 1]} : vector<512x512xf32> to vector<512x128xf32>
    %slice3A_73 = vector.extract_strided_slice %add3A_69 {offsets = [0, 384], sizes = [512, 128], strides = [1, 1]} : vector<512x512xf32> to vector<512x128xf32>
    %min3A_74 = arith.minimumf %slice3A_70, %slice3A_71 : vector<512x128xf32>
    %lt3A_75 = arith.cmpf olt, %slice3A_71, %slice3A_70 : vector<512x128xf32>
    %jit3A_76 = arith.constant 128 : i32
    %jit3A_77 = arith.constant 0 : i32
    %broadcast_in_dim3A_78 = vector.broadcast %jit3A_76 : i32 to vector<512x128xi32>
    %broadcast_in_dim3A_79 = vector.broadcast %jit3A_77 : i32 to vector<512x128xi32>
    %select_n3A_80 = arith.select %lt3A_75, %broadcast_in_dim3A_78, %broadcast_in_dim3A_79 : vector<512x128xi1>, vector<512x128xi32>
    %min3A_81 = arith.minimumf %slice3A_72, %slice3A_73 : vector<512x128xf32>
    %lt3A_82 = arith.cmpf olt, %slice3A_73, %slice3A_72 : vector<512x128xf32>
    %jit3A_83 = arith.constant 384 : i32
    %jit3A_84 = arith.constant 256 : i32
    %broadcast_in_dim3A_85 = vector.broadcast %jit3A_83 : i32 to vector<512x128xi32>
    %broadcast_in_dim3A_86 = vector.broadcast %jit3A_84 : i32 to vector<512x128xi32>
    %select_n3A_87 = arith.select %lt3A_82, %broadcast_in_dim3A_85, %broadcast_in_dim3A_86 : vector<512x128xi1>, vector<512x128xi32>
    %min3A_88 = arith.minimumf %min3A_74, %min3A_81 : vector<512x128xf32>
    %lt3A_89 = arith.cmpf olt, %min3A_81, %min3A_74 : vector<512x128xf32>
    %add3A_90 = arith.constant 0 : i32
    %add3A_91 = vector.broadcast %add3A_90 : i32 to vector<512x128xi32>
    %add3A_92 = arith.addi %select_n3A_87, %add3A_91 : vector<512x128xi32>
    %add3A_93 = arith.constant 0 : i32
    %add3A_94 = vector.broadcast %add3A_93 : i32 to vector<512x128xi32>
    %add3A_95 = arith.addi %select_n3A_80, %add3A_94 : vector<512x128xi32>
    %select_n3A_96 = arith.select %lt3A_89, %add3A_92, %add3A_95 : vector<512x128xi1>, vector<512x128xi32>
    %lt3A_97 = arith.cmpf olt, %min3A_88, %broadcast_in_dim3A_11 : vector<512x128xf32>
    %min3A_98 = arith.minimumf %broadcast_in_dim3A_11, %min3A_88 : vector<512x128xf32>
    %select_n3A_99 = arith.select %lt3A_97, %select_n3A_96, %broadcast_in_dim3A_19 : vector<512x128xi1>, vector<512x128xi32>
    %slice3A_100 = vector.extract_strided_slice %mul3A_5 {offsets = [1024, 0], sizes = [512, 32], strides = [1, 1]} : vector<2048x32xf32> to vector<512x32xf32>
    %slice3A_101 = vector.extract_strided_slice %broadcast_in_dim3A {offsets = [1024, 0], sizes = [512, 1], strides = [1, 1]} : vector<2048x1xf32> to vector<512x1xf32>
    %dot_general3A_102 = arith.constant dense<0.000000e+00> : vector<512x512xf32>
    %dot_general3A_103 = tpu.matmul %slice3A_100, %get3A_26, %dot_general3A_102 {dimension_numbers = #tpu.dot_dimension_numbers<[1], [1], [0], [0], [0, 0, 1, 0], [], []>, transpose_lhs_hint = false} : vector<512x32xf32>, vector<512x32xf32>, vector<512x512xf32> -> vector<512x512xf32>
    %broadcast_in_dim3A_104 = vector.shape_cast %get3A_28 : vector<512xf32> to vector<1x512xf32>
    %add3A_105 = vector.broadcast %slice3A_101 : vector<512x1xf32> to vector<512x512xf32>
    %add3A_106 = vector.broadcast %broadcast_in_dim3A_104 : vector<1x512xf32> to vector<512x512xf32>
    %add3A_107 = arith.addf %add3A_105, %add3A_106 : vector<512x512xf32>
    %add3A_108 = arith.addf %add3A_107, %dot_general3A_103 : vector<512x512xf32>
    %slice3A_109 = vector.extract_strided_slice %add3A_108 {offsets = [0, 0], sizes = [512, 128], strides = [1, 1]} : vector<512x512xf32> to vector<512x128xf32>
    %slice3A_110 = vector.extract_strided_slice %add3A_108 {offsets = [0, 128], sizes = [512, 128], strides = [1, 1]} : vector<512x512xf32> to vector<512x128xf32>
    %slice3A_111 = vector.extract_strided_slice %add3A_108 {offsets = [0, 256], sizes = [512, 128], strides = [1, 1]} : vector<512x512xf32> to vector<512x128xf32>
    %slice3A_112 = vector.extract_strided_slice %add3A_108 {offsets = [0, 384], sizes = [512, 128], strides = [1, 1]} : vector<512x512xf32> to vector<512x128xf32>
    %min3A_113 = arith.minimumf %slice3A_109, %slice3A_110 : vector<512x128xf32>
    %lt3A_114 = arith.cmpf olt, %slice3A_110, %slice3A_109 : vector<512x128xf32>
    %jit3A_115 = arith.constant 128 : i32
    %jit3A_116 = arith.constant 0 : i32
    %broadcast_in_dim3A_117 = vector.broadcast %jit3A_115 : i32 to vector<512x128xi32>
    %broadcast_in_dim3A_118 = vector.broadcast %jit3A_116 : i32 to vector<512x128xi32>
    %select_n3A_119 = arith.select %lt3A_114, %broadcast_in_dim3A_117, %broadcast_in_dim3A_118 : vector<512x128xi1>, vector<512x128xi32>
    %min3A_120 = arith.minimumf %slice3A_111, %slice3A_112 : vector<512x128xf32>
    %lt3A_121 = arith.cmpf olt, %slice3A_112, %slice3A_111 : vector<512x128xf32>
    %jit3A_122 = arith.constant 384 : i32
    %jit3A_123 = arith.constant 256 : i32
    %broadcast_in_dim3A_124 = vector.broadcast %jit3A_122 : i32 to vector<512x128xi32>
    %broadcast_in_dim3A_125 = vector.broadcast %jit3A_123 : i32 to vector<512x128xi32>
    %select_n3A_126 = arith.select %lt3A_121, %broadcast_in_dim3A_124, %broadcast_in_dim3A_125 : vector<512x128xi1>, vector<512x128xi32>
    %min3A_127 = arith.minimumf %min3A_113, %min3A_120 : vector<512x128xf32>
    %lt3A_128 = arith.cmpf olt, %min3A_120, %min3A_113 : vector<512x128xf32>
    %add3A_129 = arith.constant 0 : i32
    %add3A_130 = vector.broadcast %add3A_129 : i32 to vector<512x128xi32>
    %add3A_131 = arith.addi %select_n3A_126, %add3A_130 : vector<512x128xi32>
    %add3A_132 = arith.constant 0 : i32
    %add3A_133 = vector.broadcast %add3A_132 : i32 to vector<512x128xi32>
    %add3A_134 = arith.addi %select_n3A_119, %add3A_133 : vector<512x128xi32>
    %select_n3A_135 = arith.select %lt3A_128, %add3A_131, %add3A_134 : vector<512x128xi1>, vector<512x128xi32>
    %lt3A_136 = arith.cmpf olt, %min3A_127, %broadcast_in_dim3A_13 : vector<512x128xf32>
    %min3A_137 = arith.minimumf %broadcast_in_dim3A_13, %min3A_127 : vector<512x128xf32>
    %select_n3A_138 = arith.select %lt3A_136, %select_n3A_135, %broadcast_in_dim3A_21 : vector<512x128xi1>, vector<512x128xi32>
    %slice3A_139 = vector.extract_strided_slice %mul3A_5 {offsets = [1536, 0], sizes = [512, 32], strides = [1, 1]} : vector<2048x32xf32> to vector<512x32xf32>
    %slice3A_140 = vector.extract_strided_slice %broadcast_in_dim3A {offsets = [1536, 0], sizes = [512, 1], strides = [1, 1]} : vector<2048x1xf32> to vector<512x1xf32>
    %dot_general3A_141 = arith.constant dense<0.000000e+00> : vector<512x512xf32>
    %dot_general3A_142 = tpu.matmul %slice3A_139, %get3A_26, %dot_general3A_141 {dimension_numbers = #tpu.dot_dimension_numbers<[1], [1], [0], [0], [0, 0, 1, 0], [], []>, transpose_lhs_hint = false} : vector<512x32xf32>, vector<512x32xf32>, vector<512x512xf32> -> vector<512x512xf32>
    %broadcast_in_dim3A_143 = vector.shape_cast %get3A_28 : vector<512xf32> to vector<1x512xf32>
    %add3A_144 = vector.broadcast %slice3A_140 : vector<512x1xf32> to vector<512x512xf32>
    %add3A_145 = vector.broadcast %broadcast_in_dim3A_143 : vector<1x512xf32> to vector<512x512xf32>
    %add3A_146 = arith.addf %add3A_144, %add3A_145 : vector<512x512xf32>
    %add3A_147 = arith.addf %add3A_146, %dot_general3A_142 : vector<512x512xf32>
    %slice3A_148 = vector.extract_strided_slice %add3A_147 {offsets = [0, 0], sizes = [512, 128], strides = [1, 1]} : vector<512x512xf32> to vector<512x128xf32>
    %slice3A_149 = vector.extract_strided_slice %add3A_147 {offsets = [0, 128], sizes = [512, 128], strides = [1, 1]} : vector<512x512xf32> to vector<512x128xf32>
    %slice3A_150 = vector.extract_strided_slice %add3A_147 {offsets = [0, 256], sizes = [512, 128], strides = [1, 1]} : vector<512x512xf32> to vector<512x128xf32>
    %slice3A_151 = vector.extract_strided_slice %add3A_147 {offsets = [0, 384], sizes = [512, 128], strides = [1, 1]} : vector<512x512xf32> to vector<512x128xf32>
    %min3A_152 = arith.minimumf %slice3A_148, %slice3A_149 : vector<512x128xf32>
    %lt3A_153 = arith.cmpf olt, %slice3A_149, %slice3A_148 : vector<512x128xf32>
    %jit3A_154 = arith.constant 128 : i32
    %jit3A_155 = arith.constant 0 : i32
    %broadcast_in_dim3A_156 = vector.broadcast %jit3A_154 : i32 to vector<512x128xi32>
    %broadcast_in_dim3A_157 = vector.broadcast %jit3A_155 : i32 to vector<512x128xi32>
    %select_n3A_158 = arith.select %lt3A_153, %broadcast_in_dim3A_156, %broadcast_in_dim3A_157 : vector<512x128xi1>, vector<512x128xi32>
    %min3A_159 = arith.minimumf %slice3A_150, %slice3A_151 : vector<512x128xf32>
    %lt3A_160 = arith.cmpf olt, %slice3A_151, %slice3A_150 : vector<512x128xf32>
    %jit3A_161 = arith.constant 384 : i32
    %jit3A_162 = arith.constant 256 : i32
    %broadcast_in_dim3A_163 = vector.broadcast %jit3A_161 : i32 to vector<512x128xi32>
    %broadcast_in_dim3A_164 = vector.broadcast %jit3A_162 : i32 to vector<512x128xi32>
    %select_n3A_165 = arith.select %lt3A_160, %broadcast_in_dim3A_163, %broadcast_in_dim3A_164 : vector<512x128xi1>, vector<512x128xi32>
    %min3A_166 = arith.minimumf %min3A_152, %min3A_159 : vector<512x128xf32>
    %lt3A_167 = arith.cmpf olt, %min3A_159, %min3A_152 : vector<512x128xf32>
    %add3A_168 = arith.constant 0 : i32
    %add3A_169 = vector.broadcast %add3A_168 : i32 to vector<512x128xi32>
    %add3A_170 = arith.addi %select_n3A_165, %add3A_169 : vector<512x128xi32>
    %add3A_171 = arith.constant 0 : i32
    %add3A_172 = vector.broadcast %add3A_171 : i32 to vector<512x128xi32>
    %add3A_173 = arith.addi %select_n3A_158, %add3A_172 : vector<512x128xi32>
    %select_n3A_174 = arith.select %lt3A_167, %add3A_170, %add3A_173 : vector<512x128xi1>, vector<512x128xi32>
    %lt3A_175 = arith.cmpf olt, %min3A_166, %broadcast_in_dim3A_15 : vector<512x128xf32>
    %min3A_176 = arith.minimumf %broadcast_in_dim3A_15, %min3A_166 : vector<512x128xf32>
    %select_n3A_177 = arith.select %lt3A_175, %select_n3A_174, %broadcast_in_dim3A_23 : vector<512x128xi1>, vector<512x128xi32>
    %get3A_178 = arith.constant 512 : index
    %get3A_179 = arith.constant 0 : index
    %get3A_180 = vector.load %arg2[%get3A_178, %get3A_179] : memref<8192x32xf32, #tpu.memory_space<vmem>>, vector<512x32xf32>
    %get3A_181 = arith.constant 512 : index
    %get3A_182 = vector.load %arg5[%get3A_181] : memref<8192xf32, #tpu.memory_space<vmem>>, vector<512xf32>
    %slice3A_183 = vector.extract_strided_slice %mul3A_5 {offsets = [0, 0], sizes = [512, 32], strides = [1, 1]} : vector<2048x32xf32> to vector<512x32xf32>
    %slice3A_184 = vector.extract_strided_slice %broadcast_in_dim3A {offsets = [0, 0], sizes = [512, 1], strides = [1, 1]} : vector<2048x1xf32> to vector<512x1xf32>
    %dot_general3A_185 = arith.constant dense<0.000000e+00> : vector<512x512xf32>
    %dot_general3A_186 = tpu.matmul %slice3A_183, %get3A_180, %dot_general3A_185 {dimension_numbers = #tpu.dot_dimension_numbers<[1], [1], [0], [0], [0, 0, 1, 0], [], []>, transpose_lhs_hint = false} : vector<512x32xf32>, vector<512x32xf32>, vector<512x512xf32> -> vector<512x512xf32>
    %broadcast_in_dim3A_187 = vector.shape_cast %get3A_182 : vector<512xf32> to vector<1x512xf32>
    %add3A_188 = vector.broadcast %slice3A_184 : vector<512x1xf32> to vector<512x512xf32>
    %add3A_189 = vector.broadcast %broadcast_in_dim3A_187 : vector<1x512xf32> to vector<512x512xf32>
    %add3A_190 = arith.addf %add3A_188, %add3A_189 : vector<512x512xf32>
    %add3A_191 = arith.addf %add3A_190, %dot_general3A_186 : vector<512x512xf32>
    %slice3A_192 = vector.extract_strided_slice %add3A_191 {offsets = [0, 0], sizes = [512, 128], strides = [1, 1]} : vector<512x512xf32> to vector<512x128xf32>
    %slice3A_193 = vector.extract_strided_slice %add3A_191 {offsets = [0, 128], sizes = [512, 128], strides = [1, 1]} : vector<512x512xf32> to vector<512x128xf32>
    %slice3A_194 = vector.extract_strided_slice %add3A_191 {offsets = [0, 256], sizes = [512, 128], strides = [1, 1]} : vector<512x512xf32> to vector<512x128xf32>
    %slice3A_195 = vector.extract_strided_slice %add3A_191 {offsets = [0, 384], sizes = [512, 128], strides = [1, 1]} : vector<512x512xf32> to vector<512x128xf32>
    %min3A_196 = arith.minimumf %slice3A_192, %slice3A_193 : vector<512x128xf32>
    %lt3A_197 = arith.cmpf olt, %slice3A_193, %slice3A_192 : vector<512x128xf32>
    %jit3A_198 = arith.constant 128 : i32
    %jit3A_199 = arith.constant 0 : i32
    %broadcast_in_dim3A_200 = vector.broadcast %jit3A_198 : i32 to vector<512x128xi32>
    %broadcast_in_dim3A_201 = vector.broadcast %jit3A_199 : i32 to vector<512x128xi32>
    %select_n3A_202 = arith.select %lt3A_197, %broadcast_in_dim3A_200, %broadcast_in_dim3A_201 : vector<512x128xi1>, vector<512x128xi32>
    %min3A_203 = arith.minimumf %slice3A_194, %slice3A_195 : vector<512x128xf32>
    %lt3A_204 = arith.cmpf olt, %slice3A_195, %slice3A_194 : vector<512x128xf32>
    %jit3A_205 = arith.constant 384 : i32
    %jit3A_206 = arith.constant 256 : i32
    %broadcast_in_dim3A_207 = vector.broadcast %jit3A_205 : i32 to vector<512x128xi32>
    %broadcast_in_dim3A_208 = vector.broadcast %jit3A_206 : i32 to vector<512x128xi32>
    %select_n3A_209 = arith.select %lt3A_204, %broadcast_in_dim3A_207, %broadcast_in_dim3A_208 : vector<512x128xi1>, vector<512x128xi32>
    %min3A_210 = arith.minimumf %min3A_196, %min3A_203 : vector<512x128xf32>
    %lt3A_211 = arith.cmpf olt, %min3A_203, %min3A_196 : vector<512x128xf32>
    %add3A_212 = arith.constant 512 : i32
    %add3A_213 = vector.broadcast %add3A_212 : i32 to vector<512x128xi32>
    %add3A_214 = arith.addi %select_n3A_209, %add3A_213 : vector<512x128xi32>
    %add3A_215 = arith.constant 512 : i32
    %add3A_216 = vector.broadcast %add3A_215 : i32 to vector<512x128xi32>
    %add3A_217 = arith.addi %select_n3A_202, %add3A_216 : vector<512x128xi32>
    %select_n3A_218 = arith.select %lt3A_211, %add3A_214, %add3A_217 : vector<512x128xi1>, vector<512x128xi32>
    %lt3A_219 = arith.cmpf olt, %min3A_210, %min3A_59 : vector<512x128xf32>
    %min3A_220 = arith.minimumf %min3A_59, %min3A_210 : vector<512x128xf32>
    %select_n3A_221 = arith.select %lt3A_219, %select_n3A_218, %select_n3A_60 : vector<512x128xi1>, vector<512x128xi32>
    %slice3A_222 = vector.extract_strided_slice %mul3A_5 {offsets = [512, 0], sizes = [512, 32], strides = [1, 1]} : vector<2048x32xf32> to vector<512x32xf32>
    %slice3A_223 = vector.extract_strided_slice %broadcast_in_dim3A {offsets = [512, 0], sizes = [512, 1], strides = [1, 1]} : vector<2048x1xf32> to vector<512x1xf32>
    %dot_general3A_224 = arith.constant dense<0.000000e+00> : vector<512x512xf32>
    %dot_general3A_225 = tpu.matmul %slice3A_222, %get3A_180, %dot_general3A_224 {dimension_numbers = #tpu.dot_dimension_numbers<[1], [1], [0], [0], [0, 0, 1, 0], [], []>, transpose_lhs_hint = false} : vector<512x32xf32>, vector<512x32xf32>, vector<512x512xf32> -> vector<512x512xf32>
    %broadcast_in_dim3A_226 = vector.shape_cast %get3A_182 : vector<512xf32> to vector<1x512xf32>
    %add3A_227 = vector.broadcast %slice3A_223 : vector<512x1xf32> to vector<512x512xf32>
    %add3A_228 = vector.broadcast %broadcast_in_dim3A_226 : vector<1x512xf32> to vector<512x512xf32>
    %add3A_229 = arith.addf %add3A_227, %add3A_228 : vector<512x512xf32>
    %add3A_230 = arith.addf %add3A_229, %dot_general3A_225 : vector<512x512xf32>
    %slice3A_231 = vector.extract_strided_slice %add3A_230 {offsets = [0, 0], sizes = [512, 128], strides = [1, 1]} : vector<512x512xf32> to vector<512x128xf32>
    %slice3A_232 = vector.extract_strided_slice %add3A_230 {offsets = [0, 128], sizes = [512, 128], strides = [1, 1]} : vector<512x512xf32> to vector<512x128xf32>
    %slice3A_233 = vector.extract_strided_slice %add3A_230 {offsets = [0, 256], sizes = [512, 128], strides = [1, 1]} : vector<512x512xf32> to vector<512x128xf32>
    %slice3A_234 = vector.extract_strided_slice %add3A_230 {offsets = [0, 384], sizes = [512, 128], strides = [1, 1]} : vector<512x512xf32> to vector<512x128xf32>
    %min3A_235 = arith.minimumf %slice3A_231, %slice3A_232 : vector<512x128xf32>
    %lt3A_236 = arith.cmpf olt, %slice3A_232, %slice3A_231 : vector<512x128xf32>
    %jit3A_237 = arith.constant 128 : i32
    %jit3A_238 = arith.constant 0 : i32
    %broadcast_in_dim3A_239 = vector.broadcast %jit3A_237 : i32 to vector<512x128xi32>
    %broadcast_in_dim3A_240 = vector.broadcast %jit3A_238 : i32 to vector<512x128xi32>
    %select_n3A_241 = arith.select %lt3A_236, %broadcast_in_dim3A_239, %broadcast_in_dim3A_240 : vector<512x128xi1>, vector<512x128xi32>
    %min3A_242 = arith.minimumf %slice3A_233, %slice3A_234 : vector<512x128xf32>
    %lt3A_243 = arith.cmpf olt, %slice3A_234, %slice3A_233 : vector<512x128xf32>
    %jit3A_244 = arith.constant 384 : i32
    %jit3A_245 = arith.constant 256 : i32
    %broadcast_in_dim3A_246 = vector.broadcast %jit3A_244 : i32 to vector<512x128xi32>
    %broadcast_in_dim3A_247 = vector.broadcast %jit3A_245 : i32 to vector<512x128xi32>
    %select_n3A_248 = arith.select %lt3A_243, %broadcast_in_dim3A_246, %broadcast_in_dim3A_247 : vector<512x128xi1>, vector<512x128xi32>
    %min3A_249 = arith.minimumf %min3A_235, %min3A_242 : vector<512x128xf32>
    %lt3A_250 = arith.cmpf olt, %min3A_242, %min3A_235 : vector<512x128xf32>
    %add3A_251 = arith.constant 512 : i32
    %add3A_252 = vector.broadcast %add3A_251 : i32 to vector<512x128xi32>
    %add3A_253 = arith.addi %select_n3A_248, %add3A_252 : vector<512x128xi32>
    %add3A_254 = arith.constant 512 : i32
    %add3A_255 = vector.broadcast %add3A_254 : i32 to vector<512x128xi32>
    %add3A_256 = arith.addi %select_n3A_241, %add3A_255 : vector<512x128xi32>
    %select_n3A_257 = arith.select %lt3A_250, %add3A_253, %add3A_256 : vector<512x128xi1>, vector<512x128xi32>
    %lt3A_258 = arith.cmpf olt, %min3A_249, %min3A_98 : vector<512x128xf32>
    %min3A_259 = arith.minimumf %min3A_98, %min3A_249 : vector<512x128xf32>
    %select_n3A_260 = arith.select %lt3A_258, %select_n3A_257, %select_n3A_99 : vector<512x128xi1>, vector<512x128xi32>
    %slice3A_261 = vector.extract_strided_slice %mul3A_5 {offsets = [1024, 0], sizes = [512, 32], strides = [1, 1]} : vector<2048x32xf32> to vector<512x32xf32>
    %slice3A_262 = vector.extract_strided_slice %broadcast_in_dim3A {offsets = [1024, 0], sizes = [512, 1], strides = [1, 1]} : vector<2048x1xf32> to vector<512x1xf32>
    %dot_general3A_263 = arith.constant dense<0.000000e+00> : vector<512x512xf32>
    %dot_general3A_264 = tpu.matmul %slice3A_261, %get3A_180, %dot_general3A_263 {dimension_numbers = #tpu.dot_dimension_numbers<[1], [1], [0], [0], [0, 0, 1, 0], [], []>, transpose_lhs_hint = false} : vector<512x32xf32>, vector<512x32xf32>, vector<512x512xf32> -> vector<512x512xf32>
    %broadcast_in_dim3A_265 = vector.shape_cast %get3A_182 : vector<512xf32> to vector<1x512xf32>
    %add3A_266 = vector.broadcast %slice3A_262 : vector<512x1xf32> to vector<512x512xf32>
    %add3A_267 = vector.broadcast %broadcast_in_dim3A_265 : vector<1x512xf32> to vector<512x512xf32>
    %add3A_268 = arith.addf %add3A_266, %add3A_267 : vector<512x512xf32>
    %add3A_269 = arith.addf %add3A_268, %dot_general3A_264 : vector<512x512xf32>
    %slice3A_270 = vector.extract_strided_slice %add3A_269 {offsets = [0, 0], sizes = [512, 128], strides = [1, 1]} : vector<512x512xf32> to vector<512x128xf32>
    %slice3A_271 = vector.extract_strided_slice %add3A_269 {offsets = [0, 128], sizes = [512, 128], strides = [1, 1]} : vector<512x512xf32> to vector<512x128xf32>
    %slice3A_272 = vector.extract_strided_slice %add3A_269 {offsets = [0, 256], sizes = [512, 128], strides = [1, 1]} : vector<512x512xf32> to vector<512x128xf32>
    %slice3A_273 = vector.extract_strided_slice %add3A_269 {offsets = [0, 384], sizes = [512, 128], strides = [1, 1]} : vector<512x512xf32> to vector<512x128xf32>
    %min3A_274 = arith.minimumf %slice3A_270, %slice3A_271 : vector<512x128xf32>
    %lt3A_275 = arith.cmpf olt, %slice3A_271, %slice3A_270 : vector<512x128xf32>
    %jit3A_276 = arith.constant 128 : i32
    %jit3A_277 = arith.constant 0 : i32
    %broadcast_in_dim3A_278 = vector.broadcast %jit3A_276 : i32 to vector<512x128xi32>
    %broadcast_in_dim3A_279 = vector.broadcast %jit3A_277 : i32 to vector<512x128xi32>
    %select_n3A_280 = arith.select %lt3A_275, %broadcast_in_dim3A_278, %broadcast_in_dim3A_279 : vector<512x128xi1>, vector<512x128xi32>
    %min3A_281 = arith.minimumf %slice3A_272, %slice3A_273 : vector<512x128xf32>
    %lt3A_282 = arith.cmpf olt, %slice3A_273, %slice3A_272 : vector<512x128xf32>
    %jit3A_283 = arith.constant 384 : i32
    %jit3A_284 = arith.constant 256 : i32
    %broadcast_in_dim3A_285 = vector.broadcast %jit3A_283 : i32 to vector<512x128xi32>
    %broadcast_in_dim3A_286 = vector.broadcast %jit3A_284 : i32 to vector<512x128xi32>
    %select_n3A_287 = arith.select %lt3A_282, %broadcast_in_dim3A_285, %broadcast_in_dim3A_286 : vector<512x128xi1>, vector<512x128xi32>
    %min3A_288 = arith.minimumf %min3A_274, %min3A_281 : vector<512x128xf32>
    %lt3A_289 = arith.cmpf olt, %min3A_281, %min3A_274 : vector<512x128xf32>
    %add3A_290 = arith.constant 512 : i32
    %add3A_291 = vector.broadcast %add3A_290 : i32 to vector<512x128xi32>
    %add3A_292 = arith.addi %select_n3A_287, %add3A_291 : vector<512x128xi32>
    %add3A_293 = arith.constant 512 : i32
    %add3A_294 = vector.broadcast %add3A_293 : i32 to vector<512x128xi32>
    %add3A_295 = arith.addi %select_n3A_280, %add3A_294 : vector<512x128xi32>
    %select_n3A_296 = arith.select %lt3A_289, %add3A_292, %add3A_295 : vector<512x128xi1>, vector<512x128xi32>
    %lt3A_297 = arith.cmpf olt, %min3A_288, %min3A_137 : vector<512x128xf32>
    %min3A_298 = arith.minimumf %min3A_137, %min3A_288 : vector<512x128xf32>
    %select_n3A_299 = arith.select %lt3A_297, %select_n3A_296, %select_n3A_138 : vector<512x128xi1>, vector<512x128xi32>
    %slice3A_300 = vector.extract_strided_slice %mul3A_5 {offsets = [1536, 0], sizes = [512, 32], strides = [1, 1]} : vector<2048x32xf32> to vector<512x32xf32>
    %slice3A_301 = vector.extract_strided_slice %broadcast_in_dim3A {offsets = [1536, 0], sizes = [512, 1], strides = [1, 1]} : vector<2048x1xf32> to vector<512x1xf32>
    %dot_general3A_302 = arith.constant dense<0.000000e+00> : vector<512x512xf32>
    %dot_general3A_303 = tpu.matmul %slice3A_300, %get3A_180, %dot_general3A_302 {dimension_numbers = #tpu.dot_dimension_numbers<[1], [1], [0], [0], [0, 0, 1, 0], [], []>, transpose_lhs_hint = false} : vector<512x32xf32>, vector<512x32xf32>, vector<512x512xf32> -> vector<512x512xf32>
    %broadcast_in_dim3A_304 = vector.shape_cast %get3A_182 : vector<512xf32> to vector<1x512xf32>
    %add3A_305 = vector.broadcast %slice3A_301 : vector<512x1xf32> to vector<512x512xf32>
    %add3A_306 = vector.broadcast %broadcast_in_dim3A_304 : vector<1x512xf32> to vector<512x512xf32>
    %add3A_307 = arith.addf %add3A_305, %add3A_306 : vector<512x512xf32>
    %add3A_308 = arith.addf %add3A_307, %dot_general3A_303 : vector<512x512xf32>
    %slice3A_309 = vector.extract_strided_slice %add3A_308 {offsets = [0, 0], sizes = [512, 128], strides = [1, 1]} : vector<512x512xf32> to vector<512x128xf32>
    %slice3A_310 = vector.extract_strided_slice %add3A_308 {offsets = [0, 128], sizes = [512, 128], strides = [1, 1]} : vector<512x512xf32> to vector<512x128xf32>
    %slice3A_311 = vector.extract_strided_slice %add3A_308 {offsets = [0, 256], sizes = [512, 128], strides = [1, 1]} : vector<512x512xf32> to vector<512x128xf32>
    %slice3A_312 = vector.extract_strided_slice %add3A_308 {offsets = [0, 384], sizes = [512, 128], strides = [1, 1]} : vector<512x512xf32> to vector<512x128xf32>
    %min3A_313 = arith.minimumf %slice3A_309, %slice3A_310 : vector<512x128xf32>
    %lt3A_314 = arith.cmpf olt, %slice3A_310, %slice3A_309 : vector<512x128xf32>
    %jit3A_315 = arith.constant 128 : i32
    %jit3A_316 = arith.constant 0 : i32
    %broadcast_in_dim3A_317 = vector.broadcast %jit3A_315 : i32 to vector<512x128xi32>
    %broadcast_in_dim3A_318 = vector.broadcast %jit3A_316 : i32 to vector<512x128xi32>
    %select_n3A_319 = arith.select %lt3A_314, %broadcast_in_dim3A_317, %broadcast_in_dim3A_318 : vector<512x128xi1>, vector<512x128xi32>
    %min3A_320 = arith.minimumf %slice3A_311, %slice3A_312 : vector<512x128xf32>
    %lt3A_321 = arith.cmpf olt, %slice3A_312, %slice3A_311 : vector<512x128xf32>
    %jit3A_322 = arith.constant 384 : i32
    %jit3A_323 = arith.constant 256 : i32
    %broadcast_in_dim3A_324 = vector.broadcast %jit3A_322 : i32 to vector<512x128xi32>
    %broadcast_in_dim3A_325 = vector.broadcast %jit3A_323 : i32 to vector<512x128xi32>
    %select_n3A_326 = arith.select %lt3A_321, %broadcast_in_dim3A_324, %broadcast_in_dim3A_325 : vector<512x128xi1>, vector<512x128xi32>
    %min3A_327 = arith.minimumf %min3A_313, %min3A_320 : vector<512x128xf32>
    %lt3A_328 = arith.cmpf olt, %min3A_320, %min3A_313 : vector<512x128xf32>
    %add3A_329 = arith.constant 512 : i32
    %add3A_330 = vector.broadcast %add3A_329 : i32 to vector<512x128xi32>
    %add3A_331 = arith.addi %select_n3A_326, %add3A_330 : vector<512x128xi32>
    %add3A_332 = arith.constant 512 : i32
    %add3A_333 = vector.broadcast %add3A_332 : i32 to vector<512x128xi32>
    %add3A_334 = arith.addi %select_n3A_319, %add3A_333 : vector<512x128xi32>
    %select_n3A_335 = arith.select %lt3A_328, %add3A_331, %add3A_334 : vector<512x128xi1>, vector<512x128xi32>
    %lt3A_336 = arith.cmpf olt, %min3A_327, %min3A_176 : vector<512x128xf32>
    %min3A_337 = arith.minimumf %min3A_176, %min3A_327 : vector<512x128xf32>
    %select_n3A_338 = arith.select %lt3A_336, %select_n3A_335, %select_n3A_177 : vector<512x128xi1>, vector<512x128xi32>
    %get3A_339 = arith.constant 1024 : index
    %get3A_340 = arith.constant 0 : index
    %get3A_341 = vector.load %arg2[%get3A_339, %get3A_340] : memref<8192x32xf32, #tpu.memory_space<vmem>>, vector<512x32xf32>
    %get3A_342 = arith.constant 1024 : index
    %get3A_343 = vector.load %arg5[%get3A_342] : memref<8192xf32, #tpu.memory_space<vmem>>, vector<512xf32>
    %slice3A_344 = vector.extract_strided_slice %mul3A_5 {offsets = [0, 0], sizes = [512, 32], strides = [1, 1]} : vector<2048x32xf32> to vector<512x32xf32>
    %slice3A_345 = vector.extract_strided_slice %broadcast_in_dim3A {offsets = [0, 0], sizes = [512, 1], strides = [1, 1]} : vector<2048x1xf32> to vector<512x1xf32>
    %dot_general3A_346 = arith.constant dense<0.000000e+00> : vector<512x512xf32>
    %dot_general3A_347 = tpu.matmul %slice3A_344, %get3A_341, %dot_general3A_346 {dimension_numbers = #tpu.dot_dimension_numbers<[1], [1], [0], [0], [0, 0, 1, 0], [], []>, transpose_lhs_hint = false} : vector<512x32xf32>, vector<512x32xf32>, vector<512x512xf32> -> vector<512x512xf32>
    %broadcast_in_dim3A_348 = vector.shape_cast %get3A_343 : vector<512xf32> to vector<1x512xf32>
    %add3A_349 = vector.broadcast %slice3A_345 : vector<512x1xf32> to vector<512x512xf32>
    %add3A_350 = vector.broadcast %broadcast_in_dim3A_348 : vector<1x512xf32> to vector<512x512xf32>
    %add3A_351 = arith.addf %add3A_349, %add3A_350 : vector<512x512xf32>
    %add3A_352 = arith.addf %add3A_351, %dot_general3A_347 : vector<512x512xf32>
    %slice3A_353 = vector.extract_strided_slice %add3A_352 {offsets = [0, 0], sizes = [512, 128], strides = [1, 1]} : vector<512x512xf32> to vector<512x128xf32>
    %slice3A_354 = vector.extract_strided_slice %add3A_352 {offsets = [0, 128], sizes = [512, 128], strides = [1, 1]} : vector<512x512xf32> to vector<512x128xf32>
    %slice3A_355 = vector.extract_strided_slice %add3A_352 {offsets = [0, 256], sizes = [512, 128], strides = [1, 1]} : vector<512x512xf32> to vector<512x128xf32>
    %slice3A_356 = vector.extract_strided_slice %add3A_352 {offsets = [0, 384], sizes = [512, 128], strides = [1, 1]} : vector<512x512xf32> to vector<512x128xf32>
    %min3A_357 = arith.minimumf %slice3A_353, %slice3A_354 : vector<512x128xf32>
    %lt3A_358 = arith.cmpf olt, %slice3A_354, %slice3A_353 : vector<512x128xf32>
    %jit3A_359 = arith.constant 128 : i32
    %jit3A_360 = arith.constant 0 : i32
    %broadcast_in_dim3A_361 = vector.broadcast %jit3A_359 : i32 to vector<512x128xi32>
    %broadcast_in_dim3A_362 = vector.broadcast %jit3A_360 : i32 to vector<512x128xi32>
    %select_n3A_363 = arith.select %lt3A_358, %broadcast_in_dim3A_361, %broadcast_in_dim3A_362 : vector<512x128xi1>, vector<512x128xi32>
    %min3A_364 = arith.minimumf %slice3A_355, %slice3A_356 : vector<512x128xf32>
    %lt3A_365 = arith.cmpf olt, %slice3A_356, %slice3A_355 : vector<512x128xf32>
    %jit3A_366 = arith.constant 384 : i32
    %jit3A_367 = arith.constant 256 : i32
    %broadcast_in_dim3A_368 = vector.broadcast %jit3A_366 : i32 to vector<512x128xi32>
    %broadcast_in_dim3A_369 = vector.broadcast %jit3A_367 : i32 to vector<512x128xi32>
    %select_n3A_370 = arith.select %lt3A_365, %broadcast_in_dim3A_368, %broadcast_in_dim3A_369 : vector<512x128xi1>, vector<512x128xi32>
    %min3A_371 = arith.minimumf %min3A_357, %min3A_364 : vector<512x128xf32>
    %lt3A_372 = arith.cmpf olt, %min3A_364, %min3A_357 : vector<512x128xf32>
    %add3A_373 = arith.constant 1024 : i32
    %add3A_374 = vector.broadcast %add3A_373 : i32 to vector<512x128xi32>
    %add3A_375 = arith.addi %select_n3A_370, %add3A_374 : vector<512x128xi32>
    %add3A_376 = arith.constant 1024 : i32
    %add3A_377 = vector.broadcast %add3A_376 : i32 to vector<512x128xi32>
    %add3A_378 = arith.addi %select_n3A_363, %add3A_377 : vector<512x128xi32>
    %select_n3A_379 = arith.select %lt3A_372, %add3A_375, %add3A_378 : vector<512x128xi1>, vector<512x128xi32>
    %lt3A_380 = arith.cmpf olt, %min3A_371, %min3A_220 : vector<512x128xf32>
    %min3A_381 = arith.minimumf %min3A_220, %min3A_371 : vector<512x128xf32>
    %select_n3A_382 = arith.select %lt3A_380, %select_n3A_379, %select_n3A_221 : vector<512x128xi1>, vector<512x128xi32>
    %slice3A_383 = vector.extract_strided_slice %mul3A_5 {offsets = [512, 0], sizes = [512, 32], strides = [1, 1]} : vector<2048x32xf32> to vector<512x32xf32>
    %slice3A_384 = vector.extract_strided_slice %broadcast_in_dim3A {offsets = [512, 0], sizes = [512, 1], strides = [1, 1]} : vector<2048x1xf32> to vector<512x1xf32>
    %dot_general3A_385 = arith.constant dense<0.000000e+00> : vector<512x512xf32>
    %dot_general3A_386 = tpu.matmul %slice3A_383, %get3A_341, %dot_general3A_385 {dimension_numbers = #tpu.dot_dimension_numbers<[1], [1], [0], [0], [0, 0, 1, 0], [], []>, transpose_lhs_hint = false} : vector<512x32xf32>, vector<512x32xf32>, vector<512x512xf32> -> vector<512x512xf32>
    %broadcast_in_dim3A_387 = vector.shape_cast %get3A_343 : vector<512xf32> to vector<1x512xf32>
    %add3A_388 = vector.broadcast %slice3A_384 : vector<512x1xf32> to vector<512x512xf32>
    %add3A_389 = vector.broadcast %broadcast_in_dim3A_387 : vector<1x512xf32> to vector<512x512xf32>
    %add3A_390 = arith.addf %add3A_388, %add3A_389 : vector<512x512xf32>
    %add3A_391 = arith.addf %add3A_390, %dot_general3A_386 : vector<512x512xf32>
    %slice3A_392 = vector.extract_strided_slice %add3A_391 {offsets = [0, 0], sizes = [512, 128], strides = [1, 1]} : vector<512x512xf32> to vector<512x128xf32>
    %slice3A_393 = vector.extract_strided_slice %add3A_391 {offsets = [0, 128], sizes = [512, 128], strides = [1, 1]} : vector<512x512xf32> to vector<512x128xf32>
    %slice3A_394 = vector.extract_strided_slice %add3A_391 {offsets = [0, 256], sizes = [512, 128], strides = [1, 1]} : vector<512x512xf32> to vector<512x128xf32>
    %slice3A_395 = vector.extract_strided_slice %add3A_391 {offsets = [0, 384], sizes = [512, 128], strides = [1, 1]} : vector<512x512xf32> to vector<512x128xf32>
    %min3A_396 = arith.minimumf %slice3A_392, %slice3A_393 : vector<512x128xf32>
    %lt3A_397 = arith.cmpf olt, %slice3A_393, %slice3A_392 : vector<512x128xf32>
    %jit3A_398 = arith.constant 128 : i32
    %jit3A_399 = arith.constant 0 : i32
    %broadcast_in_dim3A_400 = vector.broadcast %jit3A_398 : i32 to vector<512x128xi32>
    %broadcast_in_dim3A_401 = vector.broadcast %jit3A_399 : i32 to vector<512x128xi32>
    %select_n3A_402 = arith.select %lt3A_397, %broadcast_in_dim3A_400, %broadcast_in_dim3A_401 : vector<512x128xi1>, vector<512x128xi32>
    %min3A_403 = arith.minimumf %slice3A_394, %slice3A_395 : vector<512x128xf32>
    %lt3A_404 = arith.cmpf olt, %slice3A_395, %slice3A_394 : vector<512x128xf32>
    %jit3A_405 = arith.constant 384 : i32
    %jit3A_406 = arith.constant 256 : i32
    %broadcast_in_dim3A_407 = vector.broadcast %jit3A_405 : i32 to vector<512x128xi32>
    %broadcast_in_dim3A_408 = vector.broadcast %jit3A_406 : i32 to vector<512x128xi32>
    %select_n3A_409 = arith.select %lt3A_404, %broadcast_in_dim3A_407, %broadcast_in_dim3A_408 : vector<512x128xi1>, vector<512x128xi32>
    %min3A_410 = arith.minimumf %min3A_396, %min3A_403 : vector<512x128xf32>
    %lt3A_411 = arith.cmpf olt, %min3A_403, %min3A_396 : vector<512x128xf32>
    %add3A_412 = arith.constant 1024 : i32
    %add3A_413 = vector.broadcast %add3A_412 : i32 to vector<512x128xi32>
    %add3A_414 = arith.addi %select_n3A_409, %add3A_413 : vector<512x128xi32>
    %add3A_415 = arith.constant 1024 : i32
    %add3A_416 = vector.broadcast %add3A_415 : i32 to vector<512x128xi32>
    %add3A_417 = arith.addi %select_n3A_402, %add3A_416 : vector<512x128xi32>
    %select_n3A_418 = arith.select %lt3A_411, %add3A_414, %add3A_417 : vector<512x128xi1>, vector<512x128xi32>
    %lt3A_419 = arith.cmpf olt, %min3A_410, %min3A_259 : vector<512x128xf32>
    %min3A_420 = arith.minimumf %min3A_259, %min3A_410 : vector<512x128xf32>
    %select_n3A_421 = arith.select %lt3A_419, %select_n3A_418, %select_n3A_260 : vector<512x128xi1>, vector<512x128xi32>
    %slice3A_422 = vector.extract_strided_slice %mul3A_5 {offsets = [1024, 0], sizes = [512, 32], strides = [1, 1]} : vector<2048x32xf32> to vector<512x32xf32>
    %slice3A_423 = vector.extract_strided_slice %broadcast_in_dim3A {offsets = [1024, 0], sizes = [512, 1], strides = [1, 1]} : vector<2048x1xf32> to vector<512x1xf32>
    %dot_general3A_424 = arith.constant dense<0.000000e+00> : vector<512x512xf32>
    %dot_general3A_425 = tpu.matmul %slice3A_422, %get3A_341, %dot_general3A_424 {dimension_numbers = #tpu.dot_dimension_numbers<[1], [1], [0], [0], [0, 0, 1, 0], [], []>, transpose_lhs_hint = false} : vector<512x32xf32>, vector<512x32xf32>, vector<512x512xf32> -> vector<512x512xf32>
    %broadcast_in_dim3A_426 = vector.shape_cast %get3A_343 : vector<512xf32> to vector<1x512xf32>
    %add3A_427 = vector.broadcast %slice3A_423 : vector<512x1xf32> to vector<512x512xf32>
    %add3A_428 = vector.broadcast %broadcast_in_dim3A_426 : vector<1x512xf32> to vector<512x512xf32>
    %add3A_429 = arith.addf %add3A_427, %add3A_428 : vector<512x512xf32>
    %add3A_430 = arith.addf %add3A_429, %dot_general3A_425 : vector<512x512xf32>
    %slice3A_431 = vector.extract_strided_slice %add3A_430 {offsets = [0, 0], sizes = [512, 128], strides = [1, 1]} : vector<512x512xf32> to vector<512x128xf32>
    %slice3A_432 = vector.extract_strided_slice %add3A_430 {offsets = [0, 128], sizes = [512, 128], strides = [1, 1]} : vector<512x512xf32> to vector<512x128xf32>
    %slice3A_433 = vector.extract_strided_slice %add3A_430 {offsets = [0, 256], sizes = [512, 128], strides = [1, 1]} : vector<512x512xf32> to vector<512x128xf32>
    %slice3A_434 = vector.extract_strided_slice %add3A_430 {offsets = [0, 384], sizes = [512, 128], strides = [1, 1]} : vector<512x512xf32> to vector<512x128xf32>
    %min3A_435 = arith.minimumf %slice3A_431, %slice3A_432 : vector<512x128xf32>
    %lt3A_436 = arith.cmpf olt, %slice3A_432, %slice3A_431 : vector<512x128xf32>
    %jit3A_437 = arith.constant 128 : i32
    %jit3A_438 = arith.constant 0 : i32
    %broadcast_in_dim3A_439 = vector.broadcast %jit3A_437 : i32 to vector<512x128xi32>
    %broadcast_in_dim3A_440 = vector.broadcast %jit3A_438 : i32 to vector<512x128xi32>
    %select_n3A_441 = arith.select %lt3A_436, %broadcast_in_dim3A_439, %broadcast_in_dim3A_440 : vector<512x128xi1>, vector<512x128xi32>
    %min3A_442 = arith.minimumf %slice3A_433, %slice3A_434 : vector<512x128xf32>
    %lt3A_443 = arith.cmpf olt, %slice3A_434, %slice3A_433 : vector<512x128xf32>
    %jit3A_444 = arith.constant 384 : i32
    %jit3A_445 = arith.constant 256 : i32
    %broadcast_in_dim3A_446 = vector.broadcast %jit3A_444 : i32 to vector<512x128xi32>
    %broadcast_in_dim3A_447 = vector.broadcast %jit3A_445 : i32 to vector<512x128xi32>
    %select_n3A_448 = arith.select %lt3A_443, %broadcast_in_dim3A_446, %broadcast_in_dim3A_447 : vector<512x128xi1>, vector<512x128xi32>
    %min3A_449 = arith.minimumf %min3A_435, %min3A_442 : vector<512x128xf32>
    %lt3A_450 = arith.cmpf olt, %min3A_442, %min3A_435 : vector<512x128xf32>
    %add3A_451 = arith.constant 1024 : i32
    %add3A_452 = vector.broadcast %add3A_451 : i32 to vector<512x128xi32>
    %add3A_453 = arith.addi %select_n3A_448, %add3A_452 : vector<512x128xi32>
    %add3A_454 = arith.constant 1024 : i32
    %add3A_455 = vector.broadcast %add3A_454 : i32 to vector<512x128xi32>
    %add3A_456 = arith.addi %select_n3A_441, %add3A_455 : vector<512x128xi32>
    %select_n3A_457 = arith.select %lt3A_450, %add3A_453, %add3A_456 : vector<512x128xi1>, vector<512x128xi32>
    %lt3A_458 = arith.cmpf olt, %min3A_449, %min3A_298 : vector<512x128xf32>
    %min3A_459 = arith.minimumf %min3A_298, %min3A_449 : vector<512x128xf32>
    %select_n3A_460 = arith.select %lt3A_458, %select_n3A_457, %select_n3A_299 : vector<512x128xi1>, vector<512x128xi32>
    %slice3A_461 = vector.extract_strided_slice %mul3A_5 {offsets = [1536, 0], sizes = [512, 32], strides = [1, 1]} : vector<2048x32xf32> to vector<512x32xf32>
    %slice3A_462 = vector.extract_strided_slice %broadcast_in_dim3A {offsets = [1536, 0], sizes = [512, 1], strides = [1, 1]} : vector<2048x1xf32> to vector<512x1xf32>
    %dot_general3A_463 = arith.constant dense<0.000000e+00> : vector<512x512xf32>
    %dot_general3A_464 = tpu.matmul %slice3A_461, %get3A_341, %dot_general3A_463 {dimension_numbers = #tpu.dot_dimension_numbers<[1], [1], [0], [0], [0, 0, 1, 0], [], []>, transpose_lhs_hint = false} : vector<512x32xf32>, vector<512x32xf32>, vector<512x512xf32> -> vector<512x512xf32>
    %broadcast_in_dim3A_465 = vector.shape_cast %get3A_343 : vector<512xf32> to vector<1x512xf32>
    %add3A_466 = vector.broadcast %slice3A_462 : vector<512x1xf32> to vector<512x512xf32>
    %add3A_467 = vector.broadcast %broadcast_in_dim3A_465 : vector<1x512xf32> to vector<512x512xf32>
    %add3A_468 = arith.addf %add3A_466, %add3A_467 : vector<512x512xf32>
    %add3A_469 = arith.addf %add3A_468, %dot_general3A_464 : vector<512x512xf32>
    %slice3A_470 = vector.extract_strided_slice %add3A_469 {offsets = [0, 0], sizes = [512, 128], strides = [1, 1]} : vector<512x512xf32> to vector<512x128xf32>
    %slice3A_471 = vector.extract_strided_slice %add3A_469 {offsets = [0, 128], sizes = [512, 128], strides = [1, 1]} : vector<512x512xf32> to vector<512x128xf32>
    %slice3A_472 = vector.extract_strided_slice %add3A_469 {offsets = [0, 256], sizes = [512, 128], strides = [1, 1]} : vector<512x512xf32> to vector<512x128xf32>
    %slice3A_473 = vector.extract_strided_slice %add3A_469 {offsets = [0, 384], sizes = [512, 128], strides = [1, 1]} : vector<512x512xf32> to vector<512x128xf32>
    %min3A_474 = arith.minimumf %slice3A_470, %slice3A_471 : vector<512x128xf32>
    %lt3A_475 = arith.cmpf olt, %slice3A_471, %slice3A_470 : vector<512x128xf32>
    %jit3A_476 = arith.constant 128 : i32
    %jit3A_477 = arith.constant 0 : i32
    %broadcast_in_dim3A_478 = vector.broadcast %jit3A_476 : i32 to vector<512x128xi32>
    %broadcast_in_dim3A_479 = vector.broadcast %jit3A_477 : i32 to vector<512x128xi32>
    %select_n3A_480 = arith.select %lt3A_475, %broadcast_in_dim3A_478, %broadcast_in_dim3A_479 : vector<512x128xi1>, vector<512x128xi32>
    %min3A_481 = arith.minimumf %slice3A_472, %slice3A_473 : vector<512x128xf32>
    %lt3A_482 = arith.cmpf olt, %slice3A_473, %slice3A_472 : vector<512x128xf32>
    %jit3A_483 = arith.constant 384 : i32
    %jit3A_484 = arith.constant 256 : i32
    %broadcast_in_dim3A_485 = vector.broadcast %jit3A_483 : i32 to vector<512x128xi32>
    %broadcast_in_dim3A_486 = vector.broadcast %jit3A_484 : i32 to vector<512x128xi32>
    %select_n3A_487 = arith.select %lt3A_482, %broadcast_in_dim3A_485, %broadcast_in_dim3A_486 : vector<512x128xi1>, vector<512x128xi32>
    %min3A_488 = arith.minimumf %min3A_474, %min3A_481 : vector<512x128xf32>
    %lt3A_489 = arith.cmpf olt, %min3A_481, %min3A_474 : vector<512x128xf32>
    %add3A_490 = arith.constant 1024 : i32
    %add3A_491 = vector.broadcast %add3A_490 : i32 to vector<512x128xi32>
    %add3A_492 = arith.addi %select_n3A_487, %add3A_491 : vector<512x128xi32>
    %add3A_493 = arith.constant 1024 : i32
    %add3A_494 = vector.broadcast %add3A_493 : i32 to vector<512x128xi32>
    %add3A_495 = arith.addi %select_n3A_480, %add3A_494 : vector<512x128xi32>
    %select_n3A_496 = arith.select %lt3A_489, %add3A_492, %add3A_495 : vector<512x128xi1>, vector<512x128xi32>
    %lt3A_497 = arith.cmpf olt, %min3A_488, %min3A_337 : vector<512x128xf32>
    %min3A_498 = arith.minimumf %min3A_337, %min3A_488 : vector<512x128xf32>
    %select_n3A_499 = arith.select %lt3A_497, %select_n3A_496, %select_n3A_338 : vector<512x128xi1>, vector<512x128xi32>
    %get3A_500 = arith.constant 1536 : index
    %get3A_501 = arith.constant 0 : index
    %get3A_502 = vector.load %arg2[%get3A_500, %get3A_501] : memref<8192x32xf32, #tpu.memory_space<vmem>>, vector<512x32xf32>
    %get3A_503 = arith.constant 1536 : index
    %get3A_504 = vector.load %arg5[%get3A_503] : memref<8192xf32, #tpu.memory_space<vmem>>, vector<512xf32>
    %slice3A_505 = vector.extract_strided_slice %mul3A_5 {offsets = [0, 0], sizes = [512, 32], strides = [1, 1]} : vector<2048x32xf32> to vector<512x32xf32>
    %slice3A_506 = vector.extract_strided_slice %broadcast_in_dim3A {offsets = [0, 0], sizes = [512, 1], strides = [1, 1]} : vector<2048x1xf32> to vector<512x1xf32>
    %dot_general3A_507 = arith.constant dense<0.000000e+00> : vector<512x512xf32>
    %dot_general3A_508 = tpu.matmul %slice3A_505, %get3A_502, %dot_general3A_507 {dimension_numbers = #tpu.dot_dimension_numbers<[1], [1], [0], [0], [0, 0, 1, 0], [], []>, transpose_lhs_hint = false} : vector<512x32xf32>, vector<512x32xf32>, vector<512x512xf32> -> vector<512x512xf32>
    %broadcast_in_dim3A_509 = vector.shape_cast %get3A_504 : vector<512xf32> to vector<1x512xf32>
    %add3A_510 = vector.broadcast %slice3A_506 : vector<512x1xf32> to vector<512x512xf32>
    %add3A_511 = vector.broadcast %broadcast_in_dim3A_509 : vector<1x512xf32> to vector<512x512xf32>
    %add3A_512 = arith.addf %add3A_510, %add3A_511 : vector<512x512xf32>
    %add3A_513 = arith.addf %add3A_512, %dot_general3A_508 : vector<512x512xf32>
    %slice3A_514 = vector.extract_strided_slice %add3A_513 {offsets = [0, 0], sizes = [512, 128], strides = [1, 1]} : vector<512x512xf32> to vector<512x128xf32>
    %slice3A_515 = vector.extract_strided_slice %add3A_513 {offsets = [0, 128], sizes = [512, 128], strides = [1, 1]} : vector<512x512xf32> to vector<512x128xf32>
    %slice3A_516 = vector.extract_strided_slice %add3A_513 {offsets = [0, 256], sizes = [512, 128], strides = [1, 1]} : vector<512x512xf32> to vector<512x128xf32>
    %slice3A_517 = vector.extract_strided_slice %add3A_513 {offsets = [0, 384], sizes = [512, 128], strides = [1, 1]} : vector<512x512xf32> to vector<512x128xf32>
    %min3A_518 = arith.minimumf %slice3A_514, %slice3A_515 : vector<512x128xf32>
    %lt3A_519 = arith.cmpf olt, %slice3A_515, %slice3A_514 : vector<512x128xf32>
    %jit3A_520 = arith.constant 128 : i32
    %jit3A_521 = arith.constant 0 : i32
    %broadcast_in_dim3A_522 = vector.broadcast %jit3A_520 : i32 to vector<512x128xi32>
    %broadcast_in_dim3A_523 = vector.broadcast %jit3A_521 : i32 to vector<512x128xi32>
    %select_n3A_524 = arith.select %lt3A_519, %broadcast_in_dim3A_522, %broadcast_in_dim3A_523 : vector<512x128xi1>, vector<512x128xi32>
    %min3A_525 = arith.minimumf %slice3A_516, %slice3A_517 : vector<512x128xf32>
    %lt3A_526 = arith.cmpf olt, %slice3A_517, %slice3A_516 : vector<512x128xf32>
    %jit3A_527 = arith.constant 384 : i32
    %jit3A_528 = arith.constant 256 : i32
    %broadcast_in_dim3A_529 = vector.broadcast %jit3A_527 : i32 to vector<512x128xi32>
    %broadcast_in_dim3A_530 = vector.broadcast %jit3A_528 : i32 to vector<512x128xi32>
    %select_n3A_531 = arith.select %lt3A_526, %broadcast_in_dim3A_529, %broadcast_in_dim3A_530 : vector<512x128xi1>, vector<512x128xi32>
    %min3A_532 = arith.minimumf %min3A_518, %min3A_525 : vector<512x128xf32>
    %lt3A_533 = arith.cmpf olt, %min3A_525, %min3A_518 : vector<512x128xf32>
    %add3A_534 = arith.constant 1536 : i32
    %add3A_535 = vector.broadcast %add3A_534 : i32 to vector<512x128xi32>
    %add3A_536 = arith.addi %select_n3A_531, %add3A_535 : vector<512x128xi32>
    %add3A_537 = arith.constant 1536 : i32
    %add3A_538 = vector.broadcast %add3A_537 : i32 to vector<512x128xi32>
    %add3A_539 = arith.addi %select_n3A_524, %add3A_538 : vector<512x128xi32>
    %select_n3A_540 = arith.select %lt3A_533, %add3A_536, %add3A_539 : vector<512x128xi1>, vector<512x128xi32>
    %lt3A_541 = arith.cmpf olt, %min3A_532, %min3A_381 : vector<512x128xf32>
    %min3A_542 = arith.minimumf %min3A_381, %min3A_532 : vector<512x128xf32>
    %select_n3A_543 = arith.select %lt3A_541, %select_n3A_540, %select_n3A_382 : vector<512x128xi1>, vector<512x128xi32>
    %slice3A_544 = vector.extract_strided_slice %mul3A_5 {offsets = [512, 0], sizes = [512, 32], strides = [1, 1]} : vector<2048x32xf32> to vector<512x32xf32>
    %slice3A_545 = vector.extract_strided_slice %broadcast_in_dim3A {offsets = [512, 0], sizes = [512, 1], strides = [1, 1]} : vector<2048x1xf32> to vector<512x1xf32>
    %dot_general3A_546 = arith.constant dense<0.000000e+00> : vector<512x512xf32>
    %dot_general3A_547 = tpu.matmul %slice3A_544, %get3A_502, %dot_general3A_546 {dimension_numbers = #tpu.dot_dimension_numbers<[1], [1], [0], [0], [0, 0, 1, 0], [], []>, transpose_lhs_hint = false} : vector<512x32xf32>, vector<512x32xf32>, vector<512x512xf32> -> vector<512x512xf32>
    %broadcast_in_dim3A_548 = vector.shape_cast %get3A_504 : vector<512xf32> to vector<1x512xf32>
    %add3A_549 = vector.broadcast %slice3A_545 : vector<512x1xf32> to vector<512x512xf32>
    %add3A_550 = vector.broadcast %broadcast_in_dim3A_548 : vector<1x512xf32> to vector<512x512xf32>
    %add3A_551 = arith.addf %add3A_549, %add3A_550 : vector<512x512xf32>
    %add3A_552 = arith.addf %add3A_551, %dot_general3A_547 : vector<512x512xf32>
    %slice3A_553 = vector.extract_strided_slice %add3A_552 {offsets = [0, 0], sizes = [512, 128], strides = [1, 1]} : vector<512x512xf32> to vector<512x128xf32>
    %slice3A_554 = vector.extract_strided_slice %add3A_552 {offsets = [0, 128], sizes = [512, 128], strides = [1, 1]} : vector<512x512xf32> to vector<512x128xf32>
    %slice3A_555 = vector.extract_strided_slice %add3A_552 {offsets = [0, 256], sizes = [512, 128], strides = [1, 1]} : vector<512x512xf32> to vector<512x128xf32>
    %slice3A_556 = vector.extract_strided_slice %add3A_552 {offsets = [0, 384], sizes = [512, 128], strides = [1, 1]} : vector<512x512xf32> to vector<512x128xf32>
    %min3A_557 = arith.minimumf %slice3A_553, %slice3A_554 : vector<512x128xf32>
    %lt3A_558 = arith.cmpf olt, %slice3A_554, %slice3A_553 : vector<512x128xf32>
    %jit3A_559 = arith.constant 128 : i32
    %jit3A_560 = arith.constant 0 : i32
    %broadcast_in_dim3A_561 = vector.broadcast %jit3A_559 : i32 to vector<512x128xi32>
    %broadcast_in_dim3A_562 = vector.broadcast %jit3A_560 : i32 to vector<512x128xi32>
    %select_n3A_563 = arith.select %lt3A_558, %broadcast_in_dim3A_561, %broadcast_in_dim3A_562 : vector<512x128xi1>, vector<512x128xi32>
    %min3A_564 = arith.minimumf %slice3A_555, %slice3A_556 : vector<512x128xf32>
    %lt3A_565 = arith.cmpf olt, %slice3A_556, %slice3A_555 : vector<512x128xf32>
    %jit3A_566 = arith.constant 384 : i32
    %jit3A_567 = arith.constant 256 : i32
    %broadcast_in_dim3A_568 = vector.broadcast %jit3A_566 : i32 to vector<512x128xi32>
    %broadcast_in_dim3A_569 = vector.broadcast %jit3A_567 : i32 to vector<512x128xi32>
    %select_n3A_570 = arith.select %lt3A_565, %broadcast_in_dim3A_568, %broadcast_in_dim3A_569 : vector<512x128xi1>, vector<512x128xi32>
    %min3A_571 = arith.minimumf %min3A_557, %min3A_564 : vector<512x128xf32>
    %lt3A_572 = arith.cmpf olt, %min3A_564, %min3A_557 : vector<512x128xf32>
    %add3A_573 = arith.constant 1536 : i32
    %add3A_574 = vector.broadcast %add3A_573 : i32 to vector<512x128xi32>
    %add3A_575 = arith.addi %select_n3A_570, %add3A_574 : vector<512x128xi32>
    %add3A_576 = arith.constant 1536 : i32
    %add3A_577 = vector.broadcast %add3A_576 : i32 to vector<512x128xi32>
    %add3A_578 = arith.addi %select_n3A_563, %add3A_577 : vector<512x128xi32>
    %select_n3A_579 = arith.select %lt3A_572, %add3A_575, %add3A_578 : vector<512x128xi1>, vector<512x128xi32>
    %lt3A_580 = arith.cmpf olt, %min3A_571, %min3A_420 : vector<512x128xf32>
    %min3A_581 = arith.minimumf %min3A_420, %min3A_571 : vector<512x128xf32>
    %select_n3A_582 = arith.select %lt3A_580, %select_n3A_579, %select_n3A_421 : vector<512x128xi1>, vector<512x128xi32>
    %slice3A_583 = vector.extract_strided_slice %mul3A_5 {offsets = [1024, 0], sizes = [512, 32], strides = [1, 1]} : vector<2048x32xf32> to vector<512x32xf32>
    %slice3A_584 = vector.extract_strided_slice %broadcast_in_dim3A {offsets = [1024, 0], sizes = [512, 1], strides = [1, 1]} : vector<2048x1xf32> to vector<512x1xf32>
    %dot_general3A_585 = arith.constant dense<0.000000e+00> : vector<512x512xf32>
    %dot_general3A_586 = tpu.matmul %slice3A_583, %get3A_502, %dot_general3A_585 {dimension_numbers = #tpu.dot_dimension_numbers<[1], [1], [0], [0], [0, 0, 1, 0], [], []>, transpose_lhs_hint = false} : vector<512x32xf32>, vector<512x32xf32>, vector<512x512xf32> -> vector<512x512xf32>
    %broadcast_in_dim3A_587 = vector.shape_cast %get3A_504 : vector<512xf32> to vector<1x512xf32>
    %add3A_588 = vector.broadcast %slice3A_584 : vector<512x1xf32> to vector<512x512xf32>
    %add3A_589 = vector.broadcast %broadcast_in_dim3A_587 : vector<1x512xf32> to vector<512x512xf32>
    %add3A_590 = arith.addf %add3A_588, %add3A_589 : vector<512x512xf32>
    %add3A_591 = arith.addf %add3A_590, %dot_general3A_586 : vector<512x512xf32>
    %slice3A_592 = vector.extract_strided_slice %add3A_591 {offsets = [0, 0], sizes = [512, 128], strides = [1, 1]} : vector<512x512xf32> to vector<512x128xf32>
    %slice3A_593 = vector.extract_strided_slice %add3A_591 {offsets = [0, 128], sizes = [512, 128], strides = [1, 1]} : vector<512x512xf32> to vector<512x128xf32>
    %slice3A_594 = vector.extract_strided_slice %add3A_591 {offsets = [0, 256], sizes = [512, 128], strides = [1, 1]} : vector<512x512xf32> to vector<512x128xf32>
    %slice3A_595 = vector.extract_strided_slice %add3A_591 {offsets = [0, 384], sizes = [512, 128], strides = [1, 1]} : vector<512x512xf32> to vector<512x128xf32>
    %min3A_596 = arith.minimumf %slice3A_592, %slice3A_593 : vector<512x128xf32>
    %lt3A_597 = arith.cmpf olt, %slice3A_593, %slice3A_592 : vector<512x128xf32>
    %jit3A_598 = arith.constant 128 : i32
    %jit3A_599 = arith.constant 0 : i32
    %broadcast_in_dim3A_600 = vector.broadcast %jit3A_598 : i32 to vector<512x128xi32>
    %broadcast_in_dim3A_601 = vector.broadcast %jit3A_599 : i32 to vector<512x128xi32>
    %select_n3A_602 = arith.select %lt3A_597, %broadcast_in_dim3A_600, %broadcast_in_dim3A_601 : vector<512x128xi1>, vector<512x128xi32>
    %min3A_603 = arith.minimumf %slice3A_594, %slice3A_595 : vector<512x128xf32>
    %lt3A_604 = arith.cmpf olt, %slice3A_595, %slice3A_594 : vector<512x128xf32>
    %jit3A_605 = arith.constant 384 : i32
    %jit3A_606 = arith.constant 256 : i32
    %broadcast_in_dim3A_607 = vector.broadcast %jit3A_605 : i32 to vector<512x128xi32>
    %broadcast_in_dim3A_608 = vector.broadcast %jit3A_606 : i32 to vector<512x128xi32>
    %select_n3A_609 = arith.select %lt3A_604, %broadcast_in_dim3A_607, %broadcast_in_dim3A_608 : vector<512x128xi1>, vector<512x128xi32>
    %min3A_610 = arith.minimumf %min3A_596, %min3A_603 : vector<512x128xf32>
    %lt3A_611 = arith.cmpf olt, %min3A_603, %min3A_596 : vector<512x128xf32>
    %add3A_612 = arith.constant 1536 : i32
    %add3A_613 = vector.broadcast %add3A_612 : i32 to vector<512x128xi32>
    %add3A_614 = arith.addi %select_n3A_609, %add3A_613 : vector<512x128xi32>
    %add3A_615 = arith.constant 1536 : i32
    %add3A_616 = vector.broadcast %add3A_615 : i32 to vector<512x128xi32>
    %add3A_617 = arith.addi %select_n3A_602, %add3A_616 : vector<512x128xi32>
    %select_n3A_618 = arith.select %lt3A_611, %add3A_614, %add3A_617 : vector<512x128xi1>, vector<512x128xi32>
    %lt3A_619 = arith.cmpf olt, %min3A_610, %min3A_459 : vector<512x128xf32>
    %min3A_620 = arith.minimumf %min3A_459, %min3A_610 : vector<512x128xf32>
    %select_n3A_621 = arith.select %lt3A_619, %select_n3A_618, %select_n3A_460 : vector<512x128xi1>, vector<512x128xi32>
    %slice3A_622 = vector.extract_strided_slice %mul3A_5 {offsets = [1536, 0], sizes = [512, 32], strides = [1, 1]} : vector<2048x32xf32> to vector<512x32xf32>
    %slice3A_623 = vector.extract_strided_slice %broadcast_in_dim3A {offsets = [1536, 0], sizes = [512, 1], strides = [1, 1]} : vector<2048x1xf32> to vector<512x1xf32>
    %dot_general3A_624 = arith.constant dense<0.000000e+00> : vector<512x512xf32>
    %dot_general3A_625 = tpu.matmul %slice3A_622, %get3A_502, %dot_general3A_624 {dimension_numbers = #tpu.dot_dimension_numbers<[1], [1], [0], [0], [0, 0, 1, 0], [], []>, transpose_lhs_hint = false} : vector<512x32xf32>, vector<512x32xf32>, vector<512x512xf32> -> vector<512x512xf32>
    %broadcast_in_dim3A_626 = vector.shape_cast %get3A_504 : vector<512xf32> to vector<1x512xf32>
    %add3A_627 = vector.broadcast %slice3A_623 : vector<512x1xf32> to vector<512x512xf32>
    %add3A_628 = vector.broadcast %broadcast_in_dim3A_626 : vector<1x512xf32> to vector<512x512xf32>
    %add3A_629 = arith.addf %add3A_627, %add3A_628 : vector<512x512xf32>
    %add3A_630 = arith.addf %add3A_629, %dot_general3A_625 : vector<512x512xf32>
    %slice3A_631 = vector.extract_strided_slice %add3A_630 {offsets = [0, 0], sizes = [512, 128], strides = [1, 1]} : vector<512x512xf32> to vector<512x128xf32>
    %slice3A_632 = vector.extract_strided_slice %add3A_630 {offsets = [0, 128], sizes = [512, 128], strides = [1, 1]} : vector<512x512xf32> to vector<512x128xf32>
    %slice3A_633 = vector.extract_strided_slice %add3A_630 {offsets = [0, 256], sizes = [512, 128], strides = [1, 1]} : vector<512x512xf32> to vector<512x128xf32>
    %slice3A_634 = vector.extract_strided_slice %add3A_630 {offsets = [0, 384], sizes = [512, 128], strides = [1, 1]} : vector<512x512xf32> to vector<512x128xf32>
    %min3A_635 = arith.minimumf %slice3A_631, %slice3A_632 : vector<512x128xf32>
    %lt3A_636 = arith.cmpf olt, %slice3A_632, %slice3A_631 : vector<512x128xf32>
    %jit3A_637 = arith.constant 128 : i32
    %jit3A_638 = arith.constant 0 : i32
    %broadcast_in_dim3A_639 = vector.broadcast %jit3A_637 : i32 to vector<512x128xi32>
    %broadcast_in_dim3A_640 = vector.broadcast %jit3A_638 : i32 to vector<512x128xi32>
    %select_n3A_641 = arith.select %lt3A_636, %broadcast_in_dim3A_639, %broadcast_in_dim3A_640 : vector<512x128xi1>, vector<512x128xi32>
    %min3A_642 = arith.minimumf %slice3A_633, %slice3A_634 : vector<512x128xf32>
    %lt3A_643 = arith.cmpf olt, %slice3A_634, %slice3A_633 : vector<512x128xf32>
    %jit3A_644 = arith.constant 384 : i32
    %jit3A_645 = arith.constant 256 : i32
    %broadcast_in_dim3A_646 = vector.broadcast %jit3A_644 : i32 to vector<512x128xi32>
    %broadcast_in_dim3A_647 = vector.broadcast %jit3A_645 : i32 to vector<512x128xi32>
    %select_n3A_648 = arith.select %lt3A_643, %broadcast_in_dim3A_646, %broadcast_in_dim3A_647 : vector<512x128xi1>, vector<512x128xi32>
    %min3A_649 = arith.minimumf %min3A_635, %min3A_642 : vector<512x128xf32>
    %lt3A_650 = arith.cmpf olt, %min3A_642, %min3A_635 : vector<512x128xf32>
    %add3A_651 = arith.constant 1536 : i32
    %add3A_652 = vector.broadcast %add3A_651 : i32 to vector<512x128xi32>
    %add3A_653 = arith.addi %select_n3A_648, %add3A_652 : vector<512x128xi32>
    %add3A_654 = arith.constant 1536 : i32
    %add3A_655 = vector.broadcast %add3A_654 : i32 to vector<512x128xi32>
    %add3A_656 = arith.addi %select_n3A_641, %add3A_655 : vector<512x128xi32>
    %select_n3A_657 = arith.select %lt3A_650, %add3A_653, %add3A_656 : vector<512x128xi1>, vector<512x128xi32>
    %lt3A_658 = arith.cmpf olt, %min3A_649, %min3A_498 : vector<512x128xf32>
    %min3A_659 = arith.minimumf %min3A_498, %min3A_649 : vector<512x128xf32>
    %select_n3A_660 = arith.select %lt3A_658, %select_n3A_657, %select_n3A_499 : vector<512x128xi1>, vector<512x128xi32>
    %get3A_661 = arith.constant 2048 : index
    %get3A_662 = arith.constant 0 : index
    %get3A_663 = vector.load %arg2[%get3A_661, %get3A_662] : memref<8192x32xf32, #tpu.memory_space<vmem>>, vector<512x32xf32>
    %get3A_664 = arith.constant 2048 : index
    %get3A_665 = vector.load %arg5[%get3A_664] : memref<8192xf32, #tpu.memory_space<vmem>>, vector<512xf32>
    %slice3A_666 = vector.extract_strided_slice %mul3A_5 {offsets = [0, 0], sizes = [512, 32], strides = [1, 1]} : vector<2048x32xf32> to vector<512x32xf32>
    %slice3A_667 = vector.extract_strided_slice %broadcast_in_dim3A {offsets = [0, 0], sizes = [512, 1], strides = [1, 1]} : vector<2048x1xf32> to vector<512x1xf32>
    %dot_general3A_668 = arith.constant dense<0.000000e+00> : vector<512x512xf32>
    %dot_general3A_669 = tpu.matmul %slice3A_666, %get3A_663, %dot_general3A_668 {dimension_numbers = #tpu.dot_dimension_numbers<[1], [1], [0], [0], [0, 0, 1, 0], [], []>, transpose_lhs_hint = false} : vector<512x32xf32>, vector<512x32xf32>, vector<512x512xf32> -> vector<512x512xf32>
    %broadcast_in_dim3A_670 = vector.shape_cast %get3A_665 : vector<512xf32> to vector<1x512xf32>
    %add3A_671 = vector.broadcast %slice3A_667 : vector<512x1xf32> to vector<512x512xf32>
    %add3A_672 = vector.broadcast %broadcast_in_dim3A_670 : vector<1x512xf32> to vector<512x512xf32>
    %add3A_673 = arith.addf %add3A_671, %add3A_672 : vector<512x512xf32>
    %add3A_674 = arith.addf %add3A_673, %dot_general3A_669 : vector<512x512xf32>
    %slice3A_675 = vector.extract_strided_slice %add3A_674 {offsets = [0, 0], sizes = [512, 128], strides = [1, 1]} : vector<512x512xf32> to vector<512x128xf32>
    %slice3A_676 = vector.extract_strided_slice %add3A_674 {offsets = [0, 128], sizes = [512, 128], strides = [1, 1]} : vector<512x512xf32> to vector<512x128xf32>
    %slice3A_677 = vector.extract_strided_slice %add3A_674 {offsets = [0, 256], sizes = [512, 128], strides = [1, 1]} : vector<512x512xf32> to vector<512x128xf32>
    %slice3A_678 = vector.extract_strided_slice %add3A_674 {offsets = [0, 384], sizes = [512, 128], strides = [1, 1]} : vector<512x512xf32> to vector<512x128xf32>
    %min3A_679 = arith.minimumf %slice3A_675, %slice3A_676 : vector<512x128xf32>
    %lt3A_680 = arith.cmpf olt, %slice3A_676, %slice3A_675 : vector<512x128xf32>
    %jit3A_681 = arith.constant 128 : i32
    %jit3A_682 = arith.constant 0 : i32
    %broadcast_in_dim3A_683 = vector.broadcast %jit3A_681 : i32 to vector<512x128xi32>
    %broadcast_in_dim3A_684 = vector.broadcast %jit3A_682 : i32 to vector<512x128xi32>
    %select_n3A_685 = arith.select %lt3A_680, %broadcast_in_dim3A_683, %broadcast_in_dim3A_684 : vector<512x128xi1>, vector<512x128xi32>
    %min3A_686 = arith.minimumf %slice3A_677, %slice3A_678 : vector<512x128xf32>
    %lt3A_687 = arith.cmpf olt, %slice3A_678, %slice3A_677 : vector<512x128xf32>
    %jit3A_688 = arith.constant 384 : i32
    %jit3A_689 = arith.constant 256 : i32
    %broadcast_in_dim3A_690 = vector.broadcast %jit3A_688 : i32 to vector<512x128xi32>
    %broadcast_in_dim3A_691 = vector.broadcast %jit3A_689 : i32 to vector<512x128xi32>
    %select_n3A_692 = arith.select %lt3A_687, %broadcast_in_dim3A_690, %broadcast_in_dim3A_691 : vector<512x128xi1>, vector<512x128xi32>
    %min3A_693 = arith.minimumf %min3A_679, %min3A_686 : vector<512x128xf32>
    %lt3A_694 = arith.cmpf olt, %min3A_686, %min3A_679 : vector<512x128xf32>
    %add3A_695 = arith.constant 2048 : i32
    %add3A_696 = vector.broadcast %add3A_695 : i32 to vector<512x128xi32>
    %add3A_697 = arith.addi %select_n3A_692, %add3A_696 : vector<512x128xi32>
    %add3A_698 = arith.constant 2048 : i32
    %add3A_699 = vector.broadcast %add3A_698 : i32 to vector<512x128xi32>
    %add3A_700 = arith.addi %select_n3A_685, %add3A_699 : vector<512x128xi32>
    %select_n3A_701 = arith.select %lt3A_694, %add3A_697, %add3A_700 : vector<512x128xi1>, vector<512x128xi32>
    %lt3A_702 = arith.cmpf olt, %min3A_693, %min3A_542 : vector<512x128xf32>
    %min3A_703 = arith.minimumf %min3A_542, %min3A_693 : vector<512x128xf32>
    %select_n3A_704 = arith.select %lt3A_702, %select_n3A_701, %select_n3A_543 : vector<512x128xi1>, vector<512x128xi32>
    %slice3A_705 = vector.extract_strided_slice %mul3A_5 {offsets = [512, 0], sizes = [512, 32], strides = [1, 1]} : vector<2048x32xf32> to vector<512x32xf32>
    %slice3A_706 = vector.extract_strided_slice %broadcast_in_dim3A {offsets = [512, 0], sizes = [512, 1], strides = [1, 1]} : vector<2048x1xf32> to vector<512x1xf32>
    %dot_general3A_707 = arith.constant dense<0.000000e+00> : vector<512x512xf32>
    %dot_general3A_708 = tpu.matmul %slice3A_705, %get3A_663, %dot_general3A_707 {dimension_numbers = #tpu.dot_dimension_numbers<[1], [1], [0], [0], [0, 0, 1, 0], [], []>, transpose_lhs_hint = false} : vector<512x32xf32>, vector<512x32xf32>, vector<512x512xf32> -> vector<512x512xf32>
    %broadcast_in_dim3A_709 = vector.shape_cast %get3A_665 : vector<512xf32> to vector<1x512xf32>
    %add3A_710 = vector.broadcast %slice3A_706 : vector<512x1xf32> to vector<512x512xf32>
    %add3A_711 = vector.broadcast %broadcast_in_dim3A_709 : vector<1x512xf32> to vector<512x512xf32>
    %add3A_712 = arith.addf %add3A_710, %add3A_711 : vector<512x512xf32>
    %add3A_713 = arith.addf %add3A_712, %dot_general3A_708 : vector<512x512xf32>
    %slice3A_714 = vector.extract_strided_slice %add3A_713 {offsets = [0, 0], sizes = [512, 128], strides = [1, 1]} : vector<512x512xf32> to vector<512x128xf32>
    %slice3A_715 = vector.extract_strided_slice %add3A_713 {offsets = [0, 128], sizes = [512, 128], strides = [1, 1]} : vector<512x512xf32> to vector<512x128xf32>
    %slice3A_716 = vector.extract_strided_slice %add3A_713 {offsets = [0, 256], sizes = [512, 128], strides = [1, 1]} : vector<512x512xf32> to vector<512x128xf32>
    %slice3A_717 = vector.extract_strided_slice %add3A_713 {offsets = [0, 384], sizes = [512, 128], strides = [1, 1]} : vector<512x512xf32> to vector<512x128xf32>
    %min3A_718 = arith.minimumf %slice3A_714, %slice3A_715 : vector<512x128xf32>
    %lt3A_719 = arith.cmpf olt, %slice3A_715, %slice3A_714 : vector<512x128xf32>
    %jit3A_720 = arith.constant 128 : i32
    %jit3A_721 = arith.constant 0 : i32
    %broadcast_in_dim3A_722 = vector.broadcast %jit3A_720 : i32 to vector<512x128xi32>
    %broadcast_in_dim3A_723 = vector.broadcast %jit3A_721 : i32 to vector<512x128xi32>
    %select_n3A_724 = arith.select %lt3A_719, %broadcast_in_dim3A_722, %broadcast_in_dim3A_723 : vector<512x128xi1>, vector<512x128xi32>
    %min3A_725 = arith.minimumf %slice3A_716, %slice3A_717 : vector<512x128xf32>
    %lt3A_726 = arith.cmpf olt, %slice3A_717, %slice3A_716 : vector<512x128xf32>
    %jit3A_727 = arith.constant 384 : i32
    %jit3A_728 = arith.constant 256 : i32
    %broadcast_in_dim3A_729 = vector.broadcast %jit3A_727 : i32 to vector<512x128xi32>
    %broadcast_in_dim3A_730 = vector.broadcast %jit3A_728 : i32 to vector<512x128xi32>
    %select_n3A_731 = arith.select %lt3A_726, %broadcast_in_dim3A_729, %broadcast_in_dim3A_730 : vector<512x128xi1>, vector<512x128xi32>
    %min3A_732 = arith.minimumf %min3A_718, %min3A_725 : vector<512x128xf32>
    %lt3A_733 = arith.cmpf olt, %min3A_725, %min3A_718 : vector<512x128xf32>
    %add3A_734 = arith.constant 2048 : i32
    %add3A_735 = vector.broadcast %add3A_734 : i32 to vector<512x128xi32>
    %add3A_736 = arith.addi %select_n3A_731, %add3A_735 : vector<512x128xi32>
    %add3A_737 = arith.constant 2048 : i32
    %add3A_738 = vector.broadcast %add3A_737 : i32 to vector<512x128xi32>
    %add3A_739 = arith.addi %select_n3A_724, %add3A_738 : vector<512x128xi32>
    %select_n3A_740 = arith.select %lt3A_733, %add3A_736, %add3A_739 : vector<512x128xi1>, vector<512x128xi32>
    %lt3A_741 = arith.cmpf olt, %min3A_732, %min3A_581 : vector<512x128xf32>
    %min3A_742 = arith.minimumf %min3A_581, %min3A_732 : vector<512x128xf32>
    %select_n3A_743 = arith.select %lt3A_741, %select_n3A_740, %select_n3A_582 : vector<512x128xi1>, vector<512x128xi32>
    %slice3A_744 = vector.extract_strided_slice %mul3A_5 {offsets = [1024, 0], sizes = [512, 32], strides = [1, 1]} : vector<2048x32xf32> to vector<512x32xf32>
    %slice3A_745 = vector.extract_strided_slice %broadcast_in_dim3A {offsets = [1024, 0], sizes = [512, 1], strides = [1, 1]} : vector<2048x1xf32> to vector<512x1xf32>
    %dot_general3A_746 = arith.constant dense<0.000000e+00> : vector<512x512xf32>
    %dot_general3A_747 = tpu.matmul %slice3A_744, %get3A_663, %dot_general3A_746 {dimension_numbers = #tpu.dot_dimension_numbers<[1], [1], [0], [0], [0, 0, 1, 0], [], []>, transpose_lhs_hint = false} : vector<512x32xf32>, vector<512x32xf32>, vector<512x512xf32> -> vector<512x512xf32>
    %broadcast_in_dim3A_748 = vector.shape_cast %get3A_665 : vector<512xf32> to vector<1x512xf32>
    %add3A_749 = vector.broadcast %slice3A_745 : vector<512x1xf32> to vector<512x512xf32>
    %add3A_750 = vector.broadcast %broadcast_in_dim3A_748 : vector<1x512xf32> to vector<512x512xf32>
    %add3A_751 = arith.addf %add3A_749, %add3A_750 : vector<512x512xf32>
    %add3A_752 = arith.addf %add3A_751, %dot_general3A_747 : vector<512x512xf32>
    %slice3A_753 = vector.extract_strided_slice %add3A_752 {offsets = [0, 0], sizes = [512, 128], strides = [1, 1]} : vector<512x512xf32> to vector<512x128xf32>
    %slice3A_754 = vector.extract_strided_slice %add3A_752 {offsets = [0, 128], sizes = [512, 128], strides = [1, 1]} : vector<512x512xf32> to vector<512x128xf32>
    %slice3A_755 = vector.extract_strided_slice %add3A_752 {offsets = [0, 256], sizes = [512, 128], strides = [1, 1]} : vector<512x512xf32> to vector<512x128xf32>
    %slice3A_756 = vector.extract_strided_slice %add3A_752 {offsets = [0, 384], sizes = [512, 128], strides = [1, 1]} : vector<512x512xf32> to vector<512x128xf32>
    %min3A_757 = arith.minimumf %slice3A_753, %slice3A_754 : vector<512x128xf32>
    %lt3A_758 = arith.cmpf olt, %slice3A_754, %slice3A_753 : vector<512x128xf32>
    %jit3A_759 = arith.constant 128 : i32
    %jit3A_760 = arith.constant 0 : i32
    %broadcast_in_dim3A_761 = vector.broadcast %jit3A_759 : i32 to vector<512x128xi32>
    %broadcast_in_dim3A_762 = vector.broadcast %jit3A_760 : i32 to vector<512x128xi32>
    %select_n3A_763 = arith.select %lt3A_758, %broadcast_in_dim3A_761, %broadcast_in_dim3A_762 : vector<512x128xi1>, vector<512x128xi32>
    %min3A_764 = arith.minimumf %slice3A_755, %slice3A_756 : vector<512x128xf32>
    %lt3A_765 = arith.cmpf olt, %slice3A_756, %slice3A_755 : vector<512x128xf32>
    %jit3A_766 = arith.constant 384 : i32
    %jit3A_767 = arith.constant 256 : i32
    %broadcast_in_dim3A_768 = vector.broadcast %jit3A_766 : i32 to vector<512x128xi32>
    %broadcast_in_dim3A_769 = vector.broadcast %jit3A_767 : i32 to vector<512x128xi32>
    %select_n3A_770 = arith.select %lt3A_765, %broadcast_in_dim3A_768, %broadcast_in_dim3A_769 : vector<512x128xi1>, vector<512x128xi32>
    %min3A_771 = arith.minimumf %min3A_757, %min3A_764 : vector<512x128xf32>
    %lt3A_772 = arith.cmpf olt, %min3A_764, %min3A_757 : vector<512x128xf32>
    %add3A_773 = arith.constant 2048 : i32
    %add3A_774 = vector.broadcast %add3A_773 : i32 to vector<512x128xi32>
    %add3A_775 = arith.addi %select_n3A_770, %add3A_774 : vector<512x128xi32>
    %add3A_776 = arith.constant 2048 : i32
    %add3A_777 = vector.broadcast %add3A_776 : i32 to vector<512x128xi32>
    %add3A_778 = arith.addi %select_n3A_763, %add3A_777 : vector<512x128xi32>
    %select_n3A_779 = arith.select %lt3A_772, %add3A_775, %add3A_778 : vector<512x128xi1>, vector<512x128xi32>
    %lt3A_780 = arith.cmpf olt, %min3A_771, %min3A_620 : vector<512x128xf32>
    %min3A_781 = arith.minimumf %min3A_620, %min3A_771 : vector<512x128xf32>
    %select_n3A_782 = arith.select %lt3A_780, %select_n3A_779, %select_n3A_621 : vector<512x128xi1>, vector<512x128xi32>
    %slice3A_783 = vector.extract_strided_slice %mul3A_5 {offsets = [1536, 0], sizes = [512, 32], strides = [1, 1]} : vector<2048x32xf32> to vector<512x32xf32>
    %slice3A_784 = vector.extract_strided_slice %broadcast_in_dim3A {offsets = [1536, 0], sizes = [512, 1], strides = [1, 1]} : vector<2048x1xf32> to vector<512x1xf32>
    %dot_general3A_785 = arith.constant dense<0.000000e+00> : vector<512x512xf32>
    %dot_general3A_786 = tpu.matmul %slice3A_783, %get3A_663, %dot_general3A_785 {dimension_numbers = #tpu.dot_dimension_numbers<[1], [1], [0], [0], [0, 0, 1, 0], [], []>, transpose_lhs_hint = false} : vector<512x32xf32>, vector<512x32xf32>, vector<512x512xf32> -> vector<512x512xf32>
    %broadcast_in_dim3A_787 = vector.shape_cast %get3A_665 : vector<512xf32> to vector<1x512xf32>
    %add3A_788 = vector.broadcast %slice3A_784 : vector<512x1xf32> to vector<512x512xf32>
    %add3A_789 = vector.broadcast %broadcast_in_dim3A_787 : vector<1x512xf32> to vector<512x512xf32>
    %add3A_790 = arith.addf %add3A_788, %add3A_789 : vector<512x512xf32>
    %add3A_791 = arith.addf %add3A_790, %dot_general3A_786 : vector<512x512xf32>
    %slice3A_792 = vector.extract_strided_slice %add3A_791 {offsets = [0, 0], sizes = [512, 128], strides = [1, 1]} : vector<512x512xf32> to vector<512x128xf32>
    %slice3A_793 = vector.extract_strided_slice %add3A_791 {offsets = [0, 128], sizes = [512, 128], strides = [1, 1]} : vector<512x512xf32> to vector<512x128xf32>
    %slice3A_794 = vector.extract_strided_slice %add3A_791 {offsets = [0, 256], sizes = [512, 128], strides = [1, 1]} : vector<512x512xf32> to vector<512x128xf32>
    %slice3A_795 = vector.extract_strided_slice %add3A_791 {offsets = [0, 384], sizes = [512, 128], strides = [1, 1]} : vector<512x512xf32> to vector<512x128xf32>
    %min3A_796 = arith.minimumf %slice3A_792, %slice3A_793 : vector<512x128xf32>
    %lt3A_797 = arith.cmpf olt, %slice3A_793, %slice3A_792 : vector<512x128xf32>
    %jit3A_798 = arith.constant 128 : i32
    %jit3A_799 = arith.constant 0 : i32
    %broadcast_in_dim3A_800 = vector.broadcast %jit3A_798 : i32 to vector<512x128xi32>
    %broadcast_in_dim3A_801 = vector.broadcast %jit3A_799 : i32 to vector<512x128xi32>
    %select_n3A_802 = arith.select %lt3A_797, %broadcast_in_dim3A_800, %broadcast_in_dim3A_801 : vector<512x128xi1>, vector<512x128xi32>
    %min3A_803 = arith.minimumf %slice3A_794, %slice3A_795 : vector<512x128xf32>
    %lt3A_804 = arith.cmpf olt, %slice3A_795, %slice3A_794 : vector<512x128xf32>
    %jit3A_805 = arith.constant 384 : i32
    %jit3A_806 = arith.constant 256 : i32
    %broadcast_in_dim3A_807 = vector.broadcast %jit3A_805 : i32 to vector<512x128xi32>
    %broadcast_in_dim3A_808 = vector.broadcast %jit3A_806 : i32 to vector<512x128xi32>
    %select_n3A_809 = arith.select %lt3A_804, %broadcast_in_dim3A_807, %broadcast_in_dim3A_808 : vector<512x128xi1>, vector<512x128xi32>
    %min3A_810 = arith.minimumf %min3A_796, %min3A_803 : vector<512x128xf32>
    %lt3A_811 = arith.cmpf olt, %min3A_803, %min3A_796 : vector<512x128xf32>
    %add3A_812 = arith.constant 2048 : i32
    %add3A_813 = vector.broadcast %add3A_812 : i32 to vector<512x128xi32>
    %add3A_814 = arith.addi %select_n3A_809, %add3A_813 : vector<512x128xi32>
    %add3A_815 = arith.constant 2048 : i32
    %add3A_816 = vector.broadcast %add3A_815 : i32 to vector<512x128xi32>
    %add3A_817 = arith.addi %select_n3A_802, %add3A_816 : vector<512x128xi32>
    %select_n3A_818 = arith.select %lt3A_811, %add3A_814, %add3A_817 : vector<512x128xi1>, vector<512x128xi32>
    %lt3A_819 = arith.cmpf olt, %min3A_810, %min3A_659 : vector<512x128xf32>
    %min3A_820 = arith.minimumf %min3A_659, %min3A_810 : vector<512x128xf32>
    %select_n3A_821 = arith.select %lt3A_819, %select_n3A_818, %select_n3A_660 : vector<512x128xi1>, vector<512x128xi32>
    %get3A_822 = arith.constant 2560 : index
    %get3A_823 = arith.constant 0 : index
    %get3A_824 = vector.load %arg2[%get3A_822, %get3A_823] : memref<8192x32xf32, #tpu.memory_space<vmem>>, vector<512x32xf32>
    %get3A_825 = arith.constant 2560 : index
    %get3A_826 = vector.load %arg5[%get3A_825] : memref<8192xf32, #tpu.memory_space<vmem>>, vector<512xf32>
    %slice3A_827 = vector.extract_strided_slice %mul3A_5 {offsets = [0, 0], sizes = [512, 32], strides = [1, 1]} : vector<2048x32xf32> to vector<512x32xf32>
    %slice3A_828 = vector.extract_strided_slice %broadcast_in_dim3A {offsets = [0, 0], sizes = [512, 1], strides = [1, 1]} : vector<2048x1xf32> to vector<512x1xf32>
    %dot_general3A_829 = arith.constant dense<0.000000e+00> : vector<512x512xf32>
    %dot_general3A_830 = tpu.matmul %slice3A_827, %get3A_824, %dot_general3A_829 {dimension_numbers = #tpu.dot_dimension_numbers<[1], [1], [0], [0], [0, 0, 1, 0], [], []>, transpose_lhs_hint = false} : vector<512x32xf32>, vector<512x32xf32>, vector<512x512xf32> -> vector<512x512xf32>
    %broadcast_in_dim3A_831 = vector.shape_cast %get3A_826 : vector<512xf32> to vector<1x512xf32>
    %add3A_832 = vector.broadcast %slice3A_828 : vector<512x1xf32> to vector<512x512xf32>
    %add3A_833 = vector.broadcast %broadcast_in_dim3A_831 : vector<1x512xf32> to vector<512x512xf32>
    %add3A_834 = arith.addf %add3A_832, %add3A_833 : vector<512x512xf32>
    %add3A_835 = arith.addf %add3A_834, %dot_general3A_830 : vector<512x512xf32>
    %slice3A_836 = vector.extract_strided_slice %add3A_835 {offsets = [0, 0], sizes = [512, 128], strides = [1, 1]} : vector<512x512xf32> to vector<512x128xf32>
    %slice3A_837 = vector.extract_strided_slice %add3A_835 {offsets = [0, 128], sizes = [512, 128], strides = [1, 1]} : vector<512x512xf32> to vector<512x128xf32>
    %slice3A_838 = vector.extract_strided_slice %add3A_835 {offsets = [0, 256], sizes = [512, 128], strides = [1, 1]} : vector<512x512xf32> to vector<512x128xf32>
    %slice3A_839 = vector.extract_strided_slice %add3A_835 {offsets = [0, 384], sizes = [512, 128], strides = [1, 1]} : vector<512x512xf32> to vector<512x128xf32>
    %min3A_840 = arith.minimumf %slice3A_836, %slice3A_837 : vector<512x128xf32>
    %lt3A_841 = arith.cmpf olt, %slice3A_837, %slice3A_836 : vector<512x128xf32>
    %jit3A_842 = arith.constant 128 : i32
    %jit3A_843 = arith.constant 0 : i32
    %broadcast_in_dim3A_844 = vector.broadcast %jit3A_842 : i32 to vector<512x128xi32>
    %broadcast_in_dim3A_845 = vector.broadcast %jit3A_843 : i32 to vector<512x128xi32>
    %select_n3A_846 = arith.select %lt3A_841, %broadcast_in_dim3A_844, %broadcast_in_dim3A_845 : vector<512x128xi1>, vector<512x128xi32>
    %min3A_847 = arith.minimumf %slice3A_838, %slice3A_839 : vector<512x128xf32>
    %lt3A_848 = arith.cmpf olt, %slice3A_839, %slice3A_838 : vector<512x128xf32>
    %jit3A_849 = arith.constant 384 : i32
    %jit3A_850 = arith.constant 256 : i32
    %broadcast_in_dim3A_851 = vector.broadcast %jit3A_849 : i32 to vector<512x128xi32>
    %broadcast_in_dim3A_852 = vector.broadcast %jit3A_850 : i32 to vector<512x128xi32>
    %select_n3A_853 = arith.select %lt3A_848, %broadcast_in_dim3A_851, %broadcast_in_dim3A_852 : vector<512x128xi1>, vector<512x128xi32>
    %min3A_854 = arith.minimumf %min3A_840, %min3A_847 : vector<512x128xf32>
    %lt3A_855 = arith.cmpf olt, %min3A_847, %min3A_840 : vector<512x128xf32>
    %add3A_856 = arith.constant 2560 : i32
    %add3A_857 = vector.broadcast %add3A_856 : i32 to vector<512x128xi32>
    %add3A_858 = arith.addi %select_n3A_853, %add3A_857 : vector<512x128xi32>
    %add3A_859 = arith.constant 2560 : i32
    %add3A_860 = vector.broadcast %add3A_859 : i32 to vector<512x128xi32>
    %add3A_861 = arith.addi %select_n3A_846, %add3A_860 : vector<512x128xi32>
    %select_n3A_862 = arith.select %lt3A_855, %add3A_858, %add3A_861 : vector<512x128xi1>, vector<512x128xi32>
    %lt3A_863 = arith.cmpf olt, %min3A_854, %min3A_703 : vector<512x128xf32>
    %min3A_864 = arith.minimumf %min3A_703, %min3A_854 : vector<512x128xf32>
    %select_n3A_865 = arith.select %lt3A_863, %select_n3A_862, %select_n3A_704 : vector<512x128xi1>, vector<512x128xi32>
    %slice3A_866 = vector.extract_strided_slice %mul3A_5 {offsets = [512, 0], sizes = [512, 32], strides = [1, 1]} : vector<2048x32xf32> to vector<512x32xf32>
    %slice3A_867 = vector.extract_strided_slice %broadcast_in_dim3A {offsets = [512, 0], sizes = [512, 1], strides = [1, 1]} : vector<2048x1xf32> to vector<512x1xf32>
    %dot_general3A_868 = arith.constant dense<0.000000e+00> : vector<512x512xf32>
    %dot_general3A_869 = tpu.matmul %slice3A_866, %get3A_824, %dot_general3A_868 {dimension_numbers = #tpu.dot_dimension_numbers<[1], [1], [0], [0], [0, 0, 1, 0], [], []>, transpose_lhs_hint = false} : vector<512x32xf32>, vector<512x32xf32>, vector<512x512xf32> -> vector<512x512xf32>
    %broadcast_in_dim3A_870 = vector.shape_cast %get3A_826 : vector<512xf32> to vector<1x512xf32>
    %add3A_871 = vector.broadcast %slice3A_867 : vector<512x1xf32> to vector<512x512xf32>
    %add3A_872 = vector.broadcast %broadcast_in_dim3A_870 : vector<1x512xf32> to vector<512x512xf32>
    %add3A_873 = arith.addf %add3A_871, %add3A_872 : vector<512x512xf32>
    %add3A_874 = arith.addf %add3A_873, %dot_general3A_869 : vector<512x512xf32>
    %slice3A_875 = vector.extract_strided_slice %add3A_874 {offsets = [0, 0], sizes = [512, 128], strides = [1, 1]} : vector<512x512xf32> to vector<512x128xf32>
    %slice3A_876 = vector.extract_strided_slice %add3A_874 {offsets = [0, 128], sizes = [512, 128], strides = [1, 1]} : vector<512x512xf32> to vector<512x128xf32>
    %slice3A_877 = vector.extract_strided_slice %add3A_874 {offsets = [0, 256], sizes = [512, 128], strides = [1, 1]} : vector<512x512xf32> to vector<512x128xf32>
    %slice3A_878 = vector.extract_strided_slice %add3A_874 {offsets = [0, 384], sizes = [512, 128], strides = [1, 1]} : vector<512x512xf32> to vector<512x128xf32>
    %min3A_879 = arith.minimumf %slice3A_875, %slice3A_876 : vector<512x128xf32>
    %lt3A_880 = arith.cmpf olt, %slice3A_876, %slice3A_875 : vector<512x128xf32>
    %jit3A_881 = arith.constant 128 : i32
    %jit3A_882 = arith.constant 0 : i32
    %broadcast_in_dim3A_883 = vector.broadcast %jit3A_881 : i32 to vector<512x128xi32>
    %broadcast_in_dim3A_884 = vector.broadcast %jit3A_882 : i32 to vector<512x128xi32>
    %select_n3A_885 = arith.select %lt3A_880, %broadcast_in_dim3A_883, %broadcast_in_dim3A_884 : vector<512x128xi1>, vector<512x128xi32>
    %min3A_886 = arith.minimumf %slice3A_877, %slice3A_878 : vector<512x128xf32>
    %lt3A_887 = arith.cmpf olt, %slice3A_878, %slice3A_877 : vector<512x128xf32>
    %jit3A_888 = arith.constant 384 : i32
    %jit3A_889 = arith.constant 256 : i32
    %broadcast_in_dim3A_890 = vector.broadcast %jit3A_888 : i32 to vector<512x128xi32>
    %broadcast_in_dim3A_891 = vector.broadcast %jit3A_889 : i32 to vector<512x128xi32>
    %select_n3A_892 = arith.select %lt3A_887, %broadcast_in_dim3A_890, %broadcast_in_dim3A_891 : vector<512x128xi1>, vector<512x128xi32>
    %min3A_893 = arith.minimumf %min3A_879, %min3A_886 : vector<512x128xf32>
    %lt3A_894 = arith.cmpf olt, %min3A_886, %min3A_879 : vector<512x128xf32>
    %add3A_895 = arith.constant 2560 : i32
    %add3A_896 = vector.broadcast %add3A_895 : i32 to vector<512x128xi32>
    %add3A_897 = arith.addi %select_n3A_892, %add3A_896 : vector<512x128xi32>
    %add3A_898 = arith.constant 2560 : i32
    %add3A_899 = vector.broadcast %add3A_898 : i32 to vector<512x128xi32>
    %add3A_900 = arith.addi %select_n3A_885, %add3A_899 : vector<512x128xi32>
    %select_n3A_901 = arith.select %lt3A_894, %add3A_897, %add3A_900 : vector<512x128xi1>, vector<512x128xi32>
    %lt3A_902 = arith.cmpf olt, %min3A_893, %min3A_742 : vector<512x128xf32>
    %min3A_903 = arith.minimumf %min3A_742, %min3A_893 : vector<512x128xf32>
    %select_n3A_904 = arith.select %lt3A_902, %select_n3A_901, %select_n3A_743 : vector<512x128xi1>, vector<512x128xi32>
    %slice3A_905 = vector.extract_strided_slice %mul3A_5 {offsets = [1024, 0], sizes = [512, 32], strides = [1, 1]} : vector<2048x32xf32> to vector<512x32xf32>
    %slice3A_906 = vector.extract_strided_slice %broadcast_in_dim3A {offsets = [1024, 0], sizes = [512, 1], strides = [1, 1]} : vector<2048x1xf32> to vector<512x1xf32>
    %dot_general3A_907 = arith.constant dense<0.000000e+00> : vector<512x512xf32>
    %dot_general3A_908 = tpu.matmul %slice3A_905, %get3A_824, %dot_general3A_907 {dimension_numbers = #tpu.dot_dimension_numbers<[1], [1], [0], [0], [0, 0, 1, 0], [], []>, transpose_lhs_hint = false} : vector<512x32xf32>, vector<512x32xf32>, vector<512x512xf32> -> vector<512x512xf32>
    %broadcast_in_dim3A_909 = vector.shape_cast %get3A_826 : vector<512xf32> to vector<1x512xf32>
    %add3A_910 = vector.broadcast %slice3A_906 : vector<512x1xf32> to vector<512x512xf32>
    %add3A_911 = vector.broadcast %broadcast_in_dim3A_909 : vector<1x512xf32> to vector<512x512xf32>
    %add3A_912 = arith.addf %add3A_910, %add3A_911 : vector<512x512xf32>
    %add3A_913 = arith.addf %add3A_912, %dot_general3A_908 : vector<512x512xf32>
    %slice3A_914 = vector.extract_strided_slice %add3A_913 {offsets = [0, 0], sizes = [512, 128], strides = [1, 1]} : vector<512x512xf32> to vector<512x128xf32>
    %slice3A_915 = vector.extract_strided_slice %add3A_913 {offsets = [0, 128], sizes = [512, 128], strides = [1, 1]} : vector<512x512xf32> to vector<512x128xf32>
    %slice3A_916 = vector.extract_strided_slice %add3A_913 {offsets = [0, 256], sizes = [512, 128], strides = [1, 1]} : vector<512x512xf32> to vector<512x128xf32>
    %slice3A_917 = vector.extract_strided_slice %add3A_913 {offsets = [0, 384], sizes = [512, 128], strides = [1, 1]} : vector<512x512xf32> to vector<512x128xf32>
    %min3A_918 = arith.minimumf %slice3A_914, %slice3A_915 : vector<512x128xf32>
    %lt3A_919 = arith.cmpf olt, %slice3A_915, %slice3A_914 : vector<512x128xf32>
    %jit3A_920 = arith.constant 128 : i32
    %jit3A_921 = arith.constant 0 : i32
    %broadcast_in_dim3A_922 = vector.broadcast %jit3A_920 : i32 to vector<512x128xi32>
    %broadcast_in_dim3A_923 = vector.broadcast %jit3A_921 : i32 to vector<512x128xi32>
    %select_n3A_924 = arith.select %lt3A_919, %broadcast_in_dim3A_922, %broadcast_in_dim3A_923 : vector<512x128xi1>, vector<512x128xi32>
    %min3A_925 = arith.minimumf %slice3A_916, %slice3A_917 : vector<512x128xf32>
    %lt3A_926 = arith.cmpf olt, %slice3A_917, %slice3A_916 : vector<512x128xf32>
    %jit3A_927 = arith.constant 384 : i32
    %jit3A_928 = arith.constant 256 : i32
    %broadcast_in_dim3A_929 = vector.broadcast %jit3A_927 : i32 to vector<512x128xi32>
    %broadcast_in_dim3A_930 = vector.broadcast %jit3A_928 : i32 to vector<512x128xi32>
    %select_n3A_931 = arith.select %lt3A_926, %broadcast_in_dim3A_929, %broadcast_in_dim3A_930 : vector<512x128xi1>, vector<512x128xi32>
    %min3A_932 = arith.minimumf %min3A_918, %min3A_925 : vector<512x128xf32>
    %lt3A_933 = arith.cmpf olt, %min3A_925, %min3A_918 : vector<512x128xf32>
    %add3A_934 = arith.constant 2560 : i32
    %add3A_935 = vector.broadcast %add3A_934 : i32 to vector<512x128xi32>
    %add3A_936 = arith.addi %select_n3A_931, %add3A_935 : vector<512x128xi32>
    %add3A_937 = arith.constant 2560 : i32
    %add3A_938 = vector.broadcast %add3A_937 : i32 to vector<512x128xi32>
    %add3A_939 = arith.addi %select_n3A_924, %add3A_938 : vector<512x128xi32>
    %select_n3A_940 = arith.select %lt3A_933, %add3A_936, %add3A_939 : vector<512x128xi1>, vector<512x128xi32>
    %lt3A_941 = arith.cmpf olt, %min3A_932, %min3A_781 : vector<512x128xf32>
    %min3A_942 = arith.minimumf %min3A_781, %min3A_932 : vector<512x128xf32>
    %select_n3A_943 = arith.select %lt3A_941, %select_n3A_940, %select_n3A_782 : vector<512x128xi1>, vector<512x128xi32>
    %slice3A_944 = vector.extract_strided_slice %mul3A_5 {offsets = [1536, 0], sizes = [512, 32], strides = [1, 1]} : vector<2048x32xf32> to vector<512x32xf32>
    %slice3A_945 = vector.extract_strided_slice %broadcast_in_dim3A {offsets = [1536, 0], sizes = [512, 1], strides = [1, 1]} : vector<2048x1xf32> to vector<512x1xf32>
    %dot_general3A_946 = arith.constant dense<0.000000e+00> : vector<512x512xf32>
    %dot_general3A_947 = tpu.matmul %slice3A_944, %get3A_824, %dot_general3A_946 {dimension_numbers = #tpu.dot_dimension_numbers<[1], [1], [0], [0], [0, 0, 1, 0], [], []>, transpose_lhs_hint = false} : vector<512x32xf32>, vector<512x32xf32>, vector<512x512xf32> -> vector<512x512xf32>
    %broadcast_in_dim3A_948 = vector.shape_cast %get3A_826 : vector<512xf32> to vector<1x512xf32>
    %add3A_949 = vector.broadcast %slice3A_945 : vector<512x1xf32> to vector<512x512xf32>
    %add3A_950 = vector.broadcast %broadcast_in_dim3A_948 : vector<1x512xf32> to vector<512x512xf32>
    %add3A_951 = arith.addf %add3A_949, %add3A_950 : vector<512x512xf32>
    %add3A_952 = arith.addf %add3A_951, %dot_general3A_947 : vector<512x512xf32>
    %slice3A_953 = vector.extract_strided_slice %add3A_952 {offsets = [0, 0], sizes = [512, 128], strides = [1, 1]} : vector<512x512xf32> to vector<512x128xf32>
    %slice3A_954 = vector.extract_strided_slice %add3A_952 {offsets = [0, 128], sizes = [512, 128], strides = [1, 1]} : vector<512x512xf32> to vector<512x128xf32>
    %slice3A_955 = vector.extract_strided_slice %add3A_952 {offsets = [0, 256], sizes = [512, 128], strides = [1, 1]} : vector<512x512xf32> to vector<512x128xf32>
    %slice3A_956 = vector.extract_strided_slice %add3A_952 {offsets = [0, 384], sizes = [512, 128], strides = [1, 1]} : vector<512x512xf32> to vector<512x128xf32>
    %min3A_957 = arith.minimumf %slice3A_953, %slice3A_954 : vector<512x128xf32>
    %lt3A_958 = arith.cmpf olt, %slice3A_954, %slice3A_953 : vector<512x128xf32>
    %jit3A_959 = arith.constant 128 : i32
    %jit3A_960 = arith.constant 0 : i32
    %broadcast_in_dim3A_961 = vector.broadcast %jit3A_959 : i32 to vector<512x128xi32>
    %broadcast_in_dim3A_962 = vector.broadcast %jit3A_960 : i32 to vector<512x128xi32>
    %select_n3A_963 = arith.select %lt3A_958, %broadcast_in_dim3A_961, %broadcast_in_dim3A_962 : vector<512x128xi1>, vector<512x128xi32>
    %min3A_964 = arith.minimumf %slice3A_955, %slice3A_956 : vector<512x128xf32>
    %lt3A_965 = arith.cmpf olt, %slice3A_956, %slice3A_955 : vector<512x128xf32>
    %jit3A_966 = arith.constant 384 : i32
    %jit3A_967 = arith.constant 256 : i32
    %broadcast_in_dim3A_968 = vector.broadcast %jit3A_966 : i32 to vector<512x128xi32>
    %broadcast_in_dim3A_969 = vector.broadcast %jit3A_967 : i32 to vector<512x128xi32>
    %select_n3A_970 = arith.select %lt3A_965, %broadcast_in_dim3A_968, %broadcast_in_dim3A_969 : vector<512x128xi1>, vector<512x128xi32>
    %min3A_971 = arith.minimumf %min3A_957, %min3A_964 : vector<512x128xf32>
    %lt3A_972 = arith.cmpf olt, %min3A_964, %min3A_957 : vector<512x128xf32>
    %add3A_973 = arith.constant 2560 : i32
    %add3A_974 = vector.broadcast %add3A_973 : i32 to vector<512x128xi32>
    %add3A_975 = arith.addi %select_n3A_970, %add3A_974 : vector<512x128xi32>
    %add3A_976 = arith.constant 2560 : i32
    %add3A_977 = vector.broadcast %add3A_976 : i32 to vector<512x128xi32>
    %add3A_978 = arith.addi %select_n3A_963, %add3A_977 : vector<512x128xi32>
    %select_n3A_979 = arith.select %lt3A_972, %add3A_975, %add3A_978 : vector<512x128xi1>, vector<512x128xi32>
    %lt3A_980 = arith.cmpf olt, %min3A_971, %min3A_820 : vector<512x128xf32>
    %min3A_981 = arith.minimumf %min3A_820, %min3A_971 : vector<512x128xf32>
    %select_n3A_982 = arith.select %lt3A_980, %select_n3A_979, %select_n3A_821 : vector<512x128xi1>, vector<512x128xi32>
    %get3A_983 = arith.constant 3072 : index
    %get3A_984 = arith.constant 0 : index
    %get3A_985 = vector.load %arg2[%get3A_983, %get3A_984] : memref<8192x32xf32, #tpu.memory_space<vmem>>, vector<512x32xf32>
    %get3A_986 = arith.constant 3072 : index
    %get3A_987 = vector.load %arg5[%get3A_986] : memref<8192xf32, #tpu.memory_space<vmem>>, vector<512xf32>
    %slice3A_988 = vector.extract_strided_slice %mul3A_5 {offsets = [0, 0], sizes = [512, 32], strides = [1, 1]} : vector<2048x32xf32> to vector<512x32xf32>
    %slice3A_989 = vector.extract_strided_slice %broadcast_in_dim3A {offsets = [0, 0], sizes = [512, 1], strides = [1, 1]} : vector<2048x1xf32> to vector<512x1xf32>
    %dot_general3A_990 = arith.constant dense<0.000000e+00> : vector<512x512xf32>
    %dot_general3A_991 = tpu.matmul %slice3A_988, %get3A_985, %dot_general3A_990 {dimension_numbers = #tpu.dot_dimension_numbers<[1], [1], [0], [0], [0, 0, 1, 0], [], []>, transpose_lhs_hint = false} : vector<512x32xf32>, vector<512x32xf32>, vector<512x512xf32> -> vector<512x512xf32>
    %broadcast_in_dim3A_992 = vector.shape_cast %get3A_987 : vector<512xf32> to vector<1x512xf32>
    %add3A_993 = vector.broadcast %slice3A_989 : vector<512x1xf32> to vector<512x512xf32>
    %add3A_994 = vector.broadcast %broadcast_in_dim3A_992 : vector<1x512xf32> to vector<512x512xf32>
    %add3A_995 = arith.addf %add3A_993, %add3A_994 : vector<512x512xf32>
    %add3A_996 = arith.addf %add3A_995, %dot_general3A_991 : vector<512x512xf32>
    %slice3A_997 = vector.extract_strided_slice %add3A_996 {offsets = [0, 0], sizes = [512, 128], strides = [1, 1]} : vector<512x512xf32> to vector<512x128xf32>
    %slice3A_998 = vector.extract_strided_slice %add3A_996 {offsets = [0, 128], sizes = [512, 128], strides = [1, 1]} : vector<512x512xf32> to vector<512x128xf32>
    %slice3A_999 = vector.extract_strided_slice %add3A_996 {offsets = [0, 256], sizes = [512, 128], strides = [1, 1]} : vector<512x512xf32> to vector<512x128xf32>
    %slice3A_1000 = vector.extract_strided_slice %add3A_996 {offsets = [0, 384], sizes = [512, 128], strides = [1, 1]} : vector<512x512xf32> to vector<512x128xf32>
    %min3A_1001 = arith.minimumf %slice3A_997, %slice3A_998 : vector<512x128xf32>
    %lt3A_1002 = arith.cmpf olt, %slice3A_998, %slice3A_997 : vector<512x128xf32>
    %jit3A_1003 = arith.constant 128 : i32
    %jit3A_1004 = arith.constant 0 : i32
    %broadcast_in_dim3A_1005 = vector.broadcast %jit3A_1003 : i32 to vector<512x128xi32>
    %broadcast_in_dim3A_1006 = vector.broadcast %jit3A_1004 : i32 to vector<512x128xi32>
    %select_n3A_1007 = arith.select %lt3A_1002, %broadcast_in_dim3A_1005, %broadcast_in_dim3A_1006 : vector<512x128xi1>, vector<512x128xi32>
    %min3A_1008 = arith.minimumf %slice3A_999, %slice3A_1000 : vector<512x128xf32>
    %lt3A_1009 = arith.cmpf olt, %slice3A_1000, %slice3A_999 : vector<512x128xf32>
    %jit3A_1010 = arith.constant 384 : i32
    %jit3A_1011 = arith.constant 256 : i32
    %broadcast_in_dim3A_1012 = vector.broadcast %jit3A_1010 : i32 to vector<512x128xi32>
    %broadcast_in_dim3A_1013 = vector.broadcast %jit3A_1011 : i32 to vector<512x128xi32>
    %select_n3A_1014 = arith.select %lt3A_1009, %broadcast_in_dim3A_1012, %broadcast_in_dim3A_1013 : vector<512x128xi1>, vector<512x128xi32>
    %min3A_1015 = arith.minimumf %min3A_1001, %min3A_1008 : vector<512x128xf32>
    %lt3A_1016 = arith.cmpf olt, %min3A_1008, %min3A_1001 : vector<512x128xf32>
    %add3A_1017 = arith.constant 3072 : i32
    %add3A_1018 = vector.broadcast %add3A_1017 : i32 to vector<512x128xi32>
    %add3A_1019 = arith.addi %select_n3A_1014, %add3A_1018 : vector<512x128xi32>
    %add3A_1020 = arith.constant 3072 : i32
    %add3A_1021 = vector.broadcast %add3A_1020 : i32 to vector<512x128xi32>
    %add3A_1022 = arith.addi %select_n3A_1007, %add3A_1021 : vector<512x128xi32>
    %select_n3A_1023 = arith.select %lt3A_1016, %add3A_1019, %add3A_1022 : vector<512x128xi1>, vector<512x128xi32>
    %lt3A_1024 = arith.cmpf olt, %min3A_1015, %min3A_864 : vector<512x128xf32>
    %min3A_1025 = arith.minimumf %min3A_864, %min3A_1015 : vector<512x128xf32>
    %select_n3A_1026 = arith.select %lt3A_1024, %select_n3A_1023, %select_n3A_865 : vector<512x128xi1>, vector<512x128xi32>
    %slice3A_1027 = vector.extract_strided_slice %mul3A_5 {offsets = [512, 0], sizes = [512, 32], strides = [1, 1]} : vector<2048x32xf32> to vector<512x32xf32>
    %slice3A_1028 = vector.extract_strided_slice %broadcast_in_dim3A {offsets = [512, 0], sizes = [512, 1], strides = [1, 1]} : vector<2048x1xf32> to vector<512x1xf32>
    %dot_general3A_1029 = arith.constant dense<0.000000e+00> : vector<512x512xf32>
    %dot_general3A_1030 = tpu.matmul %slice3A_1027, %get3A_985, %dot_general3A_1029 {dimension_numbers = #tpu.dot_dimension_numbers<[1], [1], [0], [0], [0, 0, 1, 0], [], []>, transpose_lhs_hint = false} : vector<512x32xf32>, vector<512x32xf32>, vector<512x512xf32> -> vector<512x512xf32>
    %broadcast_in_dim3A_1031 = vector.shape_cast %get3A_987 : vector<512xf32> to vector<1x512xf32>
    %add3A_1032 = vector.broadcast %slice3A_1028 : vector<512x1xf32> to vector<512x512xf32>
    %add3A_1033 = vector.broadcast %broadcast_in_dim3A_1031 : vector<1x512xf32> to vector<512x512xf32>
    %add3A_1034 = arith.addf %add3A_1032, %add3A_1033 : vector<512x512xf32>
    %add3A_1035 = arith.addf %add3A_1034, %dot_general3A_1030 : vector<512x512xf32>
    %slice3A_1036 = vector.extract_strided_slice %add3A_1035 {offsets = [0, 0], sizes = [512, 128], strides = [1, 1]} : vector<512x512xf32> to vector<512x128xf32>
    %slice3A_1037 = vector.extract_strided_slice %add3A_1035 {offsets = [0, 128], sizes = [512, 128], strides = [1, 1]} : vector<512x512xf32> to vector<512x128xf32>
    %slice3A_1038 = vector.extract_strided_slice %add3A_1035 {offsets = [0, 256], sizes = [512, 128], strides = [1, 1]} : vector<512x512xf32> to vector<512x128xf32>
    %slice3A_1039 = vector.extract_strided_slice %add3A_1035 {offsets = [0, 384], sizes = [512, 128], strides = [1, 1]} : vector<512x512xf32> to vector<512x128xf32>
    %min3A_1040 = arith.minimumf %slice3A_1036, %slice3A_1037 : vector<512x128xf32>
    %lt3A_1041 = arith.cmpf olt, %slice3A_1037, %slice3A_1036 : vector<512x128xf32>
    %jit3A_1042 = arith.constant 128 : i32
    %jit3A_1043 = arith.constant 0 : i32
    %broadcast_in_dim3A_1044 = vector.broadcast %jit3A_1042 : i32 to vector<512x128xi32>
    %broadcast_in_dim3A_1045 = vector.broadcast %jit3A_1043 : i32 to vector<512x128xi32>
    %select_n3A_1046 = arith.select %lt3A_1041, %broadcast_in_dim3A_1044, %broadcast_in_dim3A_1045 : vector<512x128xi1>, vector<512x128xi32>
    %min3A_1047 = arith.minimumf %slice3A_1038, %slice3A_1039 : vector<512x128xf32>
    %lt3A_1048 = arith.cmpf olt, %slice3A_1039, %slice3A_1038 : vector<512x128xf32>
    %jit3A_1049 = arith.constant 384 : i32
    %jit3A_1050 = arith.constant 256 : i32
    %broadcast_in_dim3A_1051 = vector.broadcast %jit3A_1049 : i32 to vector<512x128xi32>
    %broadcast_in_dim3A_1052 = vector.broadcast %jit3A_1050 : i32 to vector<512x128xi32>
    %select_n3A_1053 = arith.select %lt3A_1048, %broadcast_in_dim3A_1051, %broadcast_in_dim3A_1052 : vector<512x128xi1>, vector<512x128xi32>
    %min3A_1054 = arith.minimumf %min3A_1040, %min3A_1047 : vector<512x128xf32>
    %lt3A_1055 = arith.cmpf olt, %min3A_1047, %min3A_1040 : vector<512x128xf32>
    %add3A_1056 = arith.constant 3072 : i32
    %add3A_1057 = vector.broadcast %add3A_1056 : i32 to vector<512x128xi32>
    %add3A_1058 = arith.addi %select_n3A_1053, %add3A_1057 : vector<512x128xi32>
    %add3A_1059 = arith.constant 3072 : i32
    %add3A_1060 = vector.broadcast %add3A_1059 : i32 to vector<512x128xi32>
    %add3A_1061 = arith.addi %select_n3A_1046, %add3A_1060 : vector<512x128xi32>
    %select_n3A_1062 = arith.select %lt3A_1055, %add3A_1058, %add3A_1061 : vector<512x128xi1>, vector<512x128xi32>
    %lt3A_1063 = arith.cmpf olt, %min3A_1054, %min3A_903 : vector<512x128xf32>
    %min3A_1064 = arith.minimumf %min3A_903, %min3A_1054 : vector<512x128xf32>
    %select_n3A_1065 = arith.select %lt3A_1063, %select_n3A_1062, %select_n3A_904 : vector<512x128xi1>, vector<512x128xi32>
    %slice3A_1066 = vector.extract_strided_slice %mul3A_5 {offsets = [1024, 0], sizes = [512, 32], strides = [1, 1]} : vector<2048x32xf32> to vector<512x32xf32>
    %slice3A_1067 = vector.extract_strided_slice %broadcast_in_dim3A {offsets = [1024, 0], sizes = [512, 1], strides = [1, 1]} : vector<2048x1xf32> to vector<512x1xf32>
    %dot_general3A_1068 = arith.constant dense<0.000000e+00> : vector<512x512xf32>
    %dot_general3A_1069 = tpu.matmul %slice3A_1066, %get3A_985, %dot_general3A_1068 {dimension_numbers = #tpu.dot_dimension_numbers<[1], [1], [0], [0], [0, 0, 1, 0], [], []>, transpose_lhs_hint = false} : vector<512x32xf32>, vector<512x32xf32>, vector<512x512xf32> -> vector<512x512xf32>
    %broadcast_in_dim3A_1070 = vector.shape_cast %get3A_987 : vector<512xf32> to vector<1x512xf32>
    %add3A_1071 = vector.broadcast %slice3A_1067 : vector<512x1xf32> to vector<512x512xf32>
    %add3A_1072 = vector.broadcast %broadcast_in_dim3A_1070 : vector<1x512xf32> to vector<512x512xf32>
    %add3A_1073 = arith.addf %add3A_1071, %add3A_1072 : vector<512x512xf32>
    %add3A_1074 = arith.addf %add3A_1073, %dot_general3A_1069 : vector<512x512xf32>
    %slice3A_1075 = vector.extract_strided_slice %add3A_1074 {offsets = [0, 0], sizes = [512, 128], strides = [1, 1]} : vector<512x512xf32> to vector<512x128xf32>
    %slice3A_1076 = vector.extract_strided_slice %add3A_1074 {offsets = [0, 128], sizes = [512, 128], strides = [1, 1]} : vector<512x512xf32> to vector<512x128xf32>
    %slice3A_1077 = vector.extract_strided_slice %add3A_1074 {offsets = [0, 256], sizes = [512, 128], strides = [1, 1]} : vector<512x512xf32> to vector<512x128xf32>
    %slice3A_1078 = vector.extract_strided_slice %add3A_1074 {offsets = [0, 384], sizes = [512, 128], strides = [1, 1]} : vector<512x512xf32> to vector<512x128xf32>
    %min3A_1079 = arith.minimumf %slice3A_1075, %slice3A_1076 : vector<512x128xf32>
    %lt3A_1080 = arith.cmpf olt, %slice3A_1076, %slice3A_1075 : vector<512x128xf32>
    %jit3A_1081 = arith.constant 128 : i32
    %jit3A_1082 = arith.constant 0 : i32
    %broadcast_in_dim3A_1083 = vector.broadcast %jit3A_1081 : i32 to vector<512x128xi32>
    %broadcast_in_dim3A_1084 = vector.broadcast %jit3A_1082 : i32 to vector<512x128xi32>
    %select_n3A_1085 = arith.select %lt3A_1080, %broadcast_in_dim3A_1083, %broadcast_in_dim3A_1084 : vector<512x128xi1>, vector<512x128xi32>
    %min3A_1086 = arith.minimumf %slice3A_1077, %slice3A_1078 : vector<512x128xf32>
    %lt3A_1087 = arith.cmpf olt, %slice3A_1078, %slice3A_1077 : vector<512x128xf32>
    %jit3A_1088 = arith.constant 384 : i32
    %jit3A_1089 = arith.constant 256 : i32
    %broadcast_in_dim3A_1090 = vector.broadcast %jit3A_1088 : i32 to vector<512x128xi32>
    %broadcast_in_dim3A_1091 = vector.broadcast %jit3A_1089 : i32 to vector<512x128xi32>
    %select_n3A_1092 = arith.select %lt3A_1087, %broadcast_in_dim3A_1090, %broadcast_in_dim3A_1091 : vector<512x128xi1>, vector<512x128xi32>
    %min3A_1093 = arith.minimumf %min3A_1079, %min3A_1086 : vector<512x128xf32>
    %lt3A_1094 = arith.cmpf olt, %min3A_1086, %min3A_1079 : vector<512x128xf32>
    %add3A_1095 = arith.constant 3072 : i32
    %add3A_1096 = vector.broadcast %add3A_1095 : i32 to vector<512x128xi32>
    %add3A_1097 = arith.addi %select_n3A_1092, %add3A_1096 : vector<512x128xi32>
    %add3A_1098 = arith.constant 3072 : i32
    %add3A_1099 = vector.broadcast %add3A_1098 : i32 to vector<512x128xi32>
    %add3A_1100 = arith.addi %select_n3A_1085, %add3A_1099 : vector<512x128xi32>
    %select_n3A_1101 = arith.select %lt3A_1094, %add3A_1097, %add3A_1100 : vector<512x128xi1>, vector<512x128xi32>
    %lt3A_1102 = arith.cmpf olt, %min3A_1093, %min3A_942 : vector<512x128xf32>
    %min3A_1103 = arith.minimumf %min3A_942, %min3A_1093 : vector<512x128xf32>
    %select_n3A_1104 = arith.select %lt3A_1102, %select_n3A_1101, %select_n3A_943 : vector<512x128xi1>, vector<512x128xi32>
    %slice3A_1105 = vector.extract_strided_slice %mul3A_5 {offsets = [1536, 0], sizes = [512, 32], strides = [1, 1]} : vector<2048x32xf32> to vector<512x32xf32>
    %slice3A_1106 = vector.extract_strided_slice %broadcast_in_dim3A {offsets = [1536, 0], sizes = [512, 1], strides = [1, 1]} : vector<2048x1xf32> to vector<512x1xf32>
    %dot_general3A_1107 = arith.constant dense<0.000000e+00> : vector<512x512xf32>
    %dot_general3A_1108 = tpu.matmul %slice3A_1105, %get3A_985, %dot_general3A_1107 {dimension_numbers = #tpu.dot_dimension_numbers<[1], [1], [0], [0], [0, 0, 1, 0], [], []>, transpose_lhs_hint = false} : vector<512x32xf32>, vector<512x32xf32>, vector<512x512xf32> -> vector<512x512xf32>
    %broadcast_in_dim3A_1109 = vector.shape_cast %get3A_987 : vector<512xf32> to vector<1x512xf32>
    %add3A_1110 = vector.broadcast %slice3A_1106 : vector<512x1xf32> to vector<512x512xf32>
    %add3A_1111 = vector.broadcast %broadcast_in_dim3A_1109 : vector<1x512xf32> to vector<512x512xf32>
    %add3A_1112 = arith.addf %add3A_1110, %add3A_1111 : vector<512x512xf32>
    %add3A_1113 = arith.addf %add3A_1112, %dot_general3A_1108 : vector<512x512xf32>
    %slice3A_1114 = vector.extract_strided_slice %add3A_1113 {offsets = [0, 0], sizes = [512, 128], strides = [1, 1]} : vector<512x512xf32> to vector<512x128xf32>
    %slice3A_1115 = vector.extract_strided_slice %add3A_1113 {offsets = [0, 128], sizes = [512, 128], strides = [1, 1]} : vector<512x512xf32> to vector<512x128xf32>
    %slice3A_1116 = vector.extract_strided_slice %add3A_1113 {offsets = [0, 256], sizes = [512, 128], strides = [1, 1]} : vector<512x512xf32> to vector<512x128xf32>
    %slice3A_1117 = vector.extract_strided_slice %add3A_1113 {offsets = [0, 384], sizes = [512, 128], strides = [1, 1]} : vector<512x512xf32> to vector<512x128xf32>
    %min3A_1118 = arith.minimumf %slice3A_1114, %slice3A_1115 : vector<512x128xf32>
    %lt3A_1119 = arith.cmpf olt, %slice3A_1115, %slice3A_1114 : vector<512x128xf32>
    %jit3A_1120 = arith.constant 128 : i32
    %jit3A_1121 = arith.constant 0 : i32
    %broadcast_in_dim3A_1122 = vector.broadcast %jit3A_1120 : i32 to vector<512x128xi32>
    %broadcast_in_dim3A_1123 = vector.broadcast %jit3A_1121 : i32 to vector<512x128xi32>
    %select_n3A_1124 = arith.select %lt3A_1119, %broadcast_in_dim3A_1122, %broadcast_in_dim3A_1123 : vector<512x128xi1>, vector<512x128xi32>
    %min3A_1125 = arith.minimumf %slice3A_1116, %slice3A_1117 : vector<512x128xf32>
    %lt3A_1126 = arith.cmpf olt, %slice3A_1117, %slice3A_1116 : vector<512x128xf32>
    %jit3A_1127 = arith.constant 384 : i32
    %jit3A_1128 = arith.constant 256 : i32
    %broadcast_in_dim3A_1129 = vector.broadcast %jit3A_1127 : i32 to vector<512x128xi32>
    %broadcast_in_dim3A_1130 = vector.broadcast %jit3A_1128 : i32 to vector<512x128xi32>
    %select_n3A_1131 = arith.select %lt3A_1126, %broadcast_in_dim3A_1129, %broadcast_in_dim3A_1130 : vector<512x128xi1>, vector<512x128xi32>
    %min3A_1132 = arith.minimumf %min3A_1118, %min3A_1125 : vector<512x128xf32>
    %lt3A_1133 = arith.cmpf olt, %min3A_1125, %min3A_1118 : vector<512x128xf32>
    %add3A_1134 = arith.constant 3072 : i32
    %add3A_1135 = vector.broadcast %add3A_1134 : i32 to vector<512x128xi32>
    %add3A_1136 = arith.addi %select_n3A_1131, %add3A_1135 : vector<512x128xi32>
    %add3A_1137 = arith.constant 3072 : i32
    %add3A_1138 = vector.broadcast %add3A_1137 : i32 to vector<512x128xi32>
    %add3A_1139 = arith.addi %select_n3A_1124, %add3A_1138 : vector<512x128xi32>
    %select_n3A_1140 = arith.select %lt3A_1133, %add3A_1136, %add3A_1139 : vector<512x128xi1>, vector<512x128xi32>
    %lt3A_1141 = arith.cmpf olt, %min3A_1132, %min3A_981 : vector<512x128xf32>
    %min3A_1142 = arith.minimumf %min3A_981, %min3A_1132 : vector<512x128xf32>
    %select_n3A_1143 = arith.select %lt3A_1141, %select_n3A_1140, %select_n3A_982 : vector<512x128xi1>, vector<512x128xi32>
    %get3A_1144 = arith.constant 3584 : index
    %get3A_1145 = arith.constant 0 : index
    %get3A_1146 = vector.load %arg2[%get3A_1144, %get3A_1145] : memref<8192x32xf32, #tpu.memory_space<vmem>>, vector<512x32xf32>
    %get3A_1147 = arith.constant 3584 : index
    %get3A_1148 = vector.load %arg5[%get3A_1147] : memref<8192xf32, #tpu.memory_space<vmem>>, vector<512xf32>
    %slice3A_1149 = vector.extract_strided_slice %mul3A_5 {offsets = [0, 0], sizes = [512, 32], strides = [1, 1]} : vector<2048x32xf32> to vector<512x32xf32>
    %slice3A_1150 = vector.extract_strided_slice %broadcast_in_dim3A {offsets = [0, 0], sizes = [512, 1], strides = [1, 1]} : vector<2048x1xf32> to vector<512x1xf32>
    %dot_general3A_1151 = arith.constant dense<0.000000e+00> : vector<512x512xf32>
    %dot_general3A_1152 = tpu.matmul %slice3A_1149, %get3A_1146, %dot_general3A_1151 {dimension_numbers = #tpu.dot_dimension_numbers<[1], [1], [0], [0], [0, 0, 1, 0], [], []>, transpose_lhs_hint = false} : vector<512x32xf32>, vector<512x32xf32>, vector<512x512xf32> -> vector<512x512xf32>
    %broadcast_in_dim3A_1153 = vector.shape_cast %get3A_1148 : vector<512xf32> to vector<1x512xf32>
    %add3A_1154 = vector.broadcast %slice3A_1150 : vector<512x1xf32> to vector<512x512xf32>
    %add3A_1155 = vector.broadcast %broadcast_in_dim3A_1153 : vector<1x512xf32> to vector<512x512xf32>
    %add3A_1156 = arith.addf %add3A_1154, %add3A_1155 : vector<512x512xf32>
    %add3A_1157 = arith.addf %add3A_1156, %dot_general3A_1152 : vector<512x512xf32>
    %slice3A_1158 = vector.extract_strided_slice %add3A_1157 {offsets = [0, 0], sizes = [512, 128], strides = [1, 1]} : vector<512x512xf32> to vector<512x128xf32>
    %slice3A_1159 = vector.extract_strided_slice %add3A_1157 {offsets = [0, 128], sizes = [512, 128], strides = [1, 1]} : vector<512x512xf32> to vector<512x128xf32>
    %slice3A_1160 = vector.extract_strided_slice %add3A_1157 {offsets = [0, 256], sizes = [512, 128], strides = [1, 1]} : vector<512x512xf32> to vector<512x128xf32>
    %slice3A_1161 = vector.extract_strided_slice %add3A_1157 {offsets = [0, 384], sizes = [512, 128], strides = [1, 1]} : vector<512x512xf32> to vector<512x128xf32>
    %min3A_1162 = arith.minimumf %slice3A_1158, %slice3A_1159 : vector<512x128xf32>
    %lt3A_1163 = arith.cmpf olt, %slice3A_1159, %slice3A_1158 : vector<512x128xf32>
    %jit3A_1164 = arith.constant 128 : i32
    %jit3A_1165 = arith.constant 0 : i32
    %broadcast_in_dim3A_1166 = vector.broadcast %jit3A_1164 : i32 to vector<512x128xi32>
    %broadcast_in_dim3A_1167 = vector.broadcast %jit3A_1165 : i32 to vector<512x128xi32>
    %select_n3A_1168 = arith.select %lt3A_1163, %broadcast_in_dim3A_1166, %broadcast_in_dim3A_1167 : vector<512x128xi1>, vector<512x128xi32>
    %min3A_1169 = arith.minimumf %slice3A_1160, %slice3A_1161 : vector<512x128xf32>
    %lt3A_1170 = arith.cmpf olt, %slice3A_1161, %slice3A_1160 : vector<512x128xf32>
    %jit3A_1171 = arith.constant 384 : i32
    %jit3A_1172 = arith.constant 256 : i32
    %broadcast_in_dim3A_1173 = vector.broadcast %jit3A_1171 : i32 to vector<512x128xi32>
    %broadcast_in_dim3A_1174 = vector.broadcast %jit3A_1172 : i32 to vector<512x128xi32>
    %select_n3A_1175 = arith.select %lt3A_1170, %broadcast_in_dim3A_1173, %broadcast_in_dim3A_1174 : vector<512x128xi1>, vector<512x128xi32>
    %min3A_1176 = arith.minimumf %min3A_1162, %min3A_1169 : vector<512x128xf32>
    %lt3A_1177 = arith.cmpf olt, %min3A_1169, %min3A_1162 : vector<512x128xf32>
    %add3A_1178 = arith.constant 3584 : i32
    %add3A_1179 = vector.broadcast %add3A_1178 : i32 to vector<512x128xi32>
    %add3A_1180 = arith.addi %select_n3A_1175, %add3A_1179 : vector<512x128xi32>
    %add3A_1181 = arith.constant 3584 : i32
    %add3A_1182 = vector.broadcast %add3A_1181 : i32 to vector<512x128xi32>
    %add3A_1183 = arith.addi %select_n3A_1168, %add3A_1182 : vector<512x128xi32>
    %select_n3A_1184 = arith.select %lt3A_1177, %add3A_1180, %add3A_1183 : vector<512x128xi1>, vector<512x128xi32>
    %lt3A_1185 = arith.cmpf olt, %min3A_1176, %min3A_1025 : vector<512x128xf32>
    %min3A_1186 = arith.minimumf %min3A_1025, %min3A_1176 : vector<512x128xf32>
    %select_n3A_1187 = arith.select %lt3A_1185, %select_n3A_1184, %select_n3A_1026 : vector<512x128xi1>, vector<512x128xi32>
    %slice3A_1188 = vector.extract_strided_slice %mul3A_5 {offsets = [512, 0], sizes = [512, 32], strides = [1, 1]} : vector<2048x32xf32> to vector<512x32xf32>
    %slice3A_1189 = vector.extract_strided_slice %broadcast_in_dim3A {offsets = [512, 0], sizes = [512, 1], strides = [1, 1]} : vector<2048x1xf32> to vector<512x1xf32>
    %dot_general3A_1190 = arith.constant dense<0.000000e+00> : vector<512x512xf32>
    %dot_general3A_1191 = tpu.matmul %slice3A_1188, %get3A_1146, %dot_general3A_1190 {dimension_numbers = #tpu.dot_dimension_numbers<[1], [1], [0], [0], [0, 0, 1, 0], [], []>, transpose_lhs_hint = false} : vector<512x32xf32>, vector<512x32xf32>, vector<512x512xf32> -> vector<512x512xf32>
    %broadcast_in_dim3A_1192 = vector.shape_cast %get3A_1148 : vector<512xf32> to vector<1x512xf32>
    %add3A_1193 = vector.broadcast %slice3A_1189 : vector<512x1xf32> to vector<512x512xf32>
    %add3A_1194 = vector.broadcast %broadcast_in_dim3A_1192 : vector<1x512xf32> to vector<512x512xf32>
    %add3A_1195 = arith.addf %add3A_1193, %add3A_1194 : vector<512x512xf32>
    %add3A_1196 = arith.addf %add3A_1195, %dot_general3A_1191 : vector<512x512xf32>
    %slice3A_1197 = vector.extract_strided_slice %add3A_1196 {offsets = [0, 0], sizes = [512, 128], strides = [1, 1]} : vector<512x512xf32> to vector<512x128xf32>
    %slice3A_1198 = vector.extract_strided_slice %add3A_1196 {offsets = [0, 128], sizes = [512, 128], strides = [1, 1]} : vector<512x512xf32> to vector<512x128xf32>
    %slice3A_1199 = vector.extract_strided_slice %add3A_1196 {offsets = [0, 256], sizes = [512, 128], strides = [1, 1]} : vector<512x512xf32> to vector<512x128xf32>
    %slice3A_1200 = vector.extract_strided_slice %add3A_1196 {offsets = [0, 384], sizes = [512, 128], strides = [1, 1]} : vector<512x512xf32> to vector<512x128xf32>
    %min3A_1201 = arith.minimumf %slice3A_1197, %slice3A_1198 : vector<512x128xf32>
    %lt3A_1202 = arith.cmpf olt, %slice3A_1198, %slice3A_1197 : vector<512x128xf32>
    %jit3A_1203 = arith.constant 128 : i32
    %jit3A_1204 = arith.constant 0 : i32
    %broadcast_in_dim3A_1205 = vector.broadcast %jit3A_1203 : i32 to vector<512x128xi32>
    %broadcast_in_dim3A_1206 = vector.broadcast %jit3A_1204 : i32 to vector<512x128xi32>
    %select_n3A_1207 = arith.select %lt3A_1202, %broadcast_in_dim3A_1205, %broadcast_in_dim3A_1206 : vector<512x128xi1>, vector<512x128xi32>
    %min3A_1208 = arith.minimumf %slice3A_1199, %slice3A_1200 : vector<512x128xf32>
    %lt3A_1209 = arith.cmpf olt, %slice3A_1200, %slice3A_1199 : vector<512x128xf32>
    %jit3A_1210 = arith.constant 384 : i32
    %jit3A_1211 = arith.constant 256 : i32
    %broadcast_in_dim3A_1212 = vector.broadcast %jit3A_1210 : i32 to vector<512x128xi32>
    %broadcast_in_dim3A_1213 = vector.broadcast %jit3A_1211 : i32 to vector<512x128xi32>
    %select_n3A_1214 = arith.select %lt3A_1209, %broadcast_in_dim3A_1212, %broadcast_in_dim3A_1213 : vector<512x128xi1>, vector<512x128xi32>
    %min3A_1215 = arith.minimumf %min3A_1201, %min3A_1208 : vector<512x128xf32>
    %lt3A_1216 = arith.cmpf olt, %min3A_1208, %min3A_1201 : vector<512x128xf32>
    %add3A_1217 = arith.constant 3584 : i32
    %add3A_1218 = vector.broadcast %add3A_1217 : i32 to vector<512x128xi32>
    %add3A_1219 = arith.addi %select_n3A_1214, %add3A_1218 : vector<512x128xi32>
    %add3A_1220 = arith.constant 3584 : i32
    %add3A_1221 = vector.broadcast %add3A_1220 : i32 to vector<512x128xi32>
    %add3A_1222 = arith.addi %select_n3A_1207, %add3A_1221 : vector<512x128xi32>
    %select_n3A_1223 = arith.select %lt3A_1216, %add3A_1219, %add3A_1222 : vector<512x128xi1>, vector<512x128xi32>
    %lt3A_1224 = arith.cmpf olt, %min3A_1215, %min3A_1064 : vector<512x128xf32>
    %min3A_1225 = arith.minimumf %min3A_1064, %min3A_1215 : vector<512x128xf32>
    %select_n3A_1226 = arith.select %lt3A_1224, %select_n3A_1223, %select_n3A_1065 : vector<512x128xi1>, vector<512x128xi32>
    %slice3A_1227 = vector.extract_strided_slice %mul3A_5 {offsets = [1024, 0], sizes = [512, 32], strides = [1, 1]} : vector<2048x32xf32> to vector<512x32xf32>
    %slice3A_1228 = vector.extract_strided_slice %broadcast_in_dim3A {offsets = [1024, 0], sizes = [512, 1], strides = [1, 1]} : vector<2048x1xf32> to vector<512x1xf32>
    %dot_general3A_1229 = arith.constant dense<0.000000e+00> : vector<512x512xf32>
    %dot_general3A_1230 = tpu.matmul %slice3A_1227, %get3A_1146, %dot_general3A_1229 {dimension_numbers = #tpu.dot_dimension_numbers<[1], [1], [0], [0], [0, 0, 1, 0], [], []>, transpose_lhs_hint = false} : vector<512x32xf32>, vector<512x32xf32>, vector<512x512xf32> -> vector<512x512xf32>
    %broadcast_in_dim3A_1231 = vector.shape_cast %get3A_1148 : vector<512xf32> to vector<1x512xf32>
    %add3A_1232 = vector.broadcast %slice3A_1228 : vector<512x1xf32> to vector<512x512xf32>
    %add3A_1233 = vector.broadcast %broadcast_in_dim3A_1231 : vector<1x512xf32> to vector<512x512xf32>
    %add3A_1234 = arith.addf %add3A_1232, %add3A_1233 : vector<512x512xf32>
    %add3A_1235 = arith.addf %add3A_1234, %dot_general3A_1230 : vector<512x512xf32>
    %slice3A_1236 = vector.extract_strided_slice %add3A_1235 {offsets = [0, 0], sizes = [512, 128], strides = [1, 1]} : vector<512x512xf32> to vector<512x128xf32>
    %slice3A_1237 = vector.extract_strided_slice %add3A_1235 {offsets = [0, 128], sizes = [512, 128], strides = [1, 1]} : vector<512x512xf32> to vector<512x128xf32>
    %slice3A_1238 = vector.extract_strided_slice %add3A_1235 {offsets = [0, 256], sizes = [512, 128], strides = [1, 1]} : vector<512x512xf32> to vector<512x128xf32>
    %slice3A_1239 = vector.extract_strided_slice %add3A_1235 {offsets = [0, 384], sizes = [512, 128], strides = [1, 1]} : vector<512x512xf32> to vector<512x128xf32>
    %min3A_1240 = arith.minimumf %slice3A_1236, %slice3A_1237 : vector<512x128xf32>
    %lt3A_1241 = arith.cmpf olt, %slice3A_1237, %slice3A_1236 : vector<512x128xf32>
    %jit3A_1242 = arith.constant 128 : i32
    %jit3A_1243 = arith.constant 0 : i32
    %broadcast_in_dim3A_1244 = vector.broadcast %jit3A_1242 : i32 to vector<512x128xi32>
    %broadcast_in_dim3A_1245 = vector.broadcast %jit3A_1243 : i32 to vector<512x128xi32>
    %select_n3A_1246 = arith.select %lt3A_1241, %broadcast_in_dim3A_1244, %broadcast_in_dim3A_1245 : vector<512x128xi1>, vector<512x128xi32>
    %min3A_1247 = arith.minimumf %slice3A_1238, %slice3A_1239 : vector<512x128xf32>
    %lt3A_1248 = arith.cmpf olt, %slice3A_1239, %slice3A_1238 : vector<512x128xf32>
    %jit3A_1249 = arith.constant 384 : i32
    %jit3A_1250 = arith.constant 256 : i32
    %broadcast_in_dim3A_1251 = vector.broadcast %jit3A_1249 : i32 to vector<512x128xi32>
    %broadcast_in_dim3A_1252 = vector.broadcast %jit3A_1250 : i32 to vector<512x128xi32>
    %select_n3A_1253 = arith.select %lt3A_1248, %broadcast_in_dim3A_1251, %broadcast_in_dim3A_1252 : vector<512x128xi1>, vector<512x128xi32>
    %min3A_1254 = arith.minimumf %min3A_1240, %min3A_1247 : vector<512x128xf32>
    %lt3A_1255 = arith.cmpf olt, %min3A_1247, %min3A_1240 : vector<512x128xf32>
    %add3A_1256 = arith.constant 3584 : i32
    %add3A_1257 = vector.broadcast %add3A_1256 : i32 to vector<512x128xi32>
    %add3A_1258 = arith.addi %select_n3A_1253, %add3A_1257 : vector<512x128xi32>
    %add3A_1259 = arith.constant 3584 : i32
    %add3A_1260 = vector.broadcast %add3A_1259 : i32 to vector<512x128xi32>
    %add3A_1261 = arith.addi %select_n3A_1246, %add3A_1260 : vector<512x128xi32>
    %select_n3A_1262 = arith.select %lt3A_1255, %add3A_1258, %add3A_1261 : vector<512x128xi1>, vector<512x128xi32>
    %lt3A_1263 = arith.cmpf olt, %min3A_1254, %min3A_1103 : vector<512x128xf32>
    %min3A_1264 = arith.minimumf %min3A_1103, %min3A_1254 : vector<512x128xf32>
    %select_n3A_1265 = arith.select %lt3A_1263, %select_n3A_1262, %select_n3A_1104 : vector<512x128xi1>, vector<512x128xi32>
    %slice3A_1266 = vector.extract_strided_slice %mul3A_5 {offsets = [1536, 0], sizes = [512, 32], strides = [1, 1]} : vector<2048x32xf32> to vector<512x32xf32>
    %slice3A_1267 = vector.extract_strided_slice %broadcast_in_dim3A {offsets = [1536, 0], sizes = [512, 1], strides = [1, 1]} : vector<2048x1xf32> to vector<512x1xf32>
    %dot_general3A_1268 = arith.constant dense<0.000000e+00> : vector<512x512xf32>
    %dot_general3A_1269 = tpu.matmul %slice3A_1266, %get3A_1146, %dot_general3A_1268 {dimension_numbers = #tpu.dot_dimension_numbers<[1], [1], [0], [0], [0, 0, 1, 0], [], []>, transpose_lhs_hint = false} : vector<512x32xf32>, vector<512x32xf32>, vector<512x512xf32> -> vector<512x512xf32>
    %broadcast_in_dim3A_1270 = vector.shape_cast %get3A_1148 : vector<512xf32> to vector<1x512xf32>
    %add3A_1271 = vector.broadcast %slice3A_1267 : vector<512x1xf32> to vector<512x512xf32>
    %add3A_1272 = vector.broadcast %broadcast_in_dim3A_1270 : vector<1x512xf32> to vector<512x512xf32>
    %add3A_1273 = arith.addf %add3A_1271, %add3A_1272 : vector<512x512xf32>
    %add3A_1274 = arith.addf %add3A_1273, %dot_general3A_1269 : vector<512x512xf32>
    %slice3A_1275 = vector.extract_strided_slice %add3A_1274 {offsets = [0, 0], sizes = [512, 128], strides = [1, 1]} : vector<512x512xf32> to vector<512x128xf32>
    %slice3A_1276 = vector.extract_strided_slice %add3A_1274 {offsets = [0, 128], sizes = [512, 128], strides = [1, 1]} : vector<512x512xf32> to vector<512x128xf32>
    %slice3A_1277 = vector.extract_strided_slice %add3A_1274 {offsets = [0, 256], sizes = [512, 128], strides = [1, 1]} : vector<512x512xf32> to vector<512x128xf32>
    %slice3A_1278 = vector.extract_strided_slice %add3A_1274 {offsets = [0, 384], sizes = [512, 128], strides = [1, 1]} : vector<512x512xf32> to vector<512x128xf32>
    %min3A_1279 = arith.minimumf %slice3A_1275, %slice3A_1276 : vector<512x128xf32>
    %lt3A_1280 = arith.cmpf olt, %slice3A_1276, %slice3A_1275 : vector<512x128xf32>
    %jit3A_1281 = arith.constant 128 : i32
    %jit3A_1282 = arith.constant 0 : i32
    %broadcast_in_dim3A_1283 = vector.broadcast %jit3A_1281 : i32 to vector<512x128xi32>
    %broadcast_in_dim3A_1284 = vector.broadcast %jit3A_1282 : i32 to vector<512x128xi32>
    %select_n3A_1285 = arith.select %lt3A_1280, %broadcast_in_dim3A_1283, %broadcast_in_dim3A_1284 : vector<512x128xi1>, vector<512x128xi32>
    %min3A_1286 = arith.minimumf %slice3A_1277, %slice3A_1278 : vector<512x128xf32>
    %lt3A_1287 = arith.cmpf olt, %slice3A_1278, %slice3A_1277 : vector<512x128xf32>
    %jit3A_1288 = arith.constant 384 : i32
    %jit3A_1289 = arith.constant 256 : i32
    %broadcast_in_dim3A_1290 = vector.broadcast %jit3A_1288 : i32 to vector<512x128xi32>
    %broadcast_in_dim3A_1291 = vector.broadcast %jit3A_1289 : i32 to vector<512x128xi32>
    %select_n3A_1292 = arith.select %lt3A_1287, %broadcast_in_dim3A_1290, %broadcast_in_dim3A_1291 : vector<512x128xi1>, vector<512x128xi32>
    %min3A_1293 = arith.minimumf %min3A_1279, %min3A_1286 : vector<512x128xf32>
    %lt3A_1294 = arith.cmpf olt, %min3A_1286, %min3A_1279 : vector<512x128xf32>
    %add3A_1295 = arith.constant 3584 : i32
    %add3A_1296 = vector.broadcast %add3A_1295 : i32 to vector<512x128xi32>
    %add3A_1297 = arith.addi %select_n3A_1292, %add3A_1296 : vector<512x128xi32>
    %add3A_1298 = arith.constant 3584 : i32
    %add3A_1299 = vector.broadcast %add3A_1298 : i32 to vector<512x128xi32>
    %add3A_1300 = arith.addi %select_n3A_1285, %add3A_1299 : vector<512x128xi32>
    %select_n3A_1301 = arith.select %lt3A_1294, %add3A_1297, %add3A_1300 : vector<512x128xi1>, vector<512x128xi32>
    %lt3A_1302 = arith.cmpf olt, %min3A_1293, %min3A_1142 : vector<512x128xf32>
    %min3A_1303 = arith.minimumf %min3A_1142, %min3A_1293 : vector<512x128xf32>
    %select_n3A_1304 = arith.select %lt3A_1302, %select_n3A_1301, %select_n3A_1143 : vector<512x128xi1>, vector<512x128xi32>
    %get3A_1305 = arith.constant 4096 : index
    %get3A_1306 = arith.constant 0 : index
    %get3A_1307 = vector.load %arg2[%get3A_1305, %get3A_1306] : memref<8192x32xf32, #tpu.memory_space<vmem>>, vector<512x32xf32>
    %get3A_1308 = arith.constant 4096 : index
    %get3A_1309 = vector.load %arg5[%get3A_1308] : memref<8192xf32, #tpu.memory_space<vmem>>, vector<512xf32>
    %slice3A_1310 = vector.extract_strided_slice %mul3A_5 {offsets = [0, 0], sizes = [512, 32], strides = [1, 1]} : vector<2048x32xf32> to vector<512x32xf32>
    %slice3A_1311 = vector.extract_strided_slice %broadcast_in_dim3A {offsets = [0, 0], sizes = [512, 1], strides = [1, 1]} : vector<2048x1xf32> to vector<512x1xf32>
    %dot_general3A_1312 = arith.constant dense<0.000000e+00> : vector<512x512xf32>
    %dot_general3A_1313 = tpu.matmul %slice3A_1310, %get3A_1307, %dot_general3A_1312 {dimension_numbers = #tpu.dot_dimension_numbers<[1], [1], [0], [0], [0, 0, 1, 0], [], []>, transpose_lhs_hint = false} : vector<512x32xf32>, vector<512x32xf32>, vector<512x512xf32> -> vector<512x512xf32>
    %broadcast_in_dim3A_1314 = vector.shape_cast %get3A_1309 : vector<512xf32> to vector<1x512xf32>
    %add3A_1315 = vector.broadcast %slice3A_1311 : vector<512x1xf32> to vector<512x512xf32>
    %add3A_1316 = vector.broadcast %broadcast_in_dim3A_1314 : vector<1x512xf32> to vector<512x512xf32>
    %add3A_1317 = arith.addf %add3A_1315, %add3A_1316 : vector<512x512xf32>
    %add3A_1318 = arith.addf %add3A_1317, %dot_general3A_1313 : vector<512x512xf32>
    %slice3A_1319 = vector.extract_strided_slice %add3A_1318 {offsets = [0, 0], sizes = [512, 128], strides = [1, 1]} : vector<512x512xf32> to vector<512x128xf32>
    %slice3A_1320 = vector.extract_strided_slice %add3A_1318 {offsets = [0, 128], sizes = [512, 128], strides = [1, 1]} : vector<512x512xf32> to vector<512x128xf32>
    %slice3A_1321 = vector.extract_strided_slice %add3A_1318 {offsets = [0, 256], sizes = [512, 128], strides = [1, 1]} : vector<512x512xf32> to vector<512x128xf32>
    %slice3A_1322 = vector.extract_strided_slice %add3A_1318 {offsets = [0, 384], sizes = [512, 128], strides = [1, 1]} : vector<512x512xf32> to vector<512x128xf32>
    %min3A_1323 = arith.minimumf %slice3A_1319, %slice3A_1320 : vector<512x128xf32>
    %lt3A_1324 = arith.cmpf olt, %slice3A_1320, %slice3A_1319 : vector<512x128xf32>
    %jit3A_1325 = arith.constant 128 : i32
    %jit3A_1326 = arith.constant 0 : i32
    %broadcast_in_dim3A_1327 = vector.broadcast %jit3A_1325 : i32 to vector<512x128xi32>
    %broadcast_in_dim3A_1328 = vector.broadcast %jit3A_1326 : i32 to vector<512x128xi32>
    %select_n3A_1329 = arith.select %lt3A_1324, %broadcast_in_dim3A_1327, %broadcast_in_dim3A_1328 : vector<512x128xi1>, vector<512x128xi32>
    %min3A_1330 = arith.minimumf %slice3A_1321, %slice3A_1322 : vector<512x128xf32>
    %lt3A_1331 = arith.cmpf olt, %slice3A_1322, %slice3A_1321 : vector<512x128xf32>
    %jit3A_1332 = arith.constant 384 : i32
    %jit3A_1333 = arith.constant 256 : i32
    %broadcast_in_dim3A_1334 = vector.broadcast %jit3A_1332 : i32 to vector<512x128xi32>
    %broadcast_in_dim3A_1335 = vector.broadcast %jit3A_1333 : i32 to vector<512x128xi32>
    %select_n3A_1336 = arith.select %lt3A_1331, %broadcast_in_dim3A_1334, %broadcast_in_dim3A_1335 : vector<512x128xi1>, vector<512x128xi32>
    %min3A_1337 = arith.minimumf %min3A_1323, %min3A_1330 : vector<512x128xf32>
    %lt3A_1338 = arith.cmpf olt, %min3A_1330, %min3A_1323 : vector<512x128xf32>
    %add3A_1339 = arith.constant 4096 : i32
    %add3A_1340 = vector.broadcast %add3A_1339 : i32 to vector<512x128xi32>
    %add3A_1341 = arith.addi %select_n3A_1336, %add3A_1340 : vector<512x128xi32>
    %add3A_1342 = arith.constant 4096 : i32
    %add3A_1343 = vector.broadcast %add3A_1342 : i32 to vector<512x128xi32>
    %add3A_1344 = arith.addi %select_n3A_1329, %add3A_1343 : vector<512x128xi32>
    %select_n3A_1345 = arith.select %lt3A_1338, %add3A_1341, %add3A_1344 : vector<512x128xi1>, vector<512x128xi32>
    %lt3A_1346 = arith.cmpf olt, %min3A_1337, %min3A_1186 : vector<512x128xf32>
    %min3A_1347 = arith.minimumf %min3A_1186, %min3A_1337 : vector<512x128xf32>
    %select_n3A_1348 = arith.select %lt3A_1346, %select_n3A_1345, %select_n3A_1187 : vector<512x128xi1>, vector<512x128xi32>
    %slice3A_1349 = vector.extract_strided_slice %mul3A_5 {offsets = [512, 0], sizes = [512, 32], strides = [1, 1]} : vector<2048x32xf32> to vector<512x32xf32>
    %slice3A_1350 = vector.extract_strided_slice %broadcast_in_dim3A {offsets = [512, 0], sizes = [512, 1], strides = [1, 1]} : vector<2048x1xf32> to vector<512x1xf32>
    %dot_general3A_1351 = arith.constant dense<0.000000e+00> : vector<512x512xf32>
    %dot_general3A_1352 = tpu.matmul %slice3A_1349, %get3A_1307, %dot_general3A_1351 {dimension_numbers = #tpu.dot_dimension_numbers<[1], [1], [0], [0], [0, 0, 1, 0], [], []>, transpose_lhs_hint = false} : vector<512x32xf32>, vector<512x32xf32>, vector<512x512xf32> -> vector<512x512xf32>
    %broadcast_in_dim3A_1353 = vector.shape_cast %get3A_1309 : vector<512xf32> to vector<1x512xf32>
    %add3A_1354 = vector.broadcast %slice3A_1350 : vector<512x1xf32> to vector<512x512xf32>
    %add3A_1355 = vector.broadcast %broadcast_in_dim3A_1353 : vector<1x512xf32> to vector<512x512xf32>
    %add3A_1356 = arith.addf %add3A_1354, %add3A_1355 : vector<512x512xf32>
    %add3A_1357 = arith.addf %add3A_1356, %dot_general3A_1352 : vector<512x512xf32>
    %slice3A_1358 = vector.extract_strided_slice %add3A_1357 {offsets = [0, 0], sizes = [512, 128], strides = [1, 1]} : vector<512x512xf32> to vector<512x128xf32>
    %slice3A_1359 = vector.extract_strided_slice %add3A_1357 {offsets = [0, 128], sizes = [512, 128], strides = [1, 1]} : vector<512x512xf32> to vector<512x128xf32>
    %slice3A_1360 = vector.extract_strided_slice %add3A_1357 {offsets = [0, 256], sizes = [512, 128], strides = [1, 1]} : vector<512x512xf32> to vector<512x128xf32>
    %slice3A_1361 = vector.extract_strided_slice %add3A_1357 {offsets = [0, 384], sizes = [512, 128], strides = [1, 1]} : vector<512x512xf32> to vector<512x128xf32>
    %min3A_1362 = arith.minimumf %slice3A_1358, %slice3A_1359 : vector<512x128xf32>
    %lt3A_1363 = arith.cmpf olt, %slice3A_1359, %slice3A_1358 : vector<512x128xf32>
    %jit3A_1364 = arith.constant 128 : i32
    %jit3A_1365 = arith.constant 0 : i32
    %broadcast_in_dim3A_1366 = vector.broadcast %jit3A_1364 : i32 to vector<512x128xi32>
    %broadcast_in_dim3A_1367 = vector.broadcast %jit3A_1365 : i32 to vector<512x128xi32>
    %select_n3A_1368 = arith.select %lt3A_1363, %broadcast_in_dim3A_1366, %broadcast_in_dim3A_1367 : vector<512x128xi1>, vector<512x128xi32>
    %min3A_1369 = arith.minimumf %slice3A_1360, %slice3A_1361 : vector<512x128xf32>
    %lt3A_1370 = arith.cmpf olt, %slice3A_1361, %slice3A_1360 : vector<512x128xf32>
    %jit3A_1371 = arith.constant 384 : i32
    %jit3A_1372 = arith.constant 256 : i32
    %broadcast_in_dim3A_1373 = vector.broadcast %jit3A_1371 : i32 to vector<512x128xi32>
    %broadcast_in_dim3A_1374 = vector.broadcast %jit3A_1372 : i32 to vector<512x128xi32>
    %select_n3A_1375 = arith.select %lt3A_1370, %broadcast_in_dim3A_1373, %broadcast_in_dim3A_1374 : vector<512x128xi1>, vector<512x128xi32>
    %min3A_1376 = arith.minimumf %min3A_1362, %min3A_1369 : vector<512x128xf32>
    %lt3A_1377 = arith.cmpf olt, %min3A_1369, %min3A_1362 : vector<512x128xf32>
    %add3A_1378 = arith.constant 4096 : i32
    %add3A_1379 = vector.broadcast %add3A_1378 : i32 to vector<512x128xi32>
    %add3A_1380 = arith.addi %select_n3A_1375, %add3A_1379 : vector<512x128xi32>
    %add3A_1381 = arith.constant 4096 : i32
    %add3A_1382 = vector.broadcast %add3A_1381 : i32 to vector<512x128xi32>
    %add3A_1383 = arith.addi %select_n3A_1368, %add3A_1382 : vector<512x128xi32>
    %select_n3A_1384 = arith.select %lt3A_1377, %add3A_1380, %add3A_1383 : vector<512x128xi1>, vector<512x128xi32>
    %lt3A_1385 = arith.cmpf olt, %min3A_1376, %min3A_1225 : vector<512x128xf32>
    %min3A_1386 = arith.minimumf %min3A_1225, %min3A_1376 : vector<512x128xf32>
    %select_n3A_1387 = arith.select %lt3A_1385, %select_n3A_1384, %select_n3A_1226 : vector<512x128xi1>, vector<512x128xi32>
    %slice3A_1388 = vector.extract_strided_slice %mul3A_5 {offsets = [1024, 0], sizes = [512, 32], strides = [1, 1]} : vector<2048x32xf32> to vector<512x32xf32>
    %slice3A_1389 = vector.extract_strided_slice %broadcast_in_dim3A {offsets = [1024, 0], sizes = [512, 1], strides = [1, 1]} : vector<2048x1xf32> to vector<512x1xf32>
    %dot_general3A_1390 = arith.constant dense<0.000000e+00> : vector<512x512xf32>
    %dot_general3A_1391 = tpu.matmul %slice3A_1388, %get3A_1307, %dot_general3A_1390 {dimension_numbers = #tpu.dot_dimension_numbers<[1], [1], [0], [0], [0, 0, 1, 0], [], []>, transpose_lhs_hint = false} : vector<512x32xf32>, vector<512x32xf32>, vector<512x512xf32> -> vector<512x512xf32>
    %broadcast_in_dim3A_1392 = vector.shape_cast %get3A_1309 : vector<512xf32> to vector<1x512xf32>
    %add3A_1393 = vector.broadcast %slice3A_1389 : vector<512x1xf32> to vector<512x512xf32>
    %add3A_1394 = vector.broadcast %broadcast_in_dim3A_1392 : vector<1x512xf32> to vector<512x512xf32>
    %add3A_1395 = arith.addf %add3A_1393, %add3A_1394 : vector<512x512xf32>
    %add3A_1396 = arith.addf %add3A_1395, %dot_general3A_1391 : vector<512x512xf32>
    %slice3A_1397 = vector.extract_strided_slice %add3A_1396 {offsets = [0, 0], sizes = [512, 128], strides = [1, 1]} : vector<512x512xf32> to vector<512x128xf32>
    %slice3A_1398 = vector.extract_strided_slice %add3A_1396 {offsets = [0, 128], sizes = [512, 128], strides = [1, 1]} : vector<512x512xf32> to vector<512x128xf32>
    %slice3A_1399 = vector.extract_strided_slice %add3A_1396 {offsets = [0, 256], sizes = [512, 128], strides = [1, 1]} : vector<512x512xf32> to vector<512x128xf32>
    %slice3A_1400 = vector.extract_strided_slice %add3A_1396 {offsets = [0, 384], sizes = [512, 128], strides = [1, 1]} : vector<512x512xf32> to vector<512x128xf32>
    %min3A_1401 = arith.minimumf %slice3A_1397, %slice3A_1398 : vector<512x128xf32>
    %lt3A_1402 = arith.cmpf olt, %slice3A_1398, %slice3A_1397 : vector<512x128xf32>
    %jit3A_1403 = arith.constant 128 : i32
    %jit3A_1404 = arith.constant 0 : i32
    %broadcast_in_dim3A_1405 = vector.broadcast %jit3A_1403 : i32 to vector<512x128xi32>
    %broadcast_in_dim3A_1406 = vector.broadcast %jit3A_1404 : i32 to vector<512x128xi32>
    %select_n3A_1407 = arith.select %lt3A_1402, %broadcast_in_dim3A_1405, %broadcast_in_dim3A_1406 : vector<512x128xi1>, vector<512x128xi32>
    %min3A_1408 = arith.minimumf %slice3A_1399, %slice3A_1400 : vector<512x128xf32>
    %lt3A_1409 = arith.cmpf olt, %slice3A_1400, %slice3A_1399 : vector<512x128xf32>
    %jit3A_1410 = arith.constant 384 : i32
    %jit3A_1411 = arith.constant 256 : i32
    %broadcast_in_dim3A_1412 = vector.broadcast %jit3A_1410 : i32 to vector<512x128xi32>
    %broadcast_in_dim3A_1413 = vector.broadcast %jit3A_1411 : i32 to vector<512x128xi32>
    %select_n3A_1414 = arith.select %lt3A_1409, %broadcast_in_dim3A_1412, %broadcast_in_dim3A_1413 : vector<512x128xi1>, vector<512x128xi32>
    %min3A_1415 = arith.minimumf %min3A_1401, %min3A_1408 : vector<512x128xf32>
    %lt3A_1416 = arith.cmpf olt, %min3A_1408, %min3A_1401 : vector<512x128xf32>
    %add3A_1417 = arith.constant 4096 : i32
    %add3A_1418 = vector.broadcast %add3A_1417 : i32 to vector<512x128xi32>
    %add3A_1419 = arith.addi %select_n3A_1414, %add3A_1418 : vector<512x128xi32>
    %add3A_1420 = arith.constant 4096 : i32
    %add3A_1421 = vector.broadcast %add3A_1420 : i32 to vector<512x128xi32>
    %add3A_1422 = arith.addi %select_n3A_1407, %add3A_1421 : vector<512x128xi32>
    %select_n3A_1423 = arith.select %lt3A_1416, %add3A_1419, %add3A_1422 : vector<512x128xi1>, vector<512x128xi32>
    %lt3A_1424 = arith.cmpf olt, %min3A_1415, %min3A_1264 : vector<512x128xf32>
    %min3A_1425 = arith.minimumf %min3A_1264, %min3A_1415 : vector<512x128xf32>
    %select_n3A_1426 = arith.select %lt3A_1424, %select_n3A_1423, %select_n3A_1265 : vector<512x128xi1>, vector<512x128xi32>
    %slice3A_1427 = vector.extract_strided_slice %mul3A_5 {offsets = [1536, 0], sizes = [512, 32], strides = [1, 1]} : vector<2048x32xf32> to vector<512x32xf32>
    %slice3A_1428 = vector.extract_strided_slice %broadcast_in_dim3A {offsets = [1536, 0], sizes = [512, 1], strides = [1, 1]} : vector<2048x1xf32> to vector<512x1xf32>
    %dot_general3A_1429 = arith.constant dense<0.000000e+00> : vector<512x512xf32>
    %dot_general3A_1430 = tpu.matmul %slice3A_1427, %get3A_1307, %dot_general3A_1429 {dimension_numbers = #tpu.dot_dimension_numbers<[1], [1], [0], [0], [0, 0, 1, 0], [], []>, transpose_lhs_hint = false} : vector<512x32xf32>, vector<512x32xf32>, vector<512x512xf32> -> vector<512x512xf32>
    %broadcast_in_dim3A_1431 = vector.shape_cast %get3A_1309 : vector<512xf32> to vector<1x512xf32>
    %add3A_1432 = vector.broadcast %slice3A_1428 : vector<512x1xf32> to vector<512x512xf32>
    %add3A_1433 = vector.broadcast %broadcast_in_dim3A_1431 : vector<1x512xf32> to vector<512x512xf32>
    %add3A_1434 = arith.addf %add3A_1432, %add3A_1433 : vector<512x512xf32>
    %add3A_1435 = arith.addf %add3A_1434, %dot_general3A_1430 : vector<512x512xf32>
    %slice3A_1436 = vector.extract_strided_slice %add3A_1435 {offsets = [0, 0], sizes = [512, 128], strides = [1, 1]} : vector<512x512xf32> to vector<512x128xf32>
    %slice3A_1437 = vector.extract_strided_slice %add3A_1435 {offsets = [0, 128], sizes = [512, 128], strides = [1, 1]} : vector<512x512xf32> to vector<512x128xf32>
    %slice3A_1438 = vector.extract_strided_slice %add3A_1435 {offsets = [0, 256], sizes = [512, 128], strides = [1, 1]} : vector<512x512xf32> to vector<512x128xf32>
    %slice3A_1439 = vector.extract_strided_slice %add3A_1435 {offsets = [0, 384], sizes = [512, 128], strides = [1, 1]} : vector<512x512xf32> to vector<512x128xf32>
    %min3A_1440 = arith.minimumf %slice3A_1436, %slice3A_1437 : vector<512x128xf32>
    %lt3A_1441 = arith.cmpf olt, %slice3A_1437, %slice3A_1436 : vector<512x128xf32>
    %jit3A_1442 = arith.constant 128 : i32
    %jit3A_1443 = arith.constant 0 : i32
    %broadcast_in_dim3A_1444 = vector.broadcast %jit3A_1442 : i32 to vector<512x128xi32>
    %broadcast_in_dim3A_1445 = vector.broadcast %jit3A_1443 : i32 to vector<512x128xi32>
    %select_n3A_1446 = arith.select %lt3A_1441, %broadcast_in_dim3A_1444, %broadcast_in_dim3A_1445 : vector<512x128xi1>, vector<512x128xi32>
    %min3A_1447 = arith.minimumf %slice3A_1438, %slice3A_1439 : vector<512x128xf32>
    %lt3A_1448 = arith.cmpf olt, %slice3A_1439, %slice3A_1438 : vector<512x128xf32>
    %jit3A_1449 = arith.constant 384 : i32
    %jit3A_1450 = arith.constant 256 : i32
    %broadcast_in_dim3A_1451 = vector.broadcast %jit3A_1449 : i32 to vector<512x128xi32>
    %broadcast_in_dim3A_1452 = vector.broadcast %jit3A_1450 : i32 to vector<512x128xi32>
    %select_n3A_1453 = arith.select %lt3A_1448, %broadcast_in_dim3A_1451, %broadcast_in_dim3A_1452 : vector<512x128xi1>, vector<512x128xi32>
    %min3A_1454 = arith.minimumf %min3A_1440, %min3A_1447 : vector<512x128xf32>
    %lt3A_1455 = arith.cmpf olt, %min3A_1447, %min3A_1440 : vector<512x128xf32>
    %add3A_1456 = arith.constant 4096 : i32
    %add3A_1457 = vector.broadcast %add3A_1456 : i32 to vector<512x128xi32>
    %add3A_1458 = arith.addi %select_n3A_1453, %add3A_1457 : vector<512x128xi32>
    %add3A_1459 = arith.constant 4096 : i32
    %add3A_1460 = vector.broadcast %add3A_1459 : i32 to vector<512x128xi32>
    %add3A_1461 = arith.addi %select_n3A_1446, %add3A_1460 : vector<512x128xi32>
    %select_n3A_1462 = arith.select %lt3A_1455, %add3A_1458, %add3A_1461 : vector<512x128xi1>, vector<512x128xi32>
    %lt3A_1463 = arith.cmpf olt, %min3A_1454, %min3A_1303 : vector<512x128xf32>
    %min3A_1464 = arith.minimumf %min3A_1303, %min3A_1454 : vector<512x128xf32>
    %select_n3A_1465 = arith.select %lt3A_1463, %select_n3A_1462, %select_n3A_1304 : vector<512x128xi1>, vector<512x128xi32>
    %get3A_1466 = arith.constant 4608 : index
    %get3A_1467 = arith.constant 0 : index
    %get3A_1468 = vector.load %arg2[%get3A_1466, %get3A_1467] : memref<8192x32xf32, #tpu.memory_space<vmem>>, vector<512x32xf32>
    %get3A_1469 = arith.constant 4608 : index
    %get3A_1470 = vector.load %arg5[%get3A_1469] : memref<8192xf32, #tpu.memory_space<vmem>>, vector<512xf32>
    %slice3A_1471 = vector.extract_strided_slice %mul3A_5 {offsets = [0, 0], sizes = [512, 32], strides = [1, 1]} : vector<2048x32xf32> to vector<512x32xf32>
    %slice3A_1472 = vector.extract_strided_slice %broadcast_in_dim3A {offsets = [0, 0], sizes = [512, 1], strides = [1, 1]} : vector<2048x1xf32> to vector<512x1xf32>
    %dot_general3A_1473 = arith.constant dense<0.000000e+00> : vector<512x512xf32>
    %dot_general3A_1474 = tpu.matmul %slice3A_1471, %get3A_1468, %dot_general3A_1473 {dimension_numbers = #tpu.dot_dimension_numbers<[1], [1], [0], [0], [0, 0, 1, 0], [], []>, transpose_lhs_hint = false} : vector<512x32xf32>, vector<512x32xf32>, vector<512x512xf32> -> vector<512x512xf32>
    %broadcast_in_dim3A_1475 = vector.shape_cast %get3A_1470 : vector<512xf32> to vector<1x512xf32>
    %add3A_1476 = vector.broadcast %slice3A_1472 : vector<512x1xf32> to vector<512x512xf32>
    %add3A_1477 = vector.broadcast %broadcast_in_dim3A_1475 : vector<1x512xf32> to vector<512x512xf32>
    %add3A_1478 = arith.addf %add3A_1476, %add3A_1477 : vector<512x512xf32>
    %add3A_1479 = arith.addf %add3A_1478, %dot_general3A_1474 : vector<512x512xf32>
    %slice3A_1480 = vector.extract_strided_slice %add3A_1479 {offsets = [0, 0], sizes = [512, 128], strides = [1, 1]} : vector<512x512xf32> to vector<512x128xf32>
    %slice3A_1481 = vector.extract_strided_slice %add3A_1479 {offsets = [0, 128], sizes = [512, 128], strides = [1, 1]} : vector<512x512xf32> to vector<512x128xf32>
    %slice3A_1482 = vector.extract_strided_slice %add3A_1479 {offsets = [0, 256], sizes = [512, 128], strides = [1, 1]} : vector<512x512xf32> to vector<512x128xf32>
    %slice3A_1483 = vector.extract_strided_slice %add3A_1479 {offsets = [0, 384], sizes = [512, 128], strides = [1, 1]} : vector<512x512xf32> to vector<512x128xf32>
    %min3A_1484 = arith.minimumf %slice3A_1480, %slice3A_1481 : vector<512x128xf32>
    %lt3A_1485 = arith.cmpf olt, %slice3A_1481, %slice3A_1480 : vector<512x128xf32>
    %jit3A_1486 = arith.constant 128 : i32
    %jit3A_1487 = arith.constant 0 : i32
    %broadcast_in_dim3A_1488 = vector.broadcast %jit3A_1486 : i32 to vector<512x128xi32>
    %broadcast_in_dim3A_1489 = vector.broadcast %jit3A_1487 : i32 to vector<512x128xi32>
    %select_n3A_1490 = arith.select %lt3A_1485, %broadcast_in_dim3A_1488, %broadcast_in_dim3A_1489 : vector<512x128xi1>, vector<512x128xi32>
    %min3A_1491 = arith.minimumf %slice3A_1482, %slice3A_1483 : vector<512x128xf32>
    %lt3A_1492 = arith.cmpf olt, %slice3A_1483, %slice3A_1482 : vector<512x128xf32>
    %jit3A_1493 = arith.constant 384 : i32
    %jit3A_1494 = arith.constant 256 : i32
    %broadcast_in_dim3A_1495 = vector.broadcast %jit3A_1493 : i32 to vector<512x128xi32>
    %broadcast_in_dim3A_1496 = vector.broadcast %jit3A_1494 : i32 to vector<512x128xi32>
    %select_n3A_1497 = arith.select %lt3A_1492, %broadcast_in_dim3A_1495, %broadcast_in_dim3A_1496 : vector<512x128xi1>, vector<512x128xi32>
    %min3A_1498 = arith.minimumf %min3A_1484, %min3A_1491 : vector<512x128xf32>
    %lt3A_1499 = arith.cmpf olt, %min3A_1491, %min3A_1484 : vector<512x128xf32>
    %add3A_1500 = arith.constant 4608 : i32
    %add3A_1501 = vector.broadcast %add3A_1500 : i32 to vector<512x128xi32>
    %add3A_1502 = arith.addi %select_n3A_1497, %add3A_1501 : vector<512x128xi32>
    %add3A_1503 = arith.constant 4608 : i32
    %add3A_1504 = vector.broadcast %add3A_1503 : i32 to vector<512x128xi32>
    %add3A_1505 = arith.addi %select_n3A_1490, %add3A_1504 : vector<512x128xi32>
    %select_n3A_1506 = arith.select %lt3A_1499, %add3A_1502, %add3A_1505 : vector<512x128xi1>, vector<512x128xi32>
    %lt3A_1507 = arith.cmpf olt, %min3A_1498, %min3A_1347 : vector<512x128xf32>
    %min3A_1508 = arith.minimumf %min3A_1347, %min3A_1498 : vector<512x128xf32>
    %select_n3A_1509 = arith.select %lt3A_1507, %select_n3A_1506, %select_n3A_1348 : vector<512x128xi1>, vector<512x128xi32>
    %slice3A_1510 = vector.extract_strided_slice %mul3A_5 {offsets = [512, 0], sizes = [512, 32], strides = [1, 1]} : vector<2048x32xf32> to vector<512x32xf32>
    %slice3A_1511 = vector.extract_strided_slice %broadcast_in_dim3A {offsets = [512, 0], sizes = [512, 1], strides = [1, 1]} : vector<2048x1xf32> to vector<512x1xf32>
    %dot_general3A_1512 = arith.constant dense<0.000000e+00> : vector<512x512xf32>
    %dot_general3A_1513 = tpu.matmul %slice3A_1510, %get3A_1468, %dot_general3A_1512 {dimension_numbers = #tpu.dot_dimension_numbers<[1], [1], [0], [0], [0, 0, 1, 0], [], []>, transpose_lhs_hint = false} : vector<512x32xf32>, vector<512x32xf32>, vector<512x512xf32> -> vector<512x512xf32>
    %broadcast_in_dim3A_1514 = vector.shape_cast %get3A_1470 : vector<512xf32> to vector<1x512xf32>
    %add3A_1515 = vector.broadcast %slice3A_1511 : vector<512x1xf32> to vector<512x512xf32>
    %add3A_1516 = vector.broadcast %broadcast_in_dim3A_1514 : vector<1x512xf32> to vector<512x512xf32>
    %add3A_1517 = arith.addf %add3A_1515, %add3A_1516 : vector<512x512xf32>
    %add3A_1518 = arith.addf %add3A_1517, %dot_general3A_1513 : vector<512x512xf32>
    %slice3A_1519 = vector.extract_strided_slice %add3A_1518 {offsets = [0, 0], sizes = [512, 128], strides = [1, 1]} : vector<512x512xf32> to vector<512x128xf32>
    %slice3A_1520 = vector.extract_strided_slice %add3A_1518 {offsets = [0, 128], sizes = [512, 128], strides = [1, 1]} : vector<512x512xf32> to vector<512x128xf32>
    %slice3A_1521 = vector.extract_strided_slice %add3A_1518 {offsets = [0, 256], sizes = [512, 128], strides = [1, 1]} : vector<512x512xf32> to vector<512x128xf32>
    %slice3A_1522 = vector.extract_strided_slice %add3A_1518 {offsets = [0, 384], sizes = [512, 128], strides = [1, 1]} : vector<512x512xf32> to vector<512x128xf32>
    %min3A_1523 = arith.minimumf %slice3A_1519, %slice3A_1520 : vector<512x128xf32>
    %lt3A_1524 = arith.cmpf olt, %slice3A_1520, %slice3A_1519 : vector<512x128xf32>
    %jit3A_1525 = arith.constant 128 : i32
    %jit3A_1526 = arith.constant 0 : i32
    %broadcast_in_dim3A_1527 = vector.broadcast %jit3A_1525 : i32 to vector<512x128xi32>
    %broadcast_in_dim3A_1528 = vector.broadcast %jit3A_1526 : i32 to vector<512x128xi32>
    %select_n3A_1529 = arith.select %lt3A_1524, %broadcast_in_dim3A_1527, %broadcast_in_dim3A_1528 : vector<512x128xi1>, vector<512x128xi32>
    %min3A_1530 = arith.minimumf %slice3A_1521, %slice3A_1522 : vector<512x128xf32>
    %lt3A_1531 = arith.cmpf olt, %slice3A_1522, %slice3A_1521 : vector<512x128xf32>
    %jit3A_1532 = arith.constant 384 : i32
    %jit3A_1533 = arith.constant 256 : i32
    %broadcast_in_dim3A_1534 = vector.broadcast %jit3A_1532 : i32 to vector<512x128xi32>
    %broadcast_in_dim3A_1535 = vector.broadcast %jit3A_1533 : i32 to vector<512x128xi32>
    %select_n3A_1536 = arith.select %lt3A_1531, %broadcast_in_dim3A_1534, %broadcast_in_dim3A_1535 : vector<512x128xi1>, vector<512x128xi32>
    %min3A_1537 = arith.minimumf %min3A_1523, %min3A_1530 : vector<512x128xf32>
    %lt3A_1538 = arith.cmpf olt, %min3A_1530, %min3A_1523 : vector<512x128xf32>
    %add3A_1539 = arith.constant 4608 : i32
    %add3A_1540 = vector.broadcast %add3A_1539 : i32 to vector<512x128xi32>
    %add3A_1541 = arith.addi %select_n3A_1536, %add3A_1540 : vector<512x128xi32>
    %add3A_1542 = arith.constant 4608 : i32
    %add3A_1543 = vector.broadcast %add3A_1542 : i32 to vector<512x128xi32>
    %add3A_1544 = arith.addi %select_n3A_1529, %add3A_1543 : vector<512x128xi32>
    %select_n3A_1545 = arith.select %lt3A_1538, %add3A_1541, %add3A_1544 : vector<512x128xi1>, vector<512x128xi32>
    %lt3A_1546 = arith.cmpf olt, %min3A_1537, %min3A_1386 : vector<512x128xf32>
    %min3A_1547 = arith.minimumf %min3A_1386, %min3A_1537 : vector<512x128xf32>
    %select_n3A_1548 = arith.select %lt3A_1546, %select_n3A_1545, %select_n3A_1387 : vector<512x128xi1>, vector<512x128xi32>
    %slice3A_1549 = vector.extract_strided_slice %mul3A_5 {offsets = [1024, 0], sizes = [512, 32], strides = [1, 1]} : vector<2048x32xf32> to vector<512x32xf32>
    %slice3A_1550 = vector.extract_strided_slice %broadcast_in_dim3A {offsets = [1024, 0], sizes = [512, 1], strides = [1, 1]} : vector<2048x1xf32> to vector<512x1xf32>
    %dot_general3A_1551 = arith.constant dense<0.000000e+00> : vector<512x512xf32>
    %dot_general3A_1552 = tpu.matmul %slice3A_1549, %get3A_1468, %dot_general3A_1551 {dimension_numbers = #tpu.dot_dimension_numbers<[1], [1], [0], [0], [0, 0, 1, 0], [], []>, transpose_lhs_hint = false} : vector<512x32xf32>, vector<512x32xf32>, vector<512x512xf32> -> vector<512x512xf32>
    %broadcast_in_dim3A_1553 = vector.shape_cast %get3A_1470 : vector<512xf32> to vector<1x512xf32>
    %add3A_1554 = vector.broadcast %slice3A_1550 : vector<512x1xf32> to vector<512x512xf32>
    %add3A_1555 = vector.broadcast %broadcast_in_dim3A_1553 : vector<1x512xf32> to vector<512x512xf32>
    %add3A_1556 = arith.addf %add3A_1554, %add3A_1555 : vector<512x512xf32>
    %add3A_1557 = arith.addf %add3A_1556, %dot_general3A_1552 : vector<512x512xf32>
    %slice3A_1558 = vector.extract_strided_slice %add3A_1557 {offsets = [0, 0], sizes = [512, 128], strides = [1, 1]} : vector<512x512xf32> to vector<512x128xf32>
    %slice3A_1559 = vector.extract_strided_slice %add3A_1557 {offsets = [0, 128], sizes = [512, 128], strides = [1, 1]} : vector<512x512xf32> to vector<512x128xf32>
    %slice3A_1560 = vector.extract_strided_slice %add3A_1557 {offsets = [0, 256], sizes = [512, 128], strides = [1, 1]} : vector<512x512xf32> to vector<512x128xf32>
    %slice3A_1561 = vector.extract_strided_slice %add3A_1557 {offsets = [0, 384], sizes = [512, 128], strides = [1, 1]} : vector<512x512xf32> to vector<512x128xf32>
    %min3A_1562 = arith.minimumf %slice3A_1558, %slice3A_1559 : vector<512x128xf32>
    %lt3A_1563 = arith.cmpf olt, %slice3A_1559, %slice3A_1558 : vector<512x128xf32>
    %jit3A_1564 = arith.constant 128 : i32
    %jit3A_1565 = arith.constant 0 : i32
    %broadcast_in_dim3A_1566 = vector.broadcast %jit3A_1564 : i32 to vector<512x128xi32>
    %broadcast_in_dim3A_1567 = vector.broadcast %jit3A_1565 : i32 to vector<512x128xi32>
    %select_n3A_1568 = arith.select %lt3A_1563, %broadcast_in_dim3A_1566, %broadcast_in_dim3A_1567 : vector<512x128xi1>, vector<512x128xi32>
    %min3A_1569 = arith.minimumf %slice3A_1560, %slice3A_1561 : vector<512x128xf32>
    %lt3A_1570 = arith.cmpf olt, %slice3A_1561, %slice3A_1560 : vector<512x128xf32>
    %jit3A_1571 = arith.constant 384 : i32
    %jit3A_1572 = arith.constant 256 : i32
    %broadcast_in_dim3A_1573 = vector.broadcast %jit3A_1571 : i32 to vector<512x128xi32>
    %broadcast_in_dim3A_1574 = vector.broadcast %jit3A_1572 : i32 to vector<512x128xi32>
    %select_n3A_1575 = arith.select %lt3A_1570, %broadcast_in_dim3A_1573, %broadcast_in_dim3A_1574 : vector<512x128xi1>, vector<512x128xi32>
    %min3A_1576 = arith.minimumf %min3A_1562, %min3A_1569 : vector<512x128xf32>
    %lt3A_1577 = arith.cmpf olt, %min3A_1569, %min3A_1562 : vector<512x128xf32>
    %add3A_1578 = arith.constant 4608 : i32
    %add3A_1579 = vector.broadcast %add3A_1578 : i32 to vector<512x128xi32>
    %add3A_1580 = arith.addi %select_n3A_1575, %add3A_1579 : vector<512x128xi32>
    %add3A_1581 = arith.constant 4608 : i32
    %add3A_1582 = vector.broadcast %add3A_1581 : i32 to vector<512x128xi32>
    %add3A_1583 = arith.addi %select_n3A_1568, %add3A_1582 : vector<512x128xi32>
    %select_n3A_1584 = arith.select %lt3A_1577, %add3A_1580, %add3A_1583 : vector<512x128xi1>, vector<512x128xi32>
    %lt3A_1585 = arith.cmpf olt, %min3A_1576, %min3A_1425 : vector<512x128xf32>
    %min3A_1586 = arith.minimumf %min3A_1425, %min3A_1576 : vector<512x128xf32>
    %select_n3A_1587 = arith.select %lt3A_1585, %select_n3A_1584, %select_n3A_1426 : vector<512x128xi1>, vector<512x128xi32>
    %slice3A_1588 = vector.extract_strided_slice %mul3A_5 {offsets = [1536, 0], sizes = [512, 32], strides = [1, 1]} : vector<2048x32xf32> to vector<512x32xf32>
    %slice3A_1589 = vector.extract_strided_slice %broadcast_in_dim3A {offsets = [1536, 0], sizes = [512, 1], strides = [1, 1]} : vector<2048x1xf32> to vector<512x1xf32>
    %dot_general3A_1590 = arith.constant dense<0.000000e+00> : vector<512x512xf32>
    %dot_general3A_1591 = tpu.matmul %slice3A_1588, %get3A_1468, %dot_general3A_1590 {dimension_numbers = #tpu.dot_dimension_numbers<[1], [1], [0], [0], [0, 0, 1, 0], [], []>, transpose_lhs_hint = false} : vector<512x32xf32>, vector<512x32xf32>, vector<512x512xf32> -> vector<512x512xf32>
    %broadcast_in_dim3A_1592 = vector.shape_cast %get3A_1470 : vector<512xf32> to vector<1x512xf32>
    %add3A_1593 = vector.broadcast %slice3A_1589 : vector<512x1xf32> to vector<512x512xf32>
    %add3A_1594 = vector.broadcast %broadcast_in_dim3A_1592 : vector<1x512xf32> to vector<512x512xf32>
    %add3A_1595 = arith.addf %add3A_1593, %add3A_1594 : vector<512x512xf32>
    %add3A_1596 = arith.addf %add3A_1595, %dot_general3A_1591 : vector<512x512xf32>
    %slice3A_1597 = vector.extract_strided_slice %add3A_1596 {offsets = [0, 0], sizes = [512, 128], strides = [1, 1]} : vector<512x512xf32> to vector<512x128xf32>
    %slice3A_1598 = vector.extract_strided_slice %add3A_1596 {offsets = [0, 128], sizes = [512, 128], strides = [1, 1]} : vector<512x512xf32> to vector<512x128xf32>
    %slice3A_1599 = vector.extract_strided_slice %add3A_1596 {offsets = [0, 256], sizes = [512, 128], strides = [1, 1]} : vector<512x512xf32> to vector<512x128xf32>
    %slice3A_1600 = vector.extract_strided_slice %add3A_1596 {offsets = [0, 384], sizes = [512, 128], strides = [1, 1]} : vector<512x512xf32> to vector<512x128xf32>
    %min3A_1601 = arith.minimumf %slice3A_1597, %slice3A_1598 : vector<512x128xf32>
    %lt3A_1602 = arith.cmpf olt, %slice3A_1598, %slice3A_1597 : vector<512x128xf32>
    %jit3A_1603 = arith.constant 128 : i32
    %jit3A_1604 = arith.constant 0 : i32
    %broadcast_in_dim3A_1605 = vector.broadcast %jit3A_1603 : i32 to vector<512x128xi32>
    %broadcast_in_dim3A_1606 = vector.broadcast %jit3A_1604 : i32 to vector<512x128xi32>
    %select_n3A_1607 = arith.select %lt3A_1602, %broadcast_in_dim3A_1605, %broadcast_in_dim3A_1606 : vector<512x128xi1>, vector<512x128xi32>
    %min3A_1608 = arith.minimumf %slice3A_1599, %slice3A_1600 : vector<512x128xf32>
    %lt3A_1609 = arith.cmpf olt, %slice3A_1600, %slice3A_1599 : vector<512x128xf32>
    %jit3A_1610 = arith.constant 384 : i32
    %jit3A_1611 = arith.constant 256 : i32
    %broadcast_in_dim3A_1612 = vector.broadcast %jit3A_1610 : i32 to vector<512x128xi32>
    %broadcast_in_dim3A_1613 = vector.broadcast %jit3A_1611 : i32 to vector<512x128xi32>
    %select_n3A_1614 = arith.select %lt3A_1609, %broadcast_in_dim3A_1612, %broadcast_in_dim3A_1613 : vector<512x128xi1>, vector<512x128xi32>
    %min3A_1615 = arith.minimumf %min3A_1601, %min3A_1608 : vector<512x128xf32>
    %lt3A_1616 = arith.cmpf olt, %min3A_1608, %min3A_1601 : vector<512x128xf32>
    %add3A_1617 = arith.constant 4608 : i32
    %add3A_1618 = vector.broadcast %add3A_1617 : i32 to vector<512x128xi32>
    %add3A_1619 = arith.addi %select_n3A_1614, %add3A_1618 : vector<512x128xi32>
    %add3A_1620 = arith.constant 4608 : i32
    %add3A_1621 = vector.broadcast %add3A_1620 : i32 to vector<512x128xi32>
    %add3A_1622 = arith.addi %select_n3A_1607, %add3A_1621 : vector<512x128xi32>
    %select_n3A_1623 = arith.select %lt3A_1616, %add3A_1619, %add3A_1622 : vector<512x128xi1>, vector<512x128xi32>
    %lt3A_1624 = arith.cmpf olt, %min3A_1615, %min3A_1464 : vector<512x128xf32>
    %min3A_1625 = arith.minimumf %min3A_1464, %min3A_1615 : vector<512x128xf32>
    %select_n3A_1626 = arith.select %lt3A_1624, %select_n3A_1623, %select_n3A_1465 : vector<512x128xi1>, vector<512x128xi32>
    %get3A_1627 = arith.constant 5120 : index
    %get3A_1628 = arith.constant 0 : index
    %get3A_1629 = vector.load %arg2[%get3A_1627, %get3A_1628] : memref<8192x32xf32, #tpu.memory_space<vmem>>, vector<512x32xf32>
    %get3A_1630 = arith.constant 5120 : index
    %get3A_1631 = vector.load %arg5[%get3A_1630] : memref<8192xf32, #tpu.memory_space<vmem>>, vector<512xf32>
    %slice3A_1632 = vector.extract_strided_slice %mul3A_5 {offsets = [0, 0], sizes = [512, 32], strides = [1, 1]} : vector<2048x32xf32> to vector<512x32xf32>
    %slice3A_1633 = vector.extract_strided_slice %broadcast_in_dim3A {offsets = [0, 0], sizes = [512, 1], strides = [1, 1]} : vector<2048x1xf32> to vector<512x1xf32>
    %dot_general3A_1634 = arith.constant dense<0.000000e+00> : vector<512x512xf32>
    %dot_general3A_1635 = tpu.matmul %slice3A_1632, %get3A_1629, %dot_general3A_1634 {dimension_numbers = #tpu.dot_dimension_numbers<[1], [1], [0], [0], [0, 0, 1, 0], [], []>, transpose_lhs_hint = false} : vector<512x32xf32>, vector<512x32xf32>, vector<512x512xf32> -> vector<512x512xf32>
    %broadcast_in_dim3A_1636 = vector.shape_cast %get3A_1631 : vector<512xf32> to vector<1x512xf32>
    %add3A_1637 = vector.broadcast %slice3A_1633 : vector<512x1xf32> to vector<512x512xf32>
    %add3A_1638 = vector.broadcast %broadcast_in_dim3A_1636 : vector<1x512xf32> to vector<512x512xf32>
    %add3A_1639 = arith.addf %add3A_1637, %add3A_1638 : vector<512x512xf32>
    %add3A_1640 = arith.addf %add3A_1639, %dot_general3A_1635 : vector<512x512xf32>
    %slice3A_1641 = vector.extract_strided_slice %add3A_1640 {offsets = [0, 0], sizes = [512, 128], strides = [1, 1]} : vector<512x512xf32> to vector<512x128xf32>
    %slice3A_1642 = vector.extract_strided_slice %add3A_1640 {offsets = [0, 128], sizes = [512, 128], strides = [1, 1]} : vector<512x512xf32> to vector<512x128xf32>
    %slice3A_1643 = vector.extract_strided_slice %add3A_1640 {offsets = [0, 256], sizes = [512, 128], strides = [1, 1]} : vector<512x512xf32> to vector<512x128xf32>
    %slice3A_1644 = vector.extract_strided_slice %add3A_1640 {offsets = [0, 384], sizes = [512, 128], strides = [1, 1]} : vector<512x512xf32> to vector<512x128xf32>
    %min3A_1645 = arith.minimumf %slice3A_1641, %slice3A_1642 : vector<512x128xf32>
    %lt3A_1646 = arith.cmpf olt, %slice3A_1642, %slice3A_1641 : vector<512x128xf32>
    %jit3A_1647 = arith.constant 128 : i32
    %jit3A_1648 = arith.constant 0 : i32
    %broadcast_in_dim3A_1649 = vector.broadcast %jit3A_1647 : i32 to vector<512x128xi32>
    %broadcast_in_dim3A_1650 = vector.broadcast %jit3A_1648 : i32 to vector<512x128xi32>
    %select_n3A_1651 = arith.select %lt3A_1646, %broadcast_in_dim3A_1649, %broadcast_in_dim3A_1650 : vector<512x128xi1>, vector<512x128xi32>
    %min3A_1652 = arith.minimumf %slice3A_1643, %slice3A_1644 : vector<512x128xf32>
    %lt3A_1653 = arith.cmpf olt, %slice3A_1644, %slice3A_1643 : vector<512x128xf32>
    %jit3A_1654 = arith.constant 384 : i32
    %jit3A_1655 = arith.constant 256 : i32
    %broadcast_in_dim3A_1656 = vector.broadcast %jit3A_1654 : i32 to vector<512x128xi32>
    %broadcast_in_dim3A_1657 = vector.broadcast %jit3A_1655 : i32 to vector<512x128xi32>
    %select_n3A_1658 = arith.select %lt3A_1653, %broadcast_in_dim3A_1656, %broadcast_in_dim3A_1657 : vector<512x128xi1>, vector<512x128xi32>
    %min3A_1659 = arith.minimumf %min3A_1645, %min3A_1652 : vector<512x128xf32>
    %lt3A_1660 = arith.cmpf olt, %min3A_1652, %min3A_1645 : vector<512x128xf32>
    %add3A_1661 = arith.constant 5120 : i32
    %add3A_1662 = vector.broadcast %add3A_1661 : i32 to vector<512x128xi32>
    %add3A_1663 = arith.addi %select_n3A_1658, %add3A_1662 : vector<512x128xi32>
    %add3A_1664 = arith.constant 5120 : i32
    %add3A_1665 = vector.broadcast %add3A_1664 : i32 to vector<512x128xi32>
    %add3A_1666 = arith.addi %select_n3A_1651, %add3A_1665 : vector<512x128xi32>
    %select_n3A_1667 = arith.select %lt3A_1660, %add3A_1663, %add3A_1666 : vector<512x128xi1>, vector<512x128xi32>
    %lt3A_1668 = arith.cmpf olt, %min3A_1659, %min3A_1508 : vector<512x128xf32>
    %min3A_1669 = arith.minimumf %min3A_1508, %min3A_1659 : vector<512x128xf32>
    %select_n3A_1670 = arith.select %lt3A_1668, %select_n3A_1667, %select_n3A_1509 : vector<512x128xi1>, vector<512x128xi32>
    %slice3A_1671 = vector.extract_strided_slice %mul3A_5 {offsets = [512, 0], sizes = [512, 32], strides = [1, 1]} : vector<2048x32xf32> to vector<512x32xf32>
    %slice3A_1672 = vector.extract_strided_slice %broadcast_in_dim3A {offsets = [512, 0], sizes = [512, 1], strides = [1, 1]} : vector<2048x1xf32> to vector<512x1xf32>
    %dot_general3A_1673 = arith.constant dense<0.000000e+00> : vector<512x512xf32>
    %dot_general3A_1674 = tpu.matmul %slice3A_1671, %get3A_1629, %dot_general3A_1673 {dimension_numbers = #tpu.dot_dimension_numbers<[1], [1], [0], [0], [0, 0, 1, 0], [], []>, transpose_lhs_hint = false} : vector<512x32xf32>, vector<512x32xf32>, vector<512x512xf32> -> vector<512x512xf32>
    %broadcast_in_dim3A_1675 = vector.shape_cast %get3A_1631 : vector<512xf32> to vector<1x512xf32>
    %add3A_1676 = vector.broadcast %slice3A_1672 : vector<512x1xf32> to vector<512x512xf32>
    %add3A_1677 = vector.broadcast %broadcast_in_dim3A_1675 : vector<1x512xf32> to vector<512x512xf32>
    %add3A_1678 = arith.addf %add3A_1676, %add3A_1677 : vector<512x512xf32>
    %add3A_1679 = arith.addf %add3A_1678, %dot_general3A_1674 : vector<512x512xf32>
    %slice3A_1680 = vector.extract_strided_slice %add3A_1679 {offsets = [0, 0], sizes = [512, 128], strides = [1, 1]} : vector<512x512xf32> to vector<512x128xf32>
    %slice3A_1681 = vector.extract_strided_slice %add3A_1679 {offsets = [0, 128], sizes = [512, 128], strides = [1, 1]} : vector<512x512xf32> to vector<512x128xf32>
    %slice3A_1682 = vector.extract_strided_slice %add3A_1679 {offsets = [0, 256], sizes = [512, 128], strides = [1, 1]} : vector<512x512xf32> to vector<512x128xf32>
    %slice3A_1683 = vector.extract_strided_slice %add3A_1679 {offsets = [0, 384], sizes = [512, 128], strides = [1, 1]} : vector<512x512xf32> to vector<512x128xf32>
    %min3A_1684 = arith.minimumf %slice3A_1680, %slice3A_1681 : vector<512x128xf32>
    %lt3A_1685 = arith.cmpf olt, %slice3A_1681, %slice3A_1680 : vector<512x128xf32>
    %jit3A_1686 = arith.constant 128 : i32
    %jit3A_1687 = arith.constant 0 : i32
    %broadcast_in_dim3A_1688 = vector.broadcast %jit3A_1686 : i32 to vector<512x128xi32>
    %broadcast_in_dim3A_1689 = vector.broadcast %jit3A_1687 : i32 to vector<512x128xi32>
    %select_n3A_1690 = arith.select %lt3A_1685, %broadcast_in_dim3A_1688, %broadcast_in_dim3A_1689 : vector<512x128xi1>, vector<512x128xi32>
    %min3A_1691 = arith.minimumf %slice3A_1682, %slice3A_1683 : vector<512x128xf32>
    %lt3A_1692 = arith.cmpf olt, %slice3A_1683, %slice3A_1682 : vector<512x128xf32>
    %jit3A_1693 = arith.constant 384 : i32
    %jit3A_1694 = arith.constant 256 : i32
    %broadcast_in_dim3A_1695 = vector.broadcast %jit3A_1693 : i32 to vector<512x128xi32>
    %broadcast_in_dim3A_1696 = vector.broadcast %jit3A_1694 : i32 to vector<512x128xi32>
    %select_n3A_1697 = arith.select %lt3A_1692, %broadcast_in_dim3A_1695, %broadcast_in_dim3A_1696 : vector<512x128xi1>, vector<512x128xi32>
    %min3A_1698 = arith.minimumf %min3A_1684, %min3A_1691 : vector<512x128xf32>
    %lt3A_1699 = arith.cmpf olt, %min3A_1691, %min3A_1684 : vector<512x128xf32>
    %add3A_1700 = arith.constant 5120 : i32
    %add3A_1701 = vector.broadcast %add3A_1700 : i32 to vector<512x128xi32>
    %add3A_1702 = arith.addi %select_n3A_1697, %add3A_1701 : vector<512x128xi32>
    %add3A_1703 = arith.constant 5120 : i32
    %add3A_1704 = vector.broadcast %add3A_1703 : i32 to vector<512x128xi32>
    %add3A_1705 = arith.addi %select_n3A_1690, %add3A_1704 : vector<512x128xi32>
    %select_n3A_1706 = arith.select %lt3A_1699, %add3A_1702, %add3A_1705 : vector<512x128xi1>, vector<512x128xi32>
    %lt3A_1707 = arith.cmpf olt, %min3A_1698, %min3A_1547 : vector<512x128xf32>
    %min3A_1708 = arith.minimumf %min3A_1547, %min3A_1698 : vector<512x128xf32>
    %select_n3A_1709 = arith.select %lt3A_1707, %select_n3A_1706, %select_n3A_1548 : vector<512x128xi1>, vector<512x128xi32>
    %slice3A_1710 = vector.extract_strided_slice %mul3A_5 {offsets = [1024, 0], sizes = [512, 32], strides = [1, 1]} : vector<2048x32xf32> to vector<512x32xf32>
    %slice3A_1711 = vector.extract_strided_slice %broadcast_in_dim3A {offsets = [1024, 0], sizes = [512, 1], strides = [1, 1]} : vector<2048x1xf32> to vector<512x1xf32>
    %dot_general3A_1712 = arith.constant dense<0.000000e+00> : vector<512x512xf32>
    %dot_general3A_1713 = tpu.matmul %slice3A_1710, %get3A_1629, %dot_general3A_1712 {dimension_numbers = #tpu.dot_dimension_numbers<[1], [1], [0], [0], [0, 0, 1, 0], [], []>, transpose_lhs_hint = false} : vector<512x32xf32>, vector<512x32xf32>, vector<512x512xf32> -> vector<512x512xf32>
    %broadcast_in_dim3A_1714 = vector.shape_cast %get3A_1631 : vector<512xf32> to vector<1x512xf32>
    %add3A_1715 = vector.broadcast %slice3A_1711 : vector<512x1xf32> to vector<512x512xf32>
    %add3A_1716 = vector.broadcast %broadcast_in_dim3A_1714 : vector<1x512xf32> to vector<512x512xf32>
    %add3A_1717 = arith.addf %add3A_1715, %add3A_1716 : vector<512x512xf32>
    %add3A_1718 = arith.addf %add3A_1717, %dot_general3A_1713 : vector<512x512xf32>
    %slice3A_1719 = vector.extract_strided_slice %add3A_1718 {offsets = [0, 0], sizes = [512, 128], strides = [1, 1]} : vector<512x512xf32> to vector<512x128xf32>
    %slice3A_1720 = vector.extract_strided_slice %add3A_1718 {offsets = [0, 128], sizes = [512, 128], strides = [1, 1]} : vector<512x512xf32> to vector<512x128xf32>
    %slice3A_1721 = vector.extract_strided_slice %add3A_1718 {offsets = [0, 256], sizes = [512, 128], strides = [1, 1]} : vector<512x512xf32> to vector<512x128xf32>
    %slice3A_1722 = vector.extract_strided_slice %add3A_1718 {offsets = [0, 384], sizes = [512, 128], strides = [1, 1]} : vector<512x512xf32> to vector<512x128xf32>
    %min3A_1723 = arith.minimumf %slice3A_1719, %slice3A_1720 : vector<512x128xf32>
    %lt3A_1724 = arith.cmpf olt, %slice3A_1720, %slice3A_1719 : vector<512x128xf32>
    %jit3A_1725 = arith.constant 128 : i32
    %jit3A_1726 = arith.constant 0 : i32
    %broadcast_in_dim3A_1727 = vector.broadcast %jit3A_1725 : i32 to vector<512x128xi32>
    %broadcast_in_dim3A_1728 = vector.broadcast %jit3A_1726 : i32 to vector<512x128xi32>
    %select_n3A_1729 = arith.select %lt3A_1724, %broadcast_in_dim3A_1727, %broadcast_in_dim3A_1728 : vector<512x128xi1>, vector<512x128xi32>
    %min3A_1730 = arith.minimumf %slice3A_1721, %slice3A_1722 : vector<512x128xf32>
    %lt3A_1731 = arith.cmpf olt, %slice3A_1722, %slice3A_1721 : vector<512x128xf32>
    %jit3A_1732 = arith.constant 384 : i32
    %jit3A_1733 = arith.constant 256 : i32
    %broadcast_in_dim3A_1734 = vector.broadcast %jit3A_1732 : i32 to vector<512x128xi32>
    %broadcast_in_dim3A_1735 = vector.broadcast %jit3A_1733 : i32 to vector<512x128xi32>
    %select_n3A_1736 = arith.select %lt3A_1731, %broadcast_in_dim3A_1734, %broadcast_in_dim3A_1735 : vector<512x128xi1>, vector<512x128xi32>
    %min3A_1737 = arith.minimumf %min3A_1723, %min3A_1730 : vector<512x128xf32>
    %lt3A_1738 = arith.cmpf olt, %min3A_1730, %min3A_1723 : vector<512x128xf32>
    %add3A_1739 = arith.constant 5120 : i32
    %add3A_1740 = vector.broadcast %add3A_1739 : i32 to vector<512x128xi32>
    %add3A_1741 = arith.addi %select_n3A_1736, %add3A_1740 : vector<512x128xi32>
    %add3A_1742 = arith.constant 5120 : i32
    %add3A_1743 = vector.broadcast %add3A_1742 : i32 to vector<512x128xi32>
    %add3A_1744 = arith.addi %select_n3A_1729, %add3A_1743 : vector<512x128xi32>
    %select_n3A_1745 = arith.select %lt3A_1738, %add3A_1741, %add3A_1744 : vector<512x128xi1>, vector<512x128xi32>
    %lt3A_1746 = arith.cmpf olt, %min3A_1737, %min3A_1586 : vector<512x128xf32>
    %min3A_1747 = arith.minimumf %min3A_1586, %min3A_1737 : vector<512x128xf32>
    %select_n3A_1748 = arith.select %lt3A_1746, %select_n3A_1745, %select_n3A_1587 : vector<512x128xi1>, vector<512x128xi32>
    %slice3A_1749 = vector.extract_strided_slice %mul3A_5 {offsets = [1536, 0], sizes = [512, 32], strides = [1, 1]} : vector<2048x32xf32> to vector<512x32xf32>
    %slice3A_1750 = vector.extract_strided_slice %broadcast_in_dim3A {offsets = [1536, 0], sizes = [512, 1], strides = [1, 1]} : vector<2048x1xf32> to vector<512x1xf32>
    %dot_general3A_1751 = arith.constant dense<0.000000e+00> : vector<512x512xf32>
    %dot_general3A_1752 = tpu.matmul %slice3A_1749, %get3A_1629, %dot_general3A_1751 {dimension_numbers = #tpu.dot_dimension_numbers<[1], [1], [0], [0], [0, 0, 1, 0], [], []>, transpose_lhs_hint = false} : vector<512x32xf32>, vector<512x32xf32>, vector<512x512xf32> -> vector<512x512xf32>
    %broadcast_in_dim3A_1753 = vector.shape_cast %get3A_1631 : vector<512xf32> to vector<1x512xf32>
    %add3A_1754 = vector.broadcast %slice3A_1750 : vector<512x1xf32> to vector<512x512xf32>
    %add3A_1755 = vector.broadcast %broadcast_in_dim3A_1753 : vector<1x512xf32> to vector<512x512xf32>
    %add3A_1756 = arith.addf %add3A_1754, %add3A_1755 : vector<512x512xf32>
    %add3A_1757 = arith.addf %add3A_1756, %dot_general3A_1752 : vector<512x512xf32>
    %slice3A_1758 = vector.extract_strided_slice %add3A_1757 {offsets = [0, 0], sizes = [512, 128], strides = [1, 1]} : vector<512x512xf32> to vector<512x128xf32>
    %slice3A_1759 = vector.extract_strided_slice %add3A_1757 {offsets = [0, 128], sizes = [512, 128], strides = [1, 1]} : vector<512x512xf32> to vector<512x128xf32>
    %slice3A_1760 = vector.extract_strided_slice %add3A_1757 {offsets = [0, 256], sizes = [512, 128], strides = [1, 1]} : vector<512x512xf32> to vector<512x128xf32>
    %slice3A_1761 = vector.extract_strided_slice %add3A_1757 {offsets = [0, 384], sizes = [512, 128], strides = [1, 1]} : vector<512x512xf32> to vector<512x128xf32>
    %min3A_1762 = arith.minimumf %slice3A_1758, %slice3A_1759 : vector<512x128xf32>
    %lt3A_1763 = arith.cmpf olt, %slice3A_1759, %slice3A_1758 : vector<512x128xf32>
    %jit3A_1764 = arith.constant 128 : i32
    %jit3A_1765 = arith.constant 0 : i32
    %broadcast_in_dim3A_1766 = vector.broadcast %jit3A_1764 : i32 to vector<512x128xi32>
    %broadcast_in_dim3A_1767 = vector.broadcast %jit3A_1765 : i32 to vector<512x128xi32>
    %select_n3A_1768 = arith.select %lt3A_1763, %broadcast_in_dim3A_1766, %broadcast_in_dim3A_1767 : vector<512x128xi1>, vector<512x128xi32>
    %min3A_1769 = arith.minimumf %slice3A_1760, %slice3A_1761 : vector<512x128xf32>
    %lt3A_1770 = arith.cmpf olt, %slice3A_1761, %slice3A_1760 : vector<512x128xf32>
    %jit3A_1771 = arith.constant 384 : i32
    %jit3A_1772 = arith.constant 256 : i32
    %broadcast_in_dim3A_1773 = vector.broadcast %jit3A_1771 : i32 to vector<512x128xi32>
    %broadcast_in_dim3A_1774 = vector.broadcast %jit3A_1772 : i32 to vector<512x128xi32>
    %select_n3A_1775 = arith.select %lt3A_1770, %broadcast_in_dim3A_1773, %broadcast_in_dim3A_1774 : vector<512x128xi1>, vector<512x128xi32>
    %min3A_1776 = arith.minimumf %min3A_1762, %min3A_1769 : vector<512x128xf32>
    %lt3A_1777 = arith.cmpf olt, %min3A_1769, %min3A_1762 : vector<512x128xf32>
    %add3A_1778 = arith.constant 5120 : i32
    %add3A_1779 = vector.broadcast %add3A_1778 : i32 to vector<512x128xi32>
    %add3A_1780 = arith.addi %select_n3A_1775, %add3A_1779 : vector<512x128xi32>
    %add3A_1781 = arith.constant 5120 : i32
    %add3A_1782 = vector.broadcast %add3A_1781 : i32 to vector<512x128xi32>
    %add3A_1783 = arith.addi %select_n3A_1768, %add3A_1782 : vector<512x128xi32>
    %select_n3A_1784 = arith.select %lt3A_1777, %add3A_1780, %add3A_1783 : vector<512x128xi1>, vector<512x128xi32>
    %lt3A_1785 = arith.cmpf olt, %min3A_1776, %min3A_1625 : vector<512x128xf32>
    %min3A_1786 = arith.minimumf %min3A_1625, %min3A_1776 : vector<512x128xf32>
    %select_n3A_1787 = arith.select %lt3A_1785, %select_n3A_1784, %select_n3A_1626 : vector<512x128xi1>, vector<512x128xi32>
    %get3A_1788 = arith.constant 5632 : index
    %get3A_1789 = arith.constant 0 : index
    %get3A_1790 = vector.load %arg2[%get3A_1788, %get3A_1789] : memref<8192x32xf32, #tpu.memory_space<vmem>>, vector<512x32xf32>
    %get3A_1791 = arith.constant 5632 : index
    %get3A_1792 = vector.load %arg5[%get3A_1791] : memref<8192xf32, #tpu.memory_space<vmem>>, vector<512xf32>
    %slice3A_1793 = vector.extract_strided_slice %mul3A_5 {offsets = [0, 0], sizes = [512, 32], strides = [1, 1]} : vector<2048x32xf32> to vector<512x32xf32>
    %slice3A_1794 = vector.extract_strided_slice %broadcast_in_dim3A {offsets = [0, 0], sizes = [512, 1], strides = [1, 1]} : vector<2048x1xf32> to vector<512x1xf32>
    %dot_general3A_1795 = arith.constant dense<0.000000e+00> : vector<512x512xf32>
    %dot_general3A_1796 = tpu.matmul %slice3A_1793, %get3A_1790, %dot_general3A_1795 {dimension_numbers = #tpu.dot_dimension_numbers<[1], [1], [0], [0], [0, 0, 1, 0], [], []>, transpose_lhs_hint = false} : vector<512x32xf32>, vector<512x32xf32>, vector<512x512xf32> -> vector<512x512xf32>
    %broadcast_in_dim3A_1797 = vector.shape_cast %get3A_1792 : vector<512xf32> to vector<1x512xf32>
    %add3A_1798 = vector.broadcast %slice3A_1794 : vector<512x1xf32> to vector<512x512xf32>
    %add3A_1799 = vector.broadcast %broadcast_in_dim3A_1797 : vector<1x512xf32> to vector<512x512xf32>
    %add3A_1800 = arith.addf %add3A_1798, %add3A_1799 : vector<512x512xf32>
    %add3A_1801 = arith.addf %add3A_1800, %dot_general3A_1796 : vector<512x512xf32>
    %slice3A_1802 = vector.extract_strided_slice %add3A_1801 {offsets = [0, 0], sizes = [512, 128], strides = [1, 1]} : vector<512x512xf32> to vector<512x128xf32>
    %slice3A_1803 = vector.extract_strided_slice %add3A_1801 {offsets = [0, 128], sizes = [512, 128], strides = [1, 1]} : vector<512x512xf32> to vector<512x128xf32>
    %slice3A_1804 = vector.extract_strided_slice %add3A_1801 {offsets = [0, 256], sizes = [512, 128], strides = [1, 1]} : vector<512x512xf32> to vector<512x128xf32>
    %slice3A_1805 = vector.extract_strided_slice %add3A_1801 {offsets = [0, 384], sizes = [512, 128], strides = [1, 1]} : vector<512x512xf32> to vector<512x128xf32>
    %min3A_1806 = arith.minimumf %slice3A_1802, %slice3A_1803 : vector<512x128xf32>
    %lt3A_1807 = arith.cmpf olt, %slice3A_1803, %slice3A_1802 : vector<512x128xf32>
    %jit3A_1808 = arith.constant 128 : i32
    %jit3A_1809 = arith.constant 0 : i32
    %broadcast_in_dim3A_1810 = vector.broadcast %jit3A_1808 : i32 to vector<512x128xi32>
    %broadcast_in_dim3A_1811 = vector.broadcast %jit3A_1809 : i32 to vector<512x128xi32>
    %select_n3A_1812 = arith.select %lt3A_1807, %broadcast_in_dim3A_1810, %broadcast_in_dim3A_1811 : vector<512x128xi1>, vector<512x128xi32>
    %min3A_1813 = arith.minimumf %slice3A_1804, %slice3A_1805 : vector<512x128xf32>
    %lt3A_1814 = arith.cmpf olt, %slice3A_1805, %slice3A_1804 : vector<512x128xf32>
    %jit3A_1815 = arith.constant 384 : i32
    %jit3A_1816 = arith.constant 256 : i32
    %broadcast_in_dim3A_1817 = vector.broadcast %jit3A_1815 : i32 to vector<512x128xi32>
    %broadcast_in_dim3A_1818 = vector.broadcast %jit3A_1816 : i32 to vector<512x128xi32>
    %select_n3A_1819 = arith.select %lt3A_1814, %broadcast_in_dim3A_1817, %broadcast_in_dim3A_1818 : vector<512x128xi1>, vector<512x128xi32>
    %min3A_1820 = arith.minimumf %min3A_1806, %min3A_1813 : vector<512x128xf32>
    %lt3A_1821 = arith.cmpf olt, %min3A_1813, %min3A_1806 : vector<512x128xf32>
    %add3A_1822 = arith.constant 5632 : i32
    %add3A_1823 = vector.broadcast %add3A_1822 : i32 to vector<512x128xi32>
    %add3A_1824 = arith.addi %select_n3A_1819, %add3A_1823 : vector<512x128xi32>
    %add3A_1825 = arith.constant 5632 : i32
    %add3A_1826 = vector.broadcast %add3A_1825 : i32 to vector<512x128xi32>
    %add3A_1827 = arith.addi %select_n3A_1812, %add3A_1826 : vector<512x128xi32>
    %select_n3A_1828 = arith.select %lt3A_1821, %add3A_1824, %add3A_1827 : vector<512x128xi1>, vector<512x128xi32>
    %lt3A_1829 = arith.cmpf olt, %min3A_1820, %min3A_1669 : vector<512x128xf32>
    %min3A_1830 = arith.minimumf %min3A_1669, %min3A_1820 : vector<512x128xf32>
    %select_n3A_1831 = arith.select %lt3A_1829, %select_n3A_1828, %select_n3A_1670 : vector<512x128xi1>, vector<512x128xi32>
    %slice3A_1832 = vector.extract_strided_slice %mul3A_5 {offsets = [512, 0], sizes = [512, 32], strides = [1, 1]} : vector<2048x32xf32> to vector<512x32xf32>
    %slice3A_1833 = vector.extract_strided_slice %broadcast_in_dim3A {offsets = [512, 0], sizes = [512, 1], strides = [1, 1]} : vector<2048x1xf32> to vector<512x1xf32>
    %dot_general3A_1834 = arith.constant dense<0.000000e+00> : vector<512x512xf32>
    %dot_general3A_1835 = tpu.matmul %slice3A_1832, %get3A_1790, %dot_general3A_1834 {dimension_numbers = #tpu.dot_dimension_numbers<[1], [1], [0], [0], [0, 0, 1, 0], [], []>, transpose_lhs_hint = false} : vector<512x32xf32>, vector<512x32xf32>, vector<512x512xf32> -> vector<512x512xf32>
    %broadcast_in_dim3A_1836 = vector.shape_cast %get3A_1792 : vector<512xf32> to vector<1x512xf32>
    %add3A_1837 = vector.broadcast %slice3A_1833 : vector<512x1xf32> to vector<512x512xf32>
    %add3A_1838 = vector.broadcast %broadcast_in_dim3A_1836 : vector<1x512xf32> to vector<512x512xf32>
    %add3A_1839 = arith.addf %add3A_1837, %add3A_1838 : vector<512x512xf32>
    %add3A_1840 = arith.addf %add3A_1839, %dot_general3A_1835 : vector<512x512xf32>
    %slice3A_1841 = vector.extract_strided_slice %add3A_1840 {offsets = [0, 0], sizes = [512, 128], strides = [1, 1]} : vector<512x512xf32> to vector<512x128xf32>
    %slice3A_1842 = vector.extract_strided_slice %add3A_1840 {offsets = [0, 128], sizes = [512, 128], strides = [1, 1]} : vector<512x512xf32> to vector<512x128xf32>
    %slice3A_1843 = vector.extract_strided_slice %add3A_1840 {offsets = [0, 256], sizes = [512, 128], strides = [1, 1]} : vector<512x512xf32> to vector<512x128xf32>
    %slice3A_1844 = vector.extract_strided_slice %add3A_1840 {offsets = [0, 384], sizes = [512, 128], strides = [1, 1]} : vector<512x512xf32> to vector<512x128xf32>
    %min3A_1845 = arith.minimumf %slice3A_1841, %slice3A_1842 : vector<512x128xf32>
    %lt3A_1846 = arith.cmpf olt, %slice3A_1842, %slice3A_1841 : vector<512x128xf32>
    %jit3A_1847 = arith.constant 128 : i32
    %jit3A_1848 = arith.constant 0 : i32
    %broadcast_in_dim3A_1849 = vector.broadcast %jit3A_1847 : i32 to vector<512x128xi32>
    %broadcast_in_dim3A_1850 = vector.broadcast %jit3A_1848 : i32 to vector<512x128xi32>
    %select_n3A_1851 = arith.select %lt3A_1846, %broadcast_in_dim3A_1849, %broadcast_in_dim3A_1850 : vector<512x128xi1>, vector<512x128xi32>
    %min3A_1852 = arith.minimumf %slice3A_1843, %slice3A_1844 : vector<512x128xf32>
    %lt3A_1853 = arith.cmpf olt, %slice3A_1844, %slice3A_1843 : vector<512x128xf32>
    %jit3A_1854 = arith.constant 384 : i32
    %jit3A_1855 = arith.constant 256 : i32
    %broadcast_in_dim3A_1856 = vector.broadcast %jit3A_1854 : i32 to vector<512x128xi32>
    %broadcast_in_dim3A_1857 = vector.broadcast %jit3A_1855 : i32 to vector<512x128xi32>
    %select_n3A_1858 = arith.select %lt3A_1853, %broadcast_in_dim3A_1856, %broadcast_in_dim3A_1857 : vector<512x128xi1>, vector<512x128xi32>
    %min3A_1859 = arith.minimumf %min3A_1845, %min3A_1852 : vector<512x128xf32>
    %lt3A_1860 = arith.cmpf olt, %min3A_1852, %min3A_1845 : vector<512x128xf32>
    %add3A_1861 = arith.constant 5632 : i32
    %add3A_1862 = vector.broadcast %add3A_1861 : i32 to vector<512x128xi32>
    %add3A_1863 = arith.addi %select_n3A_1858, %add3A_1862 : vector<512x128xi32>
    %add3A_1864 = arith.constant 5632 : i32
    %add3A_1865 = vector.broadcast %add3A_1864 : i32 to vector<512x128xi32>
    %add3A_1866 = arith.addi %select_n3A_1851, %add3A_1865 : vector<512x128xi32>
    %select_n3A_1867 = arith.select %lt3A_1860, %add3A_1863, %add3A_1866 : vector<512x128xi1>, vector<512x128xi32>
    %lt3A_1868 = arith.cmpf olt, %min3A_1859, %min3A_1708 : vector<512x128xf32>
    %min3A_1869 = arith.minimumf %min3A_1708, %min3A_1859 : vector<512x128xf32>
    %select_n3A_1870 = arith.select %lt3A_1868, %select_n3A_1867, %select_n3A_1709 : vector<512x128xi1>, vector<512x128xi32>
    %slice3A_1871 = vector.extract_strided_slice %mul3A_5 {offsets = [1024, 0], sizes = [512, 32], strides = [1, 1]} : vector<2048x32xf32> to vector<512x32xf32>
    %slice3A_1872 = vector.extract_strided_slice %broadcast_in_dim3A {offsets = [1024, 0], sizes = [512, 1], strides = [1, 1]} : vector<2048x1xf32> to vector<512x1xf32>
    %dot_general3A_1873 = arith.constant dense<0.000000e+00> : vector<512x512xf32>
    %dot_general3A_1874 = tpu.matmul %slice3A_1871, %get3A_1790, %dot_general3A_1873 {dimension_numbers = #tpu.dot_dimension_numbers<[1], [1], [0], [0], [0, 0, 1, 0], [], []>, transpose_lhs_hint = false} : vector<512x32xf32>, vector<512x32xf32>, vector<512x512xf32> -> vector<512x512xf32>
    %broadcast_in_dim3A_1875 = vector.shape_cast %get3A_1792 : vector<512xf32> to vector<1x512xf32>
    %add3A_1876 = vector.broadcast %slice3A_1872 : vector<512x1xf32> to vector<512x512xf32>
    %add3A_1877 = vector.broadcast %broadcast_in_dim3A_1875 : vector<1x512xf32> to vector<512x512xf32>
    %add3A_1878 = arith.addf %add3A_1876, %add3A_1877 : vector<512x512xf32>
    %add3A_1879 = arith.addf %add3A_1878, %dot_general3A_1874 : vector<512x512xf32>
    %slice3A_1880 = vector.extract_strided_slice %add3A_1879 {offsets = [0, 0], sizes = [512, 128], strides = [1, 1]} : vector<512x512xf32> to vector<512x128xf32>
    %slice3A_1881 = vector.extract_strided_slice %add3A_1879 {offsets = [0, 128], sizes = [512, 128], strides = [1, 1]} : vector<512x512xf32> to vector<512x128xf32>
    %slice3A_1882 = vector.extract_strided_slice %add3A_1879 {offsets = [0, 256], sizes = [512, 128], strides = [1, 1]} : vector<512x512xf32> to vector<512x128xf32>
    %slice3A_1883 = vector.extract_strided_slice %add3A_1879 {offsets = [0, 384], sizes = [512, 128], strides = [1, 1]} : vector<512x512xf32> to vector<512x128xf32>
    %min3A_1884 = arith.minimumf %slice3A_1880, %slice3A_1881 : vector<512x128xf32>
    %lt3A_1885 = arith.cmpf olt, %slice3A_1881, %slice3A_1880 : vector<512x128xf32>
    %jit3A_1886 = arith.constant 128 : i32
    %jit3A_1887 = arith.constant 0 : i32
    %broadcast_in_dim3A_1888 = vector.broadcast %jit3A_1886 : i32 to vector<512x128xi32>
    %broadcast_in_dim3A_1889 = vector.broadcast %jit3A_1887 : i32 to vector<512x128xi32>
    %select_n3A_1890 = arith.select %lt3A_1885, %broadcast_in_dim3A_1888, %broadcast_in_dim3A_1889 : vector<512x128xi1>, vector<512x128xi32>
    %min3A_1891 = arith.minimumf %slice3A_1882, %slice3A_1883 : vector<512x128xf32>
    %lt3A_1892 = arith.cmpf olt, %slice3A_1883, %slice3A_1882 : vector<512x128xf32>
    %jit3A_1893 = arith.constant 384 : i32
    %jit3A_1894 = arith.constant 256 : i32
    %broadcast_in_dim3A_1895 = vector.broadcast %jit3A_1893 : i32 to vector<512x128xi32>
    %broadcast_in_dim3A_1896 = vector.broadcast %jit3A_1894 : i32 to vector<512x128xi32>
    %select_n3A_1897 = arith.select %lt3A_1892, %broadcast_in_dim3A_1895, %broadcast_in_dim3A_1896 : vector<512x128xi1>, vector<512x128xi32>
    %min3A_1898 = arith.minimumf %min3A_1884, %min3A_1891 : vector<512x128xf32>
    %lt3A_1899 = arith.cmpf olt, %min3A_1891, %min3A_1884 : vector<512x128xf32>
    %add3A_1900 = arith.constant 5632 : i32
    %add3A_1901 = vector.broadcast %add3A_1900 : i32 to vector<512x128xi32>
    %add3A_1902 = arith.addi %select_n3A_1897, %add3A_1901 : vector<512x128xi32>
    %add3A_1903 = arith.constant 5632 : i32
    %add3A_1904 = vector.broadcast %add3A_1903 : i32 to vector<512x128xi32>
    %add3A_1905 = arith.addi %select_n3A_1890, %add3A_1904 : vector<512x128xi32>
    %select_n3A_1906 = arith.select %lt3A_1899, %add3A_1902, %add3A_1905 : vector<512x128xi1>, vector<512x128xi32>
    %lt3A_1907 = arith.cmpf olt, %min3A_1898, %min3A_1747 : vector<512x128xf32>
    %min3A_1908 = arith.minimumf %min3A_1747, %min3A_1898 : vector<512x128xf32>
    %select_n3A_1909 = arith.select %lt3A_1907, %select_n3A_1906, %select_n3A_1748 : vector<512x128xi1>, vector<512x128xi32>
    %slice3A_1910 = vector.extract_strided_slice %mul3A_5 {offsets = [1536, 0], sizes = [512, 32], strides = [1, 1]} : vector<2048x32xf32> to vector<512x32xf32>
    %slice3A_1911 = vector.extract_strided_slice %broadcast_in_dim3A {offsets = [1536, 0], sizes = [512, 1], strides = [1, 1]} : vector<2048x1xf32> to vector<512x1xf32>
    %dot_general3A_1912 = arith.constant dense<0.000000e+00> : vector<512x512xf32>
    %dot_general3A_1913 = tpu.matmul %slice3A_1910, %get3A_1790, %dot_general3A_1912 {dimension_numbers = #tpu.dot_dimension_numbers<[1], [1], [0], [0], [0, 0, 1, 0], [], []>, transpose_lhs_hint = false} : vector<512x32xf32>, vector<512x32xf32>, vector<512x512xf32> -> vector<512x512xf32>
    %broadcast_in_dim3A_1914 = vector.shape_cast %get3A_1792 : vector<512xf32> to vector<1x512xf32>
    %add3A_1915 = vector.broadcast %slice3A_1911 : vector<512x1xf32> to vector<512x512xf32>
    %add3A_1916 = vector.broadcast %broadcast_in_dim3A_1914 : vector<1x512xf32> to vector<512x512xf32>
    %add3A_1917 = arith.addf %add3A_1915, %add3A_1916 : vector<512x512xf32>
    %add3A_1918 = arith.addf %add3A_1917, %dot_general3A_1913 : vector<512x512xf32>
    %slice3A_1919 = vector.extract_strided_slice %add3A_1918 {offsets = [0, 0], sizes = [512, 128], strides = [1, 1]} : vector<512x512xf32> to vector<512x128xf32>
    %slice3A_1920 = vector.extract_strided_slice %add3A_1918 {offsets = [0, 128], sizes = [512, 128], strides = [1, 1]} : vector<512x512xf32> to vector<512x128xf32>
    %slice3A_1921 = vector.extract_strided_slice %add3A_1918 {offsets = [0, 256], sizes = [512, 128], strides = [1, 1]} : vector<512x512xf32> to vector<512x128xf32>
    %slice3A_1922 = vector.extract_strided_slice %add3A_1918 {offsets = [0, 384], sizes = [512, 128], strides = [1, 1]} : vector<512x512xf32> to vector<512x128xf32>
    %min3A_1923 = arith.minimumf %slice3A_1919, %slice3A_1920 : vector<512x128xf32>
    %lt3A_1924 = arith.cmpf olt, %slice3A_1920, %slice3A_1919 : vector<512x128xf32>
    %jit3A_1925 = arith.constant 128 : i32
    %jit3A_1926 = arith.constant 0 : i32
    %broadcast_in_dim3A_1927 = vector.broadcast %jit3A_1925 : i32 to vector<512x128xi32>
    %broadcast_in_dim3A_1928 = vector.broadcast %jit3A_1926 : i32 to vector<512x128xi32>
    %select_n3A_1929 = arith.select %lt3A_1924, %broadcast_in_dim3A_1927, %broadcast_in_dim3A_1928 : vector<512x128xi1>, vector<512x128xi32>
    %min3A_1930 = arith.minimumf %slice3A_1921, %slice3A_1922 : vector<512x128xf32>
    %lt3A_1931 = arith.cmpf olt, %slice3A_1922, %slice3A_1921 : vector<512x128xf32>
    %jit3A_1932 = arith.constant 384 : i32
    %jit3A_1933 = arith.constant 256 : i32
    %broadcast_in_dim3A_1934 = vector.broadcast %jit3A_1932 : i32 to vector<512x128xi32>
    %broadcast_in_dim3A_1935 = vector.broadcast %jit3A_1933 : i32 to vector<512x128xi32>
    %select_n3A_1936 = arith.select %lt3A_1931, %broadcast_in_dim3A_1934, %broadcast_in_dim3A_1935 : vector<512x128xi1>, vector<512x128xi32>
    %min3A_1937 = arith.minimumf %min3A_1923, %min3A_1930 : vector<512x128xf32>
    %lt3A_1938 = arith.cmpf olt, %min3A_1930, %min3A_1923 : vector<512x128xf32>
    %add3A_1939 = arith.constant 5632 : i32
    %add3A_1940 = vector.broadcast %add3A_1939 : i32 to vector<512x128xi32>
    %add3A_1941 = arith.addi %select_n3A_1936, %add3A_1940 : vector<512x128xi32>
    %add3A_1942 = arith.constant 5632 : i32
    %add3A_1943 = vector.broadcast %add3A_1942 : i32 to vector<512x128xi32>
    %add3A_1944 = arith.addi %select_n3A_1929, %add3A_1943 : vector<512x128xi32>
    %select_n3A_1945 = arith.select %lt3A_1938, %add3A_1941, %add3A_1944 : vector<512x128xi1>, vector<512x128xi32>
    %lt3A_1946 = arith.cmpf olt, %min3A_1937, %min3A_1786 : vector<512x128xf32>
    %min3A_1947 = arith.minimumf %min3A_1786, %min3A_1937 : vector<512x128xf32>
    %select_n3A_1948 = arith.select %lt3A_1946, %select_n3A_1945, %select_n3A_1787 : vector<512x128xi1>, vector<512x128xi32>
    %get3A_1949 = arith.constant 6144 : index
    %get3A_1950 = arith.constant 0 : index
    %get3A_1951 = vector.load %arg2[%get3A_1949, %get3A_1950] : memref<8192x32xf32, #tpu.memory_space<vmem>>, vector<512x32xf32>
    %get3A_1952 = arith.constant 6144 : index
    %get3A_1953 = vector.load %arg5[%get3A_1952] : memref<8192xf32, #tpu.memory_space<vmem>>, vector<512xf32>
    %slice3A_1954 = vector.extract_strided_slice %mul3A_5 {offsets = [0, 0], sizes = [512, 32], strides = [1, 1]} : vector<2048x32xf32> to vector<512x32xf32>
    %slice3A_1955 = vector.extract_strided_slice %broadcast_in_dim3A {offsets = [0, 0], sizes = [512, 1], strides = [1, 1]} : vector<2048x1xf32> to vector<512x1xf32>
    %dot_general3A_1956 = arith.constant dense<0.000000e+00> : vector<512x512xf32>
    %dot_general3A_1957 = tpu.matmul %slice3A_1954, %get3A_1951, %dot_general3A_1956 {dimension_numbers = #tpu.dot_dimension_numbers<[1], [1], [0], [0], [0, 0, 1, 0], [], []>, transpose_lhs_hint = false} : vector<512x32xf32>, vector<512x32xf32>, vector<512x512xf32> -> vector<512x512xf32>
    %broadcast_in_dim3A_1958 = vector.shape_cast %get3A_1953 : vector<512xf32> to vector<1x512xf32>
    %add3A_1959 = vector.broadcast %slice3A_1955 : vector<512x1xf32> to vector<512x512xf32>
    %add3A_1960 = vector.broadcast %broadcast_in_dim3A_1958 : vector<1x512xf32> to vector<512x512xf32>
    %add3A_1961 = arith.addf %add3A_1959, %add3A_1960 : vector<512x512xf32>
    %add3A_1962 = arith.addf %add3A_1961, %dot_general3A_1957 : vector<512x512xf32>
    %slice3A_1963 = vector.extract_strided_slice %add3A_1962 {offsets = [0, 0], sizes = [512, 128], strides = [1, 1]} : vector<512x512xf32> to vector<512x128xf32>
    %slice3A_1964 = vector.extract_strided_slice %add3A_1962 {offsets = [0, 128], sizes = [512, 128], strides = [1, 1]} : vector<512x512xf32> to vector<512x128xf32>
    %slice3A_1965 = vector.extract_strided_slice %add3A_1962 {offsets = [0, 256], sizes = [512, 128], strides = [1, 1]} : vector<512x512xf32> to vector<512x128xf32>
    %slice3A_1966 = vector.extract_strided_slice %add3A_1962 {offsets = [0, 384], sizes = [512, 128], strides = [1, 1]} : vector<512x512xf32> to vector<512x128xf32>
    %min3A_1967 = arith.minimumf %slice3A_1963, %slice3A_1964 : vector<512x128xf32>
    %lt3A_1968 = arith.cmpf olt, %slice3A_1964, %slice3A_1963 : vector<512x128xf32>
    %jit3A_1969 = arith.constant 128 : i32
    %jit3A_1970 = arith.constant 0 : i32
    %broadcast_in_dim3A_1971 = vector.broadcast %jit3A_1969 : i32 to vector<512x128xi32>
    %broadcast_in_dim3A_1972 = vector.broadcast %jit3A_1970 : i32 to vector<512x128xi32>
    %select_n3A_1973 = arith.select %lt3A_1968, %broadcast_in_dim3A_1971, %broadcast_in_dim3A_1972 : vector<512x128xi1>, vector<512x128xi32>
    %min3A_1974 = arith.minimumf %slice3A_1965, %slice3A_1966 : vector<512x128xf32>
    %lt3A_1975 = arith.cmpf olt, %slice3A_1966, %slice3A_1965 : vector<512x128xf32>
    %jit3A_1976 = arith.constant 384 : i32
    %jit3A_1977 = arith.constant 256 : i32
    %broadcast_in_dim3A_1978 = vector.broadcast %jit3A_1976 : i32 to vector<512x128xi32>
    %broadcast_in_dim3A_1979 = vector.broadcast %jit3A_1977 : i32 to vector<512x128xi32>
    %select_n3A_1980 = arith.select %lt3A_1975, %broadcast_in_dim3A_1978, %broadcast_in_dim3A_1979 : vector<512x128xi1>, vector<512x128xi32>
    %min3A_1981 = arith.minimumf %min3A_1967, %min3A_1974 : vector<512x128xf32>
    %lt3A_1982 = arith.cmpf olt, %min3A_1974, %min3A_1967 : vector<512x128xf32>
    %add3A_1983 = arith.constant 6144 : i32
    %add3A_1984 = vector.broadcast %add3A_1983 : i32 to vector<512x128xi32>
    %add3A_1985 = arith.addi %select_n3A_1980, %add3A_1984 : vector<512x128xi32>
    %add3A_1986 = arith.constant 6144 : i32
    %add3A_1987 = vector.broadcast %add3A_1986 : i32 to vector<512x128xi32>
    %add3A_1988 = arith.addi %select_n3A_1973, %add3A_1987 : vector<512x128xi32>
    %select_n3A_1989 = arith.select %lt3A_1982, %add3A_1985, %add3A_1988 : vector<512x128xi1>, vector<512x128xi32>
    %lt3A_1990 = arith.cmpf olt, %min3A_1981, %min3A_1830 : vector<512x128xf32>
    %min3A_1991 = arith.minimumf %min3A_1830, %min3A_1981 : vector<512x128xf32>
    %select_n3A_1992 = arith.select %lt3A_1990, %select_n3A_1989, %select_n3A_1831 : vector<512x128xi1>, vector<512x128xi32>
    %slice3A_1993 = vector.extract_strided_slice %mul3A_5 {offsets = [512, 0], sizes = [512, 32], strides = [1, 1]} : vector<2048x32xf32> to vector<512x32xf32>
    %slice3A_1994 = vector.extract_strided_slice %broadcast_in_dim3A {offsets = [512, 0], sizes = [512, 1], strides = [1, 1]} : vector<2048x1xf32> to vector<512x1xf32>
    %dot_general3A_1995 = arith.constant dense<0.000000e+00> : vector<512x512xf32>
    %dot_general3A_1996 = tpu.matmul %slice3A_1993, %get3A_1951, %dot_general3A_1995 {dimension_numbers = #tpu.dot_dimension_numbers<[1], [1], [0], [0], [0, 0, 1, 0], [], []>, transpose_lhs_hint = false} : vector<512x32xf32>, vector<512x32xf32>, vector<512x512xf32> -> vector<512x512xf32>
    %broadcast_in_dim3A_1997 = vector.shape_cast %get3A_1953 : vector<512xf32> to vector<1x512xf32>
    %add3A_1998 = vector.broadcast %slice3A_1994 : vector<512x1xf32> to vector<512x512xf32>
    %add3A_1999 = vector.broadcast %broadcast_in_dim3A_1997 : vector<1x512xf32> to vector<512x512xf32>
    %add3A_2000 = arith.addf %add3A_1998, %add3A_1999 : vector<512x512xf32>
    %add3A_2001 = arith.addf %add3A_2000, %dot_general3A_1996 : vector<512x512xf32>
    %slice3A_2002 = vector.extract_strided_slice %add3A_2001 {offsets = [0, 0], sizes = [512, 128], strides = [1, 1]} : vector<512x512xf32> to vector<512x128xf32>
    %slice3A_2003 = vector.extract_strided_slice %add3A_2001 {offsets = [0, 128], sizes = [512, 128], strides = [1, 1]} : vector<512x512xf32> to vector<512x128xf32>
    %slice3A_2004 = vector.extract_strided_slice %add3A_2001 {offsets = [0, 256], sizes = [512, 128], strides = [1, 1]} : vector<512x512xf32> to vector<512x128xf32>
    %slice3A_2005 = vector.extract_strided_slice %add3A_2001 {offsets = [0, 384], sizes = [512, 128], strides = [1, 1]} : vector<512x512xf32> to vector<512x128xf32>
    %min3A_2006 = arith.minimumf %slice3A_2002, %slice3A_2003 : vector<512x128xf32>
    %lt3A_2007 = arith.cmpf olt, %slice3A_2003, %slice3A_2002 : vector<512x128xf32>
    %jit3A_2008 = arith.constant 128 : i32
    %jit3A_2009 = arith.constant 0 : i32
    %broadcast_in_dim3A_2010 = vector.broadcast %jit3A_2008 : i32 to vector<512x128xi32>
    %broadcast_in_dim3A_2011 = vector.broadcast %jit3A_2009 : i32 to vector<512x128xi32>
    %select_n3A_2012 = arith.select %lt3A_2007, %broadcast_in_dim3A_2010, %broadcast_in_dim3A_2011 : vector<512x128xi1>, vector<512x128xi32>
    %min3A_2013 = arith.minimumf %slice3A_2004, %slice3A_2005 : vector<512x128xf32>
    %lt3A_2014 = arith.cmpf olt, %slice3A_2005, %slice3A_2004 : vector<512x128xf32>
    %jit3A_2015 = arith.constant 384 : i32
    %jit3A_2016 = arith.constant 256 : i32
    %broadcast_in_dim3A_2017 = vector.broadcast %jit3A_2015 : i32 to vector<512x128xi32>
    %broadcast_in_dim3A_2018 = vector.broadcast %jit3A_2016 : i32 to vector<512x128xi32>
    %select_n3A_2019 = arith.select %lt3A_2014, %broadcast_in_dim3A_2017, %broadcast_in_dim3A_2018 : vector<512x128xi1>, vector<512x128xi32>
    %min3A_2020 = arith.minimumf %min3A_2006, %min3A_2013 : vector<512x128xf32>
    %lt3A_2021 = arith.cmpf olt, %min3A_2013, %min3A_2006 : vector<512x128xf32>
    %add3A_2022 = arith.constant 6144 : i32
    %add3A_2023 = vector.broadcast %add3A_2022 : i32 to vector<512x128xi32>
    %add3A_2024 = arith.addi %select_n3A_2019, %add3A_2023 : vector<512x128xi32>
    %add3A_2025 = arith.constant 6144 : i32
    %add3A_2026 = vector.broadcast %add3A_2025 : i32 to vector<512x128xi32>
    %add3A_2027 = arith.addi %select_n3A_2012, %add3A_2026 : vector<512x128xi32>
    %select_n3A_2028 = arith.select %lt3A_2021, %add3A_2024, %add3A_2027 : vector<512x128xi1>, vector<512x128xi32>
    %lt3A_2029 = arith.cmpf olt, %min3A_2020, %min3A_1869 : vector<512x128xf32>
    %min3A_2030 = arith.minimumf %min3A_1869, %min3A_2020 : vector<512x128xf32>
    %select_n3A_2031 = arith.select %lt3A_2029, %select_n3A_2028, %select_n3A_1870 : vector<512x128xi1>, vector<512x128xi32>
    %slice3A_2032 = vector.extract_strided_slice %mul3A_5 {offsets = [1024, 0], sizes = [512, 32], strides = [1, 1]} : vector<2048x32xf32> to vector<512x32xf32>
    %slice3A_2033 = vector.extract_strided_slice %broadcast_in_dim3A {offsets = [1024, 0], sizes = [512, 1], strides = [1, 1]} : vector<2048x1xf32> to vector<512x1xf32>
    %dot_general3A_2034 = arith.constant dense<0.000000e+00> : vector<512x512xf32>
    %dot_general3A_2035 = tpu.matmul %slice3A_2032, %get3A_1951, %dot_general3A_2034 {dimension_numbers = #tpu.dot_dimension_numbers<[1], [1], [0], [0], [0, 0, 1, 0], [], []>, transpose_lhs_hint = false} : vector<512x32xf32>, vector<512x32xf32>, vector<512x512xf32> -> vector<512x512xf32>
    %broadcast_in_dim3A_2036 = vector.shape_cast %get3A_1953 : vector<512xf32> to vector<1x512xf32>
    %add3A_2037 = vector.broadcast %slice3A_2033 : vector<512x1xf32> to vector<512x512xf32>
    %add3A_2038 = vector.broadcast %broadcast_in_dim3A_2036 : vector<1x512xf32> to vector<512x512xf32>
    %add3A_2039 = arith.addf %add3A_2037, %add3A_2038 : vector<512x512xf32>
    %add3A_2040 = arith.addf %add3A_2039, %dot_general3A_2035 : vector<512x512xf32>
    %slice3A_2041 = vector.extract_strided_slice %add3A_2040 {offsets = [0, 0], sizes = [512, 128], strides = [1, 1]} : vector<512x512xf32> to vector<512x128xf32>
    %slice3A_2042 = vector.extract_strided_slice %add3A_2040 {offsets = [0, 128], sizes = [512, 128], strides = [1, 1]} : vector<512x512xf32> to vector<512x128xf32>
    %slice3A_2043 = vector.extract_strided_slice %add3A_2040 {offsets = [0, 256], sizes = [512, 128], strides = [1, 1]} : vector<512x512xf32> to vector<512x128xf32>
    %slice3A_2044 = vector.extract_strided_slice %add3A_2040 {offsets = [0, 384], sizes = [512, 128], strides = [1, 1]} : vector<512x512xf32> to vector<512x128xf32>
    %min3A_2045 = arith.minimumf %slice3A_2041, %slice3A_2042 : vector<512x128xf32>
    %lt3A_2046 = arith.cmpf olt, %slice3A_2042, %slice3A_2041 : vector<512x128xf32>
    %jit3A_2047 = arith.constant 128 : i32
    %jit3A_2048 = arith.constant 0 : i32
    %broadcast_in_dim3A_2049 = vector.broadcast %jit3A_2047 : i32 to vector<512x128xi32>
    %broadcast_in_dim3A_2050 = vector.broadcast %jit3A_2048 : i32 to vector<512x128xi32>
    %select_n3A_2051 = arith.select %lt3A_2046, %broadcast_in_dim3A_2049, %broadcast_in_dim3A_2050 : vector<512x128xi1>, vector<512x128xi32>
    %min3A_2052 = arith.minimumf %slice3A_2043, %slice3A_2044 : vector<512x128xf32>
    %lt3A_2053 = arith.cmpf olt, %slice3A_2044, %slice3A_2043 : vector<512x128xf32>
    %jit3A_2054 = arith.constant 384 : i32
    %jit3A_2055 = arith.constant 256 : i32
    %broadcast_in_dim3A_2056 = vector.broadcast %jit3A_2054 : i32 to vector<512x128xi32>
    %broadcast_in_dim3A_2057 = vector.broadcast %jit3A_2055 : i32 to vector<512x128xi32>
    %select_n3A_2058 = arith.select %lt3A_2053, %broadcast_in_dim3A_2056, %broadcast_in_dim3A_2057 : vector<512x128xi1>, vector<512x128xi32>
    %min3A_2059 = arith.minimumf %min3A_2045, %min3A_2052 : vector<512x128xf32>
    %lt3A_2060 = arith.cmpf olt, %min3A_2052, %min3A_2045 : vector<512x128xf32>
    %add3A_2061 = arith.constant 6144 : i32
    %add3A_2062 = vector.broadcast %add3A_2061 : i32 to vector<512x128xi32>
    %add3A_2063 = arith.addi %select_n3A_2058, %add3A_2062 : vector<512x128xi32>
    %add3A_2064 = arith.constant 6144 : i32
    %add3A_2065 = vector.broadcast %add3A_2064 : i32 to vector<512x128xi32>
    %add3A_2066 = arith.addi %select_n3A_2051, %add3A_2065 : vector<512x128xi32>
    %select_n3A_2067 = arith.select %lt3A_2060, %add3A_2063, %add3A_2066 : vector<512x128xi1>, vector<512x128xi32>
    %lt3A_2068 = arith.cmpf olt, %min3A_2059, %min3A_1908 : vector<512x128xf32>
    %min3A_2069 = arith.minimumf %min3A_1908, %min3A_2059 : vector<512x128xf32>
    %select_n3A_2070 = arith.select %lt3A_2068, %select_n3A_2067, %select_n3A_1909 : vector<512x128xi1>, vector<512x128xi32>
    %slice3A_2071 = vector.extract_strided_slice %mul3A_5 {offsets = [1536, 0], sizes = [512, 32], strides = [1, 1]} : vector<2048x32xf32> to vector<512x32xf32>
    %slice3A_2072 = vector.extract_strided_slice %broadcast_in_dim3A {offsets = [1536, 0], sizes = [512, 1], strides = [1, 1]} : vector<2048x1xf32> to vector<512x1xf32>
    %dot_general3A_2073 = arith.constant dense<0.000000e+00> : vector<512x512xf32>
    %dot_general3A_2074 = tpu.matmul %slice3A_2071, %get3A_1951, %dot_general3A_2073 {dimension_numbers = #tpu.dot_dimension_numbers<[1], [1], [0], [0], [0, 0, 1, 0], [], []>, transpose_lhs_hint = false} : vector<512x32xf32>, vector<512x32xf32>, vector<512x512xf32> -> vector<512x512xf32>
    %broadcast_in_dim3A_2075 = vector.shape_cast %get3A_1953 : vector<512xf32> to vector<1x512xf32>
    %add3A_2076 = vector.broadcast %slice3A_2072 : vector<512x1xf32> to vector<512x512xf32>
    %add3A_2077 = vector.broadcast %broadcast_in_dim3A_2075 : vector<1x512xf32> to vector<512x512xf32>
    %add3A_2078 = arith.addf %add3A_2076, %add3A_2077 : vector<512x512xf32>
    %add3A_2079 = arith.addf %add3A_2078, %dot_general3A_2074 : vector<512x512xf32>
    %slice3A_2080 = vector.extract_strided_slice %add3A_2079 {offsets = [0, 0], sizes = [512, 128], strides = [1, 1]} : vector<512x512xf32> to vector<512x128xf32>
    %slice3A_2081 = vector.extract_strided_slice %add3A_2079 {offsets = [0, 128], sizes = [512, 128], strides = [1, 1]} : vector<512x512xf32> to vector<512x128xf32>
    %slice3A_2082 = vector.extract_strided_slice %add3A_2079 {offsets = [0, 256], sizes = [512, 128], strides = [1, 1]} : vector<512x512xf32> to vector<512x128xf32>
    %slice3A_2083 = vector.extract_strided_slice %add3A_2079 {offsets = [0, 384], sizes = [512, 128], strides = [1, 1]} : vector<512x512xf32> to vector<512x128xf32>
    %min3A_2084 = arith.minimumf %slice3A_2080, %slice3A_2081 : vector<512x128xf32>
    %lt3A_2085 = arith.cmpf olt, %slice3A_2081, %slice3A_2080 : vector<512x128xf32>
    %jit3A_2086 = arith.constant 128 : i32
    %jit3A_2087 = arith.constant 0 : i32
    %broadcast_in_dim3A_2088 = vector.broadcast %jit3A_2086 : i32 to vector<512x128xi32>
    %broadcast_in_dim3A_2089 = vector.broadcast %jit3A_2087 : i32 to vector<512x128xi32>
    %select_n3A_2090 = arith.select %lt3A_2085, %broadcast_in_dim3A_2088, %broadcast_in_dim3A_2089 : vector<512x128xi1>, vector<512x128xi32>
    %min3A_2091 = arith.minimumf %slice3A_2082, %slice3A_2083 : vector<512x128xf32>
    %lt3A_2092 = arith.cmpf olt, %slice3A_2083, %slice3A_2082 : vector<512x128xf32>
    %jit3A_2093 = arith.constant 384 : i32
    %jit3A_2094 = arith.constant 256 : i32
    %broadcast_in_dim3A_2095 = vector.broadcast %jit3A_2093 : i32 to vector<512x128xi32>
    %broadcast_in_dim3A_2096 = vector.broadcast %jit3A_2094 : i32 to vector<512x128xi32>
    %select_n3A_2097 = arith.select %lt3A_2092, %broadcast_in_dim3A_2095, %broadcast_in_dim3A_2096 : vector<512x128xi1>, vector<512x128xi32>
    %min3A_2098 = arith.minimumf %min3A_2084, %min3A_2091 : vector<512x128xf32>
    %lt3A_2099 = arith.cmpf olt, %min3A_2091, %min3A_2084 : vector<512x128xf32>
    %add3A_2100 = arith.constant 6144 : i32
    %add3A_2101 = vector.broadcast %add3A_2100 : i32 to vector<512x128xi32>
    %add3A_2102 = arith.addi %select_n3A_2097, %add3A_2101 : vector<512x128xi32>
    %add3A_2103 = arith.constant 6144 : i32
    %add3A_2104 = vector.broadcast %add3A_2103 : i32 to vector<512x128xi32>
    %add3A_2105 = arith.addi %select_n3A_2090, %add3A_2104 : vector<512x128xi32>
    %select_n3A_2106 = arith.select %lt3A_2099, %add3A_2102, %add3A_2105 : vector<512x128xi1>, vector<512x128xi32>
    %lt3A_2107 = arith.cmpf olt, %min3A_2098, %min3A_1947 : vector<512x128xf32>
    %min3A_2108 = arith.minimumf %min3A_1947, %min3A_2098 : vector<512x128xf32>
    %select_n3A_2109 = arith.select %lt3A_2107, %select_n3A_2106, %select_n3A_1948 : vector<512x128xi1>, vector<512x128xi32>
    %get3A_2110 = arith.constant 6656 : index
    %get3A_2111 = arith.constant 0 : index
    %get3A_2112 = vector.load %arg2[%get3A_2110, %get3A_2111] : memref<8192x32xf32, #tpu.memory_space<vmem>>, vector<512x32xf32>
    %get3A_2113 = arith.constant 6656 : index
    %get3A_2114 = vector.load %arg5[%get3A_2113] : memref<8192xf32, #tpu.memory_space<vmem>>, vector<512xf32>
    %slice3A_2115 = vector.extract_strided_slice %mul3A_5 {offsets = [0, 0], sizes = [512, 32], strides = [1, 1]} : vector<2048x32xf32> to vector<512x32xf32>
    %slice3A_2116 = vector.extract_strided_slice %broadcast_in_dim3A {offsets = [0, 0], sizes = [512, 1], strides = [1, 1]} : vector<2048x1xf32> to vector<512x1xf32>
    %dot_general3A_2117 = arith.constant dense<0.000000e+00> : vector<512x512xf32>
    %dot_general3A_2118 = tpu.matmul %slice3A_2115, %get3A_2112, %dot_general3A_2117 {dimension_numbers = #tpu.dot_dimension_numbers<[1], [1], [0], [0], [0, 0, 1, 0], [], []>, transpose_lhs_hint = false} : vector<512x32xf32>, vector<512x32xf32>, vector<512x512xf32> -> vector<512x512xf32>
    %broadcast_in_dim3A_2119 = vector.shape_cast %get3A_2114 : vector<512xf32> to vector<1x512xf32>
    %add3A_2120 = vector.broadcast %slice3A_2116 : vector<512x1xf32> to vector<512x512xf32>
    %add3A_2121 = vector.broadcast %broadcast_in_dim3A_2119 : vector<1x512xf32> to vector<512x512xf32>
    %add3A_2122 = arith.addf %add3A_2120, %add3A_2121 : vector<512x512xf32>
    %add3A_2123 = arith.addf %add3A_2122, %dot_general3A_2118 : vector<512x512xf32>
    %slice3A_2124 = vector.extract_strided_slice %add3A_2123 {offsets = [0, 0], sizes = [512, 128], strides = [1, 1]} : vector<512x512xf32> to vector<512x128xf32>
    %slice3A_2125 = vector.extract_strided_slice %add3A_2123 {offsets = [0, 128], sizes = [512, 128], strides = [1, 1]} : vector<512x512xf32> to vector<512x128xf32>
    %slice3A_2126 = vector.extract_strided_slice %add3A_2123 {offsets = [0, 256], sizes = [512, 128], strides = [1, 1]} : vector<512x512xf32> to vector<512x128xf32>
    %slice3A_2127 = vector.extract_strided_slice %add3A_2123 {offsets = [0, 384], sizes = [512, 128], strides = [1, 1]} : vector<512x512xf32> to vector<512x128xf32>
    %min3A_2128 = arith.minimumf %slice3A_2124, %slice3A_2125 : vector<512x128xf32>
    %lt3A_2129 = arith.cmpf olt, %slice3A_2125, %slice3A_2124 : vector<512x128xf32>
    %jit3A_2130 = arith.constant 128 : i32
    %jit3A_2131 = arith.constant 0 : i32
    %broadcast_in_dim3A_2132 = vector.broadcast %jit3A_2130 : i32 to vector<512x128xi32>
    %broadcast_in_dim3A_2133 = vector.broadcast %jit3A_2131 : i32 to vector<512x128xi32>
    %select_n3A_2134 = arith.select %lt3A_2129, %broadcast_in_dim3A_2132, %broadcast_in_dim3A_2133 : vector<512x128xi1>, vector<512x128xi32>
    %min3A_2135 = arith.minimumf %slice3A_2126, %slice3A_2127 : vector<512x128xf32>
    %lt3A_2136 = arith.cmpf olt, %slice3A_2127, %slice3A_2126 : vector<512x128xf32>
    %jit3A_2137 = arith.constant 384 : i32
    %jit3A_2138 = arith.constant 256 : i32
    %broadcast_in_dim3A_2139 = vector.broadcast %jit3A_2137 : i32 to vector<512x128xi32>
    %broadcast_in_dim3A_2140 = vector.broadcast %jit3A_2138 : i32 to vector<512x128xi32>
    %select_n3A_2141 = arith.select %lt3A_2136, %broadcast_in_dim3A_2139, %broadcast_in_dim3A_2140 : vector<512x128xi1>, vector<512x128xi32>
    %min3A_2142 = arith.minimumf %min3A_2128, %min3A_2135 : vector<512x128xf32>
    %lt3A_2143 = arith.cmpf olt, %min3A_2135, %min3A_2128 : vector<512x128xf32>
    %add3A_2144 = arith.constant 6656 : i32
    %add3A_2145 = vector.broadcast %add3A_2144 : i32 to vector<512x128xi32>
    %add3A_2146 = arith.addi %select_n3A_2141, %add3A_2145 : vector<512x128xi32>
    %add3A_2147 = arith.constant 6656 : i32
    %add3A_2148 = vector.broadcast %add3A_2147 : i32 to vector<512x128xi32>
    %add3A_2149 = arith.addi %select_n3A_2134, %add3A_2148 : vector<512x128xi32>
    %select_n3A_2150 = arith.select %lt3A_2143, %add3A_2146, %add3A_2149 : vector<512x128xi1>, vector<512x128xi32>
    %lt3A_2151 = arith.cmpf olt, %min3A_2142, %min3A_1991 : vector<512x128xf32>
    %min3A_2152 = arith.minimumf %min3A_1991, %min3A_2142 : vector<512x128xf32>
    %select_n3A_2153 = arith.select %lt3A_2151, %select_n3A_2150, %select_n3A_1992 : vector<512x128xi1>, vector<512x128xi32>
    %slice3A_2154 = vector.extract_strided_slice %mul3A_5 {offsets = [512, 0], sizes = [512, 32], strides = [1, 1]} : vector<2048x32xf32> to vector<512x32xf32>
    %slice3A_2155 = vector.extract_strided_slice %broadcast_in_dim3A {offsets = [512, 0], sizes = [512, 1], strides = [1, 1]} : vector<2048x1xf32> to vector<512x1xf32>
    %dot_general3A_2156 = arith.constant dense<0.000000e+00> : vector<512x512xf32>
    %dot_general3A_2157 = tpu.matmul %slice3A_2154, %get3A_2112, %dot_general3A_2156 {dimension_numbers = #tpu.dot_dimension_numbers<[1], [1], [0], [0], [0, 0, 1, 0], [], []>, transpose_lhs_hint = false} : vector<512x32xf32>, vector<512x32xf32>, vector<512x512xf32> -> vector<512x512xf32>
    %broadcast_in_dim3A_2158 = vector.shape_cast %get3A_2114 : vector<512xf32> to vector<1x512xf32>
    %add3A_2159 = vector.broadcast %slice3A_2155 : vector<512x1xf32> to vector<512x512xf32>
    %add3A_2160 = vector.broadcast %broadcast_in_dim3A_2158 : vector<1x512xf32> to vector<512x512xf32>
    %add3A_2161 = arith.addf %add3A_2159, %add3A_2160 : vector<512x512xf32>
    %add3A_2162 = arith.addf %add3A_2161, %dot_general3A_2157 : vector<512x512xf32>
    %slice3A_2163 = vector.extract_strided_slice %add3A_2162 {offsets = [0, 0], sizes = [512, 128], strides = [1, 1]} : vector<512x512xf32> to vector<512x128xf32>
    %slice3A_2164 = vector.extract_strided_slice %add3A_2162 {offsets = [0, 128], sizes = [512, 128], strides = [1, 1]} : vector<512x512xf32> to vector<512x128xf32>
    %slice3A_2165 = vector.extract_strided_slice %add3A_2162 {offsets = [0, 256], sizes = [512, 128], strides = [1, 1]} : vector<512x512xf32> to vector<512x128xf32>
    %slice3A_2166 = vector.extract_strided_slice %add3A_2162 {offsets = [0, 384], sizes = [512, 128], strides = [1, 1]} : vector<512x512xf32> to vector<512x128xf32>
    %min3A_2167 = arith.minimumf %slice3A_2163, %slice3A_2164 : vector<512x128xf32>
    %lt3A_2168 = arith.cmpf olt, %slice3A_2164, %slice3A_2163 : vector<512x128xf32>
    %jit3A_2169 = arith.constant 128 : i32
    %jit3A_2170 = arith.constant 0 : i32
    %broadcast_in_dim3A_2171 = vector.broadcast %jit3A_2169 : i32 to vector<512x128xi32>
    %broadcast_in_dim3A_2172 = vector.broadcast %jit3A_2170 : i32 to vector<512x128xi32>
    %select_n3A_2173 = arith.select %lt3A_2168, %broadcast_in_dim3A_2171, %broadcast_in_dim3A_2172 : vector<512x128xi1>, vector<512x128xi32>
    %min3A_2174 = arith.minimumf %slice3A_2165, %slice3A_2166 : vector<512x128xf32>
    %lt3A_2175 = arith.cmpf olt, %slice3A_2166, %slice3A_2165 : vector<512x128xf32>
    %jit3A_2176 = arith.constant 384 : i32
    %jit3A_2177 = arith.constant 256 : i32
    %broadcast_in_dim3A_2178 = vector.broadcast %jit3A_2176 : i32 to vector<512x128xi32>
    %broadcast_in_dim3A_2179 = vector.broadcast %jit3A_2177 : i32 to vector<512x128xi32>
    %select_n3A_2180 = arith.select %lt3A_2175, %broadcast_in_dim3A_2178, %broadcast_in_dim3A_2179 : vector<512x128xi1>, vector<512x128xi32>
    %min3A_2181 = arith.minimumf %min3A_2167, %min3A_2174 : vector<512x128xf32>
    %lt3A_2182 = arith.cmpf olt, %min3A_2174, %min3A_2167 : vector<512x128xf32>
    %add3A_2183 = arith.constant 6656 : i32
    %add3A_2184 = vector.broadcast %add3A_2183 : i32 to vector<512x128xi32>
    %add3A_2185 = arith.addi %select_n3A_2180, %add3A_2184 : vector<512x128xi32>
    %add3A_2186 = arith.constant 6656 : i32
    %add3A_2187 = vector.broadcast %add3A_2186 : i32 to vector<512x128xi32>
    %add3A_2188 = arith.addi %select_n3A_2173, %add3A_2187 : vector<512x128xi32>
    %select_n3A_2189 = arith.select %lt3A_2182, %add3A_2185, %add3A_2188 : vector<512x128xi1>, vector<512x128xi32>
    %lt3A_2190 = arith.cmpf olt, %min3A_2181, %min3A_2030 : vector<512x128xf32>
    %min3A_2191 = arith.minimumf %min3A_2030, %min3A_2181 : vector<512x128xf32>
    %select_n3A_2192 = arith.select %lt3A_2190, %select_n3A_2189, %select_n3A_2031 : vector<512x128xi1>, vector<512x128xi32>
    %slice3A_2193 = vector.extract_strided_slice %mul3A_5 {offsets = [1024, 0], sizes = [512, 32], strides = [1, 1]} : vector<2048x32xf32> to vector<512x32xf32>
    %slice3A_2194 = vector.extract_strided_slice %broadcast_in_dim3A {offsets = [1024, 0], sizes = [512, 1], strides = [1, 1]} : vector<2048x1xf32> to vector<512x1xf32>
    %dot_general3A_2195 = arith.constant dense<0.000000e+00> : vector<512x512xf32>
    %dot_general3A_2196 = tpu.matmul %slice3A_2193, %get3A_2112, %dot_general3A_2195 {dimension_numbers = #tpu.dot_dimension_numbers<[1], [1], [0], [0], [0, 0, 1, 0], [], []>, transpose_lhs_hint = false} : vector<512x32xf32>, vector<512x32xf32>, vector<512x512xf32> -> vector<512x512xf32>
    %broadcast_in_dim3A_2197 = vector.shape_cast %get3A_2114 : vector<512xf32> to vector<1x512xf32>
    %add3A_2198 = vector.broadcast %slice3A_2194 : vector<512x1xf32> to vector<512x512xf32>
    %add3A_2199 = vector.broadcast %broadcast_in_dim3A_2197 : vector<1x512xf32> to vector<512x512xf32>
    %add3A_2200 = arith.addf %add3A_2198, %add3A_2199 : vector<512x512xf32>
    %add3A_2201 = arith.addf %add3A_2200, %dot_general3A_2196 : vector<512x512xf32>
    %slice3A_2202 = vector.extract_strided_slice %add3A_2201 {offsets = [0, 0], sizes = [512, 128], strides = [1, 1]} : vector<512x512xf32> to vector<512x128xf32>
    %slice3A_2203 = vector.extract_strided_slice %add3A_2201 {offsets = [0, 128], sizes = [512, 128], strides = [1, 1]} : vector<512x512xf32> to vector<512x128xf32>
    %slice3A_2204 = vector.extract_strided_slice %add3A_2201 {offsets = [0, 256], sizes = [512, 128], strides = [1, 1]} : vector<512x512xf32> to vector<512x128xf32>
    %slice3A_2205 = vector.extract_strided_slice %add3A_2201 {offsets = [0, 384], sizes = [512, 128], strides = [1, 1]} : vector<512x512xf32> to vector<512x128xf32>
    %min3A_2206 = arith.minimumf %slice3A_2202, %slice3A_2203 : vector<512x128xf32>
    %lt3A_2207 = arith.cmpf olt, %slice3A_2203, %slice3A_2202 : vector<512x128xf32>
    %jit3A_2208 = arith.constant 128 : i32
    %jit3A_2209 = arith.constant 0 : i32
    %broadcast_in_dim3A_2210 = vector.broadcast %jit3A_2208 : i32 to vector<512x128xi32>
    %broadcast_in_dim3A_2211 = vector.broadcast %jit3A_2209 : i32 to vector<512x128xi32>
    %select_n3A_2212 = arith.select %lt3A_2207, %broadcast_in_dim3A_2210, %broadcast_in_dim3A_2211 : vector<512x128xi1>, vector<512x128xi32>
    %min3A_2213 = arith.minimumf %slice3A_2204, %slice3A_2205 : vector<512x128xf32>
    %lt3A_2214 = arith.cmpf olt, %slice3A_2205, %slice3A_2204 : vector<512x128xf32>
    %jit3A_2215 = arith.constant 384 : i32
    %jit3A_2216 = arith.constant 256 : i32
    %broadcast_in_dim3A_2217 = vector.broadcast %jit3A_2215 : i32 to vector<512x128xi32>
    %broadcast_in_dim3A_2218 = vector.broadcast %jit3A_2216 : i32 to vector<512x128xi32>
    %select_n3A_2219 = arith.select %lt3A_2214, %broadcast_in_dim3A_2217, %broadcast_in_dim3A_2218 : vector<512x128xi1>, vector<512x128xi32>
    %min3A_2220 = arith.minimumf %min3A_2206, %min3A_2213 : vector<512x128xf32>
    %lt3A_2221 = arith.cmpf olt, %min3A_2213, %min3A_2206 : vector<512x128xf32>
    %add3A_2222 = arith.constant 6656 : i32
    %add3A_2223 = vector.broadcast %add3A_2222 : i32 to vector<512x128xi32>
    %add3A_2224 = arith.addi %select_n3A_2219, %add3A_2223 : vector<512x128xi32>
    %add3A_2225 = arith.constant 6656 : i32
    %add3A_2226 = vector.broadcast %add3A_2225 : i32 to vector<512x128xi32>
    %add3A_2227 = arith.addi %select_n3A_2212, %add3A_2226 : vector<512x128xi32>
    %select_n3A_2228 = arith.select %lt3A_2221, %add3A_2224, %add3A_2227 : vector<512x128xi1>, vector<512x128xi32>
    %lt3A_2229 = arith.cmpf olt, %min3A_2220, %min3A_2069 : vector<512x128xf32>
    %min3A_2230 = arith.minimumf %min3A_2069, %min3A_2220 : vector<512x128xf32>
    %select_n3A_2231 = arith.select %lt3A_2229, %select_n3A_2228, %select_n3A_2070 : vector<512x128xi1>, vector<512x128xi32>
    %slice3A_2232 = vector.extract_strided_slice %mul3A_5 {offsets = [1536, 0], sizes = [512, 32], strides = [1, 1]} : vector<2048x32xf32> to vector<512x32xf32>
    %slice3A_2233 = vector.extract_strided_slice %broadcast_in_dim3A {offsets = [1536, 0], sizes = [512, 1], strides = [1, 1]} : vector<2048x1xf32> to vector<512x1xf32>
    %dot_general3A_2234 = arith.constant dense<0.000000e+00> : vector<512x512xf32>
    %dot_general3A_2235 = tpu.matmul %slice3A_2232, %get3A_2112, %dot_general3A_2234 {dimension_numbers = #tpu.dot_dimension_numbers<[1], [1], [0], [0], [0, 0, 1, 0], [], []>, transpose_lhs_hint = false} : vector<512x32xf32>, vector<512x32xf32>, vector<512x512xf32> -> vector<512x512xf32>
    %broadcast_in_dim3A_2236 = vector.shape_cast %get3A_2114 : vector<512xf32> to vector<1x512xf32>
    %add3A_2237 = vector.broadcast %slice3A_2233 : vector<512x1xf32> to vector<512x512xf32>
    %add3A_2238 = vector.broadcast %broadcast_in_dim3A_2236 : vector<1x512xf32> to vector<512x512xf32>
    %add3A_2239 = arith.addf %add3A_2237, %add3A_2238 : vector<512x512xf32>
    %add3A_2240 = arith.addf %add3A_2239, %dot_general3A_2235 : vector<512x512xf32>
    %slice3A_2241 = vector.extract_strided_slice %add3A_2240 {offsets = [0, 0], sizes = [512, 128], strides = [1, 1]} : vector<512x512xf32> to vector<512x128xf32>
    %slice3A_2242 = vector.extract_strided_slice %add3A_2240 {offsets = [0, 128], sizes = [512, 128], strides = [1, 1]} : vector<512x512xf32> to vector<512x128xf32>
    %slice3A_2243 = vector.extract_strided_slice %add3A_2240 {offsets = [0, 256], sizes = [512, 128], strides = [1, 1]} : vector<512x512xf32> to vector<512x128xf32>
    %slice3A_2244 = vector.extract_strided_slice %add3A_2240 {offsets = [0, 384], sizes = [512, 128], strides = [1, 1]} : vector<512x512xf32> to vector<512x128xf32>
    %min3A_2245 = arith.minimumf %slice3A_2241, %slice3A_2242 : vector<512x128xf32>
    %lt3A_2246 = arith.cmpf olt, %slice3A_2242, %slice3A_2241 : vector<512x128xf32>
    %jit3A_2247 = arith.constant 128 : i32
    %jit3A_2248 = arith.constant 0 : i32
    %broadcast_in_dim3A_2249 = vector.broadcast %jit3A_2247 : i32 to vector<512x128xi32>
    %broadcast_in_dim3A_2250 = vector.broadcast %jit3A_2248 : i32 to vector<512x128xi32>
    %select_n3A_2251 = arith.select %lt3A_2246, %broadcast_in_dim3A_2249, %broadcast_in_dim3A_2250 : vector<512x128xi1>, vector<512x128xi32>
    %min3A_2252 = arith.minimumf %slice3A_2243, %slice3A_2244 : vector<512x128xf32>
    %lt3A_2253 = arith.cmpf olt, %slice3A_2244, %slice3A_2243 : vector<512x128xf32>
    %jit3A_2254 = arith.constant 384 : i32
    %jit3A_2255 = arith.constant 256 : i32
    %broadcast_in_dim3A_2256 = vector.broadcast %jit3A_2254 : i32 to vector<512x128xi32>
    %broadcast_in_dim3A_2257 = vector.broadcast %jit3A_2255 : i32 to vector<512x128xi32>
    %select_n3A_2258 = arith.select %lt3A_2253, %broadcast_in_dim3A_2256, %broadcast_in_dim3A_2257 : vector<512x128xi1>, vector<512x128xi32>
    %min3A_2259 = arith.minimumf %min3A_2245, %min3A_2252 : vector<512x128xf32>
    %lt3A_2260 = arith.cmpf olt, %min3A_2252, %min3A_2245 : vector<512x128xf32>
    %add3A_2261 = arith.constant 6656 : i32
    %add3A_2262 = vector.broadcast %add3A_2261 : i32 to vector<512x128xi32>
    %add3A_2263 = arith.addi %select_n3A_2258, %add3A_2262 : vector<512x128xi32>
    %add3A_2264 = arith.constant 6656 : i32
    %add3A_2265 = vector.broadcast %add3A_2264 : i32 to vector<512x128xi32>
    %add3A_2266 = arith.addi %select_n3A_2251, %add3A_2265 : vector<512x128xi32>
    %select_n3A_2267 = arith.select %lt3A_2260, %add3A_2263, %add3A_2266 : vector<512x128xi1>, vector<512x128xi32>
    %lt3A_2268 = arith.cmpf olt, %min3A_2259, %min3A_2108 : vector<512x128xf32>
    %min3A_2269 = arith.minimumf %min3A_2108, %min3A_2259 : vector<512x128xf32>
    %select_n3A_2270 = arith.select %lt3A_2268, %select_n3A_2267, %select_n3A_2109 : vector<512x128xi1>, vector<512x128xi32>
    %get3A_2271 = arith.constant 7168 : index
    %get3A_2272 = arith.constant 0 : index
    %get3A_2273 = vector.load %arg2[%get3A_2271, %get3A_2272] : memref<8192x32xf32, #tpu.memory_space<vmem>>, vector<512x32xf32>
    %get3A_2274 = arith.constant 7168 : index
    %get3A_2275 = vector.load %arg5[%get3A_2274] : memref<8192xf32, #tpu.memory_space<vmem>>, vector<512xf32>
    %slice3A_2276 = vector.extract_strided_slice %mul3A_5 {offsets = [0, 0], sizes = [512, 32], strides = [1, 1]} : vector<2048x32xf32> to vector<512x32xf32>
    %slice3A_2277 = vector.extract_strided_slice %broadcast_in_dim3A {offsets = [0, 0], sizes = [512, 1], strides = [1, 1]} : vector<2048x1xf32> to vector<512x1xf32>
    %dot_general3A_2278 = arith.constant dense<0.000000e+00> : vector<512x512xf32>
    %dot_general3A_2279 = tpu.matmul %slice3A_2276, %get3A_2273, %dot_general3A_2278 {dimension_numbers = #tpu.dot_dimension_numbers<[1], [1], [0], [0], [0, 0, 1, 0], [], []>, transpose_lhs_hint = false} : vector<512x32xf32>, vector<512x32xf32>, vector<512x512xf32> -> vector<512x512xf32>
    %broadcast_in_dim3A_2280 = vector.shape_cast %get3A_2275 : vector<512xf32> to vector<1x512xf32>
    %add3A_2281 = vector.broadcast %slice3A_2277 : vector<512x1xf32> to vector<512x512xf32>
    %add3A_2282 = vector.broadcast %broadcast_in_dim3A_2280 : vector<1x512xf32> to vector<512x512xf32>
    %add3A_2283 = arith.addf %add3A_2281, %add3A_2282 : vector<512x512xf32>
    %add3A_2284 = arith.addf %add3A_2283, %dot_general3A_2279 : vector<512x512xf32>
    %slice3A_2285 = vector.extract_strided_slice %add3A_2284 {offsets = [0, 0], sizes = [512, 128], strides = [1, 1]} : vector<512x512xf32> to vector<512x128xf32>
    %slice3A_2286 = vector.extract_strided_slice %add3A_2284 {offsets = [0, 128], sizes = [512, 128], strides = [1, 1]} : vector<512x512xf32> to vector<512x128xf32>
    %slice3A_2287 = vector.extract_strided_slice %add3A_2284 {offsets = [0, 256], sizes = [512, 128], strides = [1, 1]} : vector<512x512xf32> to vector<512x128xf32>
    %slice3A_2288 = vector.extract_strided_slice %add3A_2284 {offsets = [0, 384], sizes = [512, 128], strides = [1, 1]} : vector<512x512xf32> to vector<512x128xf32>
    %min3A_2289 = arith.minimumf %slice3A_2285, %slice3A_2286 : vector<512x128xf32>
    %lt3A_2290 = arith.cmpf olt, %slice3A_2286, %slice3A_2285 : vector<512x128xf32>
    %jit3A_2291 = arith.constant 128 : i32
    %jit3A_2292 = arith.constant 0 : i32
    %broadcast_in_dim3A_2293 = vector.broadcast %jit3A_2291 : i32 to vector<512x128xi32>
    %broadcast_in_dim3A_2294 = vector.broadcast %jit3A_2292 : i32 to vector<512x128xi32>
    %select_n3A_2295 = arith.select %lt3A_2290, %broadcast_in_dim3A_2293, %broadcast_in_dim3A_2294 : vector<512x128xi1>, vector<512x128xi32>
    %min3A_2296 = arith.minimumf %slice3A_2287, %slice3A_2288 : vector<512x128xf32>
    %lt3A_2297 = arith.cmpf olt, %slice3A_2288, %slice3A_2287 : vector<512x128xf32>
    %jit3A_2298 = arith.constant 384 : i32
    %jit3A_2299 = arith.constant 256 : i32
    %broadcast_in_dim3A_2300 = vector.broadcast %jit3A_2298 : i32 to vector<512x128xi32>
    %broadcast_in_dim3A_2301 = vector.broadcast %jit3A_2299 : i32 to vector<512x128xi32>
    %select_n3A_2302 = arith.select %lt3A_2297, %broadcast_in_dim3A_2300, %broadcast_in_dim3A_2301 : vector<512x128xi1>, vector<512x128xi32>
    %min3A_2303 = arith.minimumf %min3A_2289, %min3A_2296 : vector<512x128xf32>
    %lt3A_2304 = arith.cmpf olt, %min3A_2296, %min3A_2289 : vector<512x128xf32>
    %add3A_2305 = arith.constant 7168 : i32
    %add3A_2306 = vector.broadcast %add3A_2305 : i32 to vector<512x128xi32>
    %add3A_2307 = arith.addi %select_n3A_2302, %add3A_2306 : vector<512x128xi32>
    %add3A_2308 = arith.constant 7168 : i32
    %add3A_2309 = vector.broadcast %add3A_2308 : i32 to vector<512x128xi32>
    %add3A_2310 = arith.addi %select_n3A_2295, %add3A_2309 : vector<512x128xi32>
    %select_n3A_2311 = arith.select %lt3A_2304, %add3A_2307, %add3A_2310 : vector<512x128xi1>, vector<512x128xi32>
    %lt3A_2312 = arith.cmpf olt, %min3A_2303, %min3A_2152 : vector<512x128xf32>
    %min3A_2313 = arith.minimumf %min3A_2152, %min3A_2303 : vector<512x128xf32>
    %select_n3A_2314 = arith.select %lt3A_2312, %select_n3A_2311, %select_n3A_2153 : vector<512x128xi1>, vector<512x128xi32>
    %slice3A_2315 = vector.extract_strided_slice %mul3A_5 {offsets = [512, 0], sizes = [512, 32], strides = [1, 1]} : vector<2048x32xf32> to vector<512x32xf32>
    %slice3A_2316 = vector.extract_strided_slice %broadcast_in_dim3A {offsets = [512, 0], sizes = [512, 1], strides = [1, 1]} : vector<2048x1xf32> to vector<512x1xf32>
    %dot_general3A_2317 = arith.constant dense<0.000000e+00> : vector<512x512xf32>
    %dot_general3A_2318 = tpu.matmul %slice3A_2315, %get3A_2273, %dot_general3A_2317 {dimension_numbers = #tpu.dot_dimension_numbers<[1], [1], [0], [0], [0, 0, 1, 0], [], []>, transpose_lhs_hint = false} : vector<512x32xf32>, vector<512x32xf32>, vector<512x512xf32> -> vector<512x512xf32>
    %broadcast_in_dim3A_2319 = vector.shape_cast %get3A_2275 : vector<512xf32> to vector<1x512xf32>
    %add3A_2320 = vector.broadcast %slice3A_2316 : vector<512x1xf32> to vector<512x512xf32>
    %add3A_2321 = vector.broadcast %broadcast_in_dim3A_2319 : vector<1x512xf32> to vector<512x512xf32>
    %add3A_2322 = arith.addf %add3A_2320, %add3A_2321 : vector<512x512xf32>
    %add3A_2323 = arith.addf %add3A_2322, %dot_general3A_2318 : vector<512x512xf32>
    %slice3A_2324 = vector.extract_strided_slice %add3A_2323 {offsets = [0, 0], sizes = [512, 128], strides = [1, 1]} : vector<512x512xf32> to vector<512x128xf32>
    %slice3A_2325 = vector.extract_strided_slice %add3A_2323 {offsets = [0, 128], sizes = [512, 128], strides = [1, 1]} : vector<512x512xf32> to vector<512x128xf32>
    %slice3A_2326 = vector.extract_strided_slice %add3A_2323 {offsets = [0, 256], sizes = [512, 128], strides = [1, 1]} : vector<512x512xf32> to vector<512x128xf32>
    %slice3A_2327 = vector.extract_strided_slice %add3A_2323 {offsets = [0, 384], sizes = [512, 128], strides = [1, 1]} : vector<512x512xf32> to vector<512x128xf32>
    %min3A_2328 = arith.minimumf %slice3A_2324, %slice3A_2325 : vector<512x128xf32>
    %lt3A_2329 = arith.cmpf olt, %slice3A_2325, %slice3A_2324 : vector<512x128xf32>
    %jit3A_2330 = arith.constant 128 : i32
    %jit3A_2331 = arith.constant 0 : i32
    %broadcast_in_dim3A_2332 = vector.broadcast %jit3A_2330 : i32 to vector<512x128xi32>
    %broadcast_in_dim3A_2333 = vector.broadcast %jit3A_2331 : i32 to vector<512x128xi32>
    %select_n3A_2334 = arith.select %lt3A_2329, %broadcast_in_dim3A_2332, %broadcast_in_dim3A_2333 : vector<512x128xi1>, vector<512x128xi32>
    %min3A_2335 = arith.minimumf %slice3A_2326, %slice3A_2327 : vector<512x128xf32>
    %lt3A_2336 = arith.cmpf olt, %slice3A_2327, %slice3A_2326 : vector<512x128xf32>
    %jit3A_2337 = arith.constant 384 : i32
    %jit3A_2338 = arith.constant 256 : i32
    %broadcast_in_dim3A_2339 = vector.broadcast %jit3A_2337 : i32 to vector<512x128xi32>
    %broadcast_in_dim3A_2340 = vector.broadcast %jit3A_2338 : i32 to vector<512x128xi32>
    %select_n3A_2341 = arith.select %lt3A_2336, %broadcast_in_dim3A_2339, %broadcast_in_dim3A_2340 : vector<512x128xi1>, vector<512x128xi32>
    %min3A_2342 = arith.minimumf %min3A_2328, %min3A_2335 : vector<512x128xf32>
    %lt3A_2343 = arith.cmpf olt, %min3A_2335, %min3A_2328 : vector<512x128xf32>
    %add3A_2344 = arith.constant 7168 : i32
    %add3A_2345 = vector.broadcast %add3A_2344 : i32 to vector<512x128xi32>
    %add3A_2346 = arith.addi %select_n3A_2341, %add3A_2345 : vector<512x128xi32>
    %add3A_2347 = arith.constant 7168 : i32
    %add3A_2348 = vector.broadcast %add3A_2347 : i32 to vector<512x128xi32>
    %add3A_2349 = arith.addi %select_n3A_2334, %add3A_2348 : vector<512x128xi32>
    %select_n3A_2350 = arith.select %lt3A_2343, %add3A_2346, %add3A_2349 : vector<512x128xi1>, vector<512x128xi32>
    %lt3A_2351 = arith.cmpf olt, %min3A_2342, %min3A_2191 : vector<512x128xf32>
    %min3A_2352 = arith.minimumf %min3A_2191, %min3A_2342 : vector<512x128xf32>
    %select_n3A_2353 = arith.select %lt3A_2351, %select_n3A_2350, %select_n3A_2192 : vector<512x128xi1>, vector<512x128xi32>
    %slice3A_2354 = vector.extract_strided_slice %mul3A_5 {offsets = [1024, 0], sizes = [512, 32], strides = [1, 1]} : vector<2048x32xf32> to vector<512x32xf32>
    %slice3A_2355 = vector.extract_strided_slice %broadcast_in_dim3A {offsets = [1024, 0], sizes = [512, 1], strides = [1, 1]} : vector<2048x1xf32> to vector<512x1xf32>
    %dot_general3A_2356 = arith.constant dense<0.000000e+00> : vector<512x512xf32>
    %dot_general3A_2357 = tpu.matmul %slice3A_2354, %get3A_2273, %dot_general3A_2356 {dimension_numbers = #tpu.dot_dimension_numbers<[1], [1], [0], [0], [0, 0, 1, 0], [], []>, transpose_lhs_hint = false} : vector<512x32xf32>, vector<512x32xf32>, vector<512x512xf32> -> vector<512x512xf32>
    %broadcast_in_dim3A_2358 = vector.shape_cast %get3A_2275 : vector<512xf32> to vector<1x512xf32>
    %add3A_2359 = vector.broadcast %slice3A_2355 : vector<512x1xf32> to vector<512x512xf32>
    %add3A_2360 = vector.broadcast %broadcast_in_dim3A_2358 : vector<1x512xf32> to vector<512x512xf32>
    %add3A_2361 = arith.addf %add3A_2359, %add3A_2360 : vector<512x512xf32>
    %add3A_2362 = arith.addf %add3A_2361, %dot_general3A_2357 : vector<512x512xf32>
    %slice3A_2363 = vector.extract_strided_slice %add3A_2362 {offsets = [0, 0], sizes = [512, 128], strides = [1, 1]} : vector<512x512xf32> to vector<512x128xf32>
    %slice3A_2364 = vector.extract_strided_slice %add3A_2362 {offsets = [0, 128], sizes = [512, 128], strides = [1, 1]} : vector<512x512xf32> to vector<512x128xf32>
    %slice3A_2365 = vector.extract_strided_slice %add3A_2362 {offsets = [0, 256], sizes = [512, 128], strides = [1, 1]} : vector<512x512xf32> to vector<512x128xf32>
    %slice3A_2366 = vector.extract_strided_slice %add3A_2362 {offsets = [0, 384], sizes = [512, 128], strides = [1, 1]} : vector<512x512xf32> to vector<512x128xf32>
    %min3A_2367 = arith.minimumf %slice3A_2363, %slice3A_2364 : vector<512x128xf32>
    %lt3A_2368 = arith.cmpf olt, %slice3A_2364, %slice3A_2363 : vector<512x128xf32>
    %jit3A_2369 = arith.constant 128 : i32
    %jit3A_2370 = arith.constant 0 : i32
    %broadcast_in_dim3A_2371 = vector.broadcast %jit3A_2369 : i32 to vector<512x128xi32>
    %broadcast_in_dim3A_2372 = vector.broadcast %jit3A_2370 : i32 to vector<512x128xi32>
    %select_n3A_2373 = arith.select %lt3A_2368, %broadcast_in_dim3A_2371, %broadcast_in_dim3A_2372 : vector<512x128xi1>, vector<512x128xi32>
    %min3A_2374 = arith.minimumf %slice3A_2365, %slice3A_2366 : vector<512x128xf32>
    %lt3A_2375 = arith.cmpf olt, %slice3A_2366, %slice3A_2365 : vector<512x128xf32>
    %jit3A_2376 = arith.constant 384 : i32
    %jit3A_2377 = arith.constant 256 : i32
    %broadcast_in_dim3A_2378 = vector.broadcast %jit3A_2376 : i32 to vector<512x128xi32>
    %broadcast_in_dim3A_2379 = vector.broadcast %jit3A_2377 : i32 to vector<512x128xi32>
    %select_n3A_2380 = arith.select %lt3A_2375, %broadcast_in_dim3A_2378, %broadcast_in_dim3A_2379 : vector<512x128xi1>, vector<512x128xi32>
    %min3A_2381 = arith.minimumf %min3A_2367, %min3A_2374 : vector<512x128xf32>
    %lt3A_2382 = arith.cmpf olt, %min3A_2374, %min3A_2367 : vector<512x128xf32>
    %add3A_2383 = arith.constant 7168 : i32
    %add3A_2384 = vector.broadcast %add3A_2383 : i32 to vector<512x128xi32>
    %add3A_2385 = arith.addi %select_n3A_2380, %add3A_2384 : vector<512x128xi32>
    %add3A_2386 = arith.constant 7168 : i32
    %add3A_2387 = vector.broadcast %add3A_2386 : i32 to vector<512x128xi32>
    %add3A_2388 = arith.addi %select_n3A_2373, %add3A_2387 : vector<512x128xi32>
    %select_n3A_2389 = arith.select %lt3A_2382, %add3A_2385, %add3A_2388 : vector<512x128xi1>, vector<512x128xi32>
    %lt3A_2390 = arith.cmpf olt, %min3A_2381, %min3A_2230 : vector<512x128xf32>
    %min3A_2391 = arith.minimumf %min3A_2230, %min3A_2381 : vector<512x128xf32>
    %select_n3A_2392 = arith.select %lt3A_2390, %select_n3A_2389, %select_n3A_2231 : vector<512x128xi1>, vector<512x128xi32>
    %slice3A_2393 = vector.extract_strided_slice %mul3A_5 {offsets = [1536, 0], sizes = [512, 32], strides = [1, 1]} : vector<2048x32xf32> to vector<512x32xf32>
    %slice3A_2394 = vector.extract_strided_slice %broadcast_in_dim3A {offsets = [1536, 0], sizes = [512, 1], strides = [1, 1]} : vector<2048x1xf32> to vector<512x1xf32>
    %dot_general3A_2395 = arith.constant dense<0.000000e+00> : vector<512x512xf32>
    %dot_general3A_2396 = tpu.matmul %slice3A_2393, %get3A_2273, %dot_general3A_2395 {dimension_numbers = #tpu.dot_dimension_numbers<[1], [1], [0], [0], [0, 0, 1, 0], [], []>, transpose_lhs_hint = false} : vector<512x32xf32>, vector<512x32xf32>, vector<512x512xf32> -> vector<512x512xf32>
    %broadcast_in_dim3A_2397 = vector.shape_cast %get3A_2275 : vector<512xf32> to vector<1x512xf32>
    %add3A_2398 = vector.broadcast %slice3A_2394 : vector<512x1xf32> to vector<512x512xf32>
    %add3A_2399 = vector.broadcast %broadcast_in_dim3A_2397 : vector<1x512xf32> to vector<512x512xf32>
    %add3A_2400 = arith.addf %add3A_2398, %add3A_2399 : vector<512x512xf32>
    %add3A_2401 = arith.addf %add3A_2400, %dot_general3A_2396 : vector<512x512xf32>
    %slice3A_2402 = vector.extract_strided_slice %add3A_2401 {offsets = [0, 0], sizes = [512, 128], strides = [1, 1]} : vector<512x512xf32> to vector<512x128xf32>
    %slice3A_2403 = vector.extract_strided_slice %add3A_2401 {offsets = [0, 128], sizes = [512, 128], strides = [1, 1]} : vector<512x512xf32> to vector<512x128xf32>
    %slice3A_2404 = vector.extract_strided_slice %add3A_2401 {offsets = [0, 256], sizes = [512, 128], strides = [1, 1]} : vector<512x512xf32> to vector<512x128xf32>
    %slice3A_2405 = vector.extract_strided_slice %add3A_2401 {offsets = [0, 384], sizes = [512, 128], strides = [1, 1]} : vector<512x512xf32> to vector<512x128xf32>
    %min3A_2406 = arith.minimumf %slice3A_2402, %slice3A_2403 : vector<512x128xf32>
    %lt3A_2407 = arith.cmpf olt, %slice3A_2403, %slice3A_2402 : vector<512x128xf32>
    %jit3A_2408 = arith.constant 128 : i32
    %jit3A_2409 = arith.constant 0 : i32
    %broadcast_in_dim3A_2410 = vector.broadcast %jit3A_2408 : i32 to vector<512x128xi32>
    %broadcast_in_dim3A_2411 = vector.broadcast %jit3A_2409 : i32 to vector<512x128xi32>
    %select_n3A_2412 = arith.select %lt3A_2407, %broadcast_in_dim3A_2410, %broadcast_in_dim3A_2411 : vector<512x128xi1>, vector<512x128xi32>
    %min3A_2413 = arith.minimumf %slice3A_2404, %slice3A_2405 : vector<512x128xf32>
    %lt3A_2414 = arith.cmpf olt, %slice3A_2405, %slice3A_2404 : vector<512x128xf32>
    %jit3A_2415 = arith.constant 384 : i32
    %jit3A_2416 = arith.constant 256 : i32
    %broadcast_in_dim3A_2417 = vector.broadcast %jit3A_2415 : i32 to vector<512x128xi32>
    %broadcast_in_dim3A_2418 = vector.broadcast %jit3A_2416 : i32 to vector<512x128xi32>
    %select_n3A_2419 = arith.select %lt3A_2414, %broadcast_in_dim3A_2417, %broadcast_in_dim3A_2418 : vector<512x128xi1>, vector<512x128xi32>
    %min3A_2420 = arith.minimumf %min3A_2406, %min3A_2413 : vector<512x128xf32>
    %lt3A_2421 = arith.cmpf olt, %min3A_2413, %min3A_2406 : vector<512x128xf32>
    %add3A_2422 = arith.constant 7168 : i32
    %add3A_2423 = vector.broadcast %add3A_2422 : i32 to vector<512x128xi32>
    %add3A_2424 = arith.addi %select_n3A_2419, %add3A_2423 : vector<512x128xi32>
    %add3A_2425 = arith.constant 7168 : i32
    %add3A_2426 = vector.broadcast %add3A_2425 : i32 to vector<512x128xi32>
    %add3A_2427 = arith.addi %select_n3A_2412, %add3A_2426 : vector<512x128xi32>
    %select_n3A_2428 = arith.select %lt3A_2421, %add3A_2424, %add3A_2427 : vector<512x128xi1>, vector<512x128xi32>
    %lt3A_2429 = arith.cmpf olt, %min3A_2420, %min3A_2269 : vector<512x128xf32>
    %min3A_2430 = arith.minimumf %min3A_2269, %min3A_2420 : vector<512x128xf32>
    %select_n3A_2431 = arith.select %lt3A_2429, %select_n3A_2428, %select_n3A_2270 : vector<512x128xi1>, vector<512x128xi32>
    %get3A_2432 = arith.constant 7680 : index
    %get3A_2433 = arith.constant 0 : index
    %get3A_2434 = vector.load %arg2[%get3A_2432, %get3A_2433] : memref<8192x32xf32, #tpu.memory_space<vmem>>, vector<512x32xf32>
    %get3A_2435 = arith.constant 7680 : index
    %get3A_2436 = vector.load %arg5[%get3A_2435] : memref<8192xf32, #tpu.memory_space<vmem>>, vector<512xf32>
    %slice3A_2437 = vector.extract_strided_slice %mul3A_5 {offsets = [0, 0], sizes = [512, 32], strides = [1, 1]} : vector<2048x32xf32> to vector<512x32xf32>
    %slice3A_2438 = vector.extract_strided_slice %broadcast_in_dim3A {offsets = [0, 0], sizes = [512, 1], strides = [1, 1]} : vector<2048x1xf32> to vector<512x1xf32>
    %dot_general3A_2439 = arith.constant dense<0.000000e+00> : vector<512x512xf32>
    %dot_general3A_2440 = tpu.matmul %slice3A_2437, %get3A_2434, %dot_general3A_2439 {dimension_numbers = #tpu.dot_dimension_numbers<[1], [1], [0], [0], [0, 0, 1, 0], [], []>, transpose_lhs_hint = false} : vector<512x32xf32>, vector<512x32xf32>, vector<512x512xf32> -> vector<512x512xf32>
    %broadcast_in_dim3A_2441 = vector.shape_cast %get3A_2436 : vector<512xf32> to vector<1x512xf32>
    %add3A_2442 = vector.broadcast %slice3A_2438 : vector<512x1xf32> to vector<512x512xf32>
    %add3A_2443 = vector.broadcast %broadcast_in_dim3A_2441 : vector<1x512xf32> to vector<512x512xf32>
    %add3A_2444 = arith.addf %add3A_2442, %add3A_2443 : vector<512x512xf32>
    %add3A_2445 = arith.addf %add3A_2444, %dot_general3A_2440 : vector<512x512xf32>
    %slice3A_2446 = vector.extract_strided_slice %add3A_2445 {offsets = [0, 0], sizes = [512, 128], strides = [1, 1]} : vector<512x512xf32> to vector<512x128xf32>
    %slice3A_2447 = vector.extract_strided_slice %add3A_2445 {offsets = [0, 128], sizes = [512, 128], strides = [1, 1]} : vector<512x512xf32> to vector<512x128xf32>
    %slice3A_2448 = vector.extract_strided_slice %add3A_2445 {offsets = [0, 256], sizes = [512, 128], strides = [1, 1]} : vector<512x512xf32> to vector<512x128xf32>
    %slice3A_2449 = vector.extract_strided_slice %add3A_2445 {offsets = [0, 384], sizes = [512, 128], strides = [1, 1]} : vector<512x512xf32> to vector<512x128xf32>
    %min3A_2450 = arith.minimumf %slice3A_2446, %slice3A_2447 : vector<512x128xf32>
    %lt3A_2451 = arith.cmpf olt, %slice3A_2447, %slice3A_2446 : vector<512x128xf32>
    %jit3A_2452 = arith.constant 128 : i32
    %jit3A_2453 = arith.constant 0 : i32
    %broadcast_in_dim3A_2454 = vector.broadcast %jit3A_2452 : i32 to vector<512x128xi32>
    %broadcast_in_dim3A_2455 = vector.broadcast %jit3A_2453 : i32 to vector<512x128xi32>
    %select_n3A_2456 = arith.select %lt3A_2451, %broadcast_in_dim3A_2454, %broadcast_in_dim3A_2455 : vector<512x128xi1>, vector<512x128xi32>
    %min3A_2457 = arith.minimumf %slice3A_2448, %slice3A_2449 : vector<512x128xf32>
    %lt3A_2458 = arith.cmpf olt, %slice3A_2449, %slice3A_2448 : vector<512x128xf32>
    %jit3A_2459 = arith.constant 384 : i32
    %jit3A_2460 = arith.constant 256 : i32
    %broadcast_in_dim3A_2461 = vector.broadcast %jit3A_2459 : i32 to vector<512x128xi32>
    %broadcast_in_dim3A_2462 = vector.broadcast %jit3A_2460 : i32 to vector<512x128xi32>
    %select_n3A_2463 = arith.select %lt3A_2458, %broadcast_in_dim3A_2461, %broadcast_in_dim3A_2462 : vector<512x128xi1>, vector<512x128xi32>
    %min3A_2464 = arith.minimumf %min3A_2450, %min3A_2457 : vector<512x128xf32>
    %lt3A_2465 = arith.cmpf olt, %min3A_2457, %min3A_2450 : vector<512x128xf32>
    %add3A_2466 = arith.constant 7680 : i32
    %add3A_2467 = vector.broadcast %add3A_2466 : i32 to vector<512x128xi32>
    %add3A_2468 = arith.addi %select_n3A_2463, %add3A_2467 : vector<512x128xi32>
    %add3A_2469 = arith.constant 7680 : i32
    %add3A_2470 = vector.broadcast %add3A_2469 : i32 to vector<512x128xi32>
    %add3A_2471 = arith.addi %select_n3A_2456, %add3A_2470 : vector<512x128xi32>
    %select_n3A_2472 = arith.select %lt3A_2465, %add3A_2468, %add3A_2471 : vector<512x128xi1>, vector<512x128xi32>
    %lt3A_2473 = arith.cmpf olt, %min3A_2464, %min3A_2313 : vector<512x128xf32>
    %min3A_2474 = arith.minimumf %min3A_2313, %min3A_2464 : vector<512x128xf32>
    %select_n3A_2475 = arith.select %lt3A_2473, %select_n3A_2472, %select_n3A_2314 : vector<512x128xi1>, vector<512x128xi32>
    %slice3A_2476 = vector.extract_strided_slice %mul3A_5 {offsets = [512, 0], sizes = [512, 32], strides = [1, 1]} : vector<2048x32xf32> to vector<512x32xf32>
    %slice3A_2477 = vector.extract_strided_slice %broadcast_in_dim3A {offsets = [512, 0], sizes = [512, 1], strides = [1, 1]} : vector<2048x1xf32> to vector<512x1xf32>
    %dot_general3A_2478 = arith.constant dense<0.000000e+00> : vector<512x512xf32>
    %dot_general3A_2479 = tpu.matmul %slice3A_2476, %get3A_2434, %dot_general3A_2478 {dimension_numbers = #tpu.dot_dimension_numbers<[1], [1], [0], [0], [0, 0, 1, 0], [], []>, transpose_lhs_hint = false} : vector<512x32xf32>, vector<512x32xf32>, vector<512x512xf32> -> vector<512x512xf32>
    %broadcast_in_dim3A_2480 = vector.shape_cast %get3A_2436 : vector<512xf32> to vector<1x512xf32>
    %add3A_2481 = vector.broadcast %slice3A_2477 : vector<512x1xf32> to vector<512x512xf32>
    %add3A_2482 = vector.broadcast %broadcast_in_dim3A_2480 : vector<1x512xf32> to vector<512x512xf32>
    %add3A_2483 = arith.addf %add3A_2481, %add3A_2482 : vector<512x512xf32>
    %add3A_2484 = arith.addf %add3A_2483, %dot_general3A_2479 : vector<512x512xf32>
    %slice3A_2485 = vector.extract_strided_slice %add3A_2484 {offsets = [0, 0], sizes = [512, 128], strides = [1, 1]} : vector<512x512xf32> to vector<512x128xf32>
    %slice3A_2486 = vector.extract_strided_slice %add3A_2484 {offsets = [0, 128], sizes = [512, 128], strides = [1, 1]} : vector<512x512xf32> to vector<512x128xf32>
    %slice3A_2487 = vector.extract_strided_slice %add3A_2484 {offsets = [0, 256], sizes = [512, 128], strides = [1, 1]} : vector<512x512xf32> to vector<512x128xf32>
    %slice3A_2488 = vector.extract_strided_slice %add3A_2484 {offsets = [0, 384], sizes = [512, 128], strides = [1, 1]} : vector<512x512xf32> to vector<512x128xf32>
    %min3A_2489 = arith.minimumf %slice3A_2485, %slice3A_2486 : vector<512x128xf32>
    %lt3A_2490 = arith.cmpf olt, %slice3A_2486, %slice3A_2485 : vector<512x128xf32>
    %jit3A_2491 = arith.constant 128 : i32
    %jit3A_2492 = arith.constant 0 : i32
    %broadcast_in_dim3A_2493 = vector.broadcast %jit3A_2491 : i32 to vector<512x128xi32>
    %broadcast_in_dim3A_2494 = vector.broadcast %jit3A_2492 : i32 to vector<512x128xi32>
    %select_n3A_2495 = arith.select %lt3A_2490, %broadcast_in_dim3A_2493, %broadcast_in_dim3A_2494 : vector<512x128xi1>, vector<512x128xi32>
    %min3A_2496 = arith.minimumf %slice3A_2487, %slice3A_2488 : vector<512x128xf32>
    %lt3A_2497 = arith.cmpf olt, %slice3A_2488, %slice3A_2487 : vector<512x128xf32>
    %jit3A_2498 = arith.constant 384 : i32
    %jit3A_2499 = arith.constant 256 : i32
    %broadcast_in_dim3A_2500 = vector.broadcast %jit3A_2498 : i32 to vector<512x128xi32>
    %broadcast_in_dim3A_2501 = vector.broadcast %jit3A_2499 : i32 to vector<512x128xi32>
    %select_n3A_2502 = arith.select %lt3A_2497, %broadcast_in_dim3A_2500, %broadcast_in_dim3A_2501 : vector<512x128xi1>, vector<512x128xi32>
    %min3A_2503 = arith.minimumf %min3A_2489, %min3A_2496 : vector<512x128xf32>
    %lt3A_2504 = arith.cmpf olt, %min3A_2496, %min3A_2489 : vector<512x128xf32>
    %add3A_2505 = arith.constant 7680 : i32
    %add3A_2506 = vector.broadcast %add3A_2505 : i32 to vector<512x128xi32>
    %add3A_2507 = arith.addi %select_n3A_2502, %add3A_2506 : vector<512x128xi32>
    %add3A_2508 = arith.constant 7680 : i32
    %add3A_2509 = vector.broadcast %add3A_2508 : i32 to vector<512x128xi32>
    %add3A_2510 = arith.addi %select_n3A_2495, %add3A_2509 : vector<512x128xi32>
    %select_n3A_2511 = arith.select %lt3A_2504, %add3A_2507, %add3A_2510 : vector<512x128xi1>, vector<512x128xi32>
    %lt3A_2512 = arith.cmpf olt, %min3A_2503, %min3A_2352 : vector<512x128xf32>
    %min3A_2513 = arith.minimumf %min3A_2352, %min3A_2503 : vector<512x128xf32>
    %select_n3A_2514 = arith.select %lt3A_2512, %select_n3A_2511, %select_n3A_2353 : vector<512x128xi1>, vector<512x128xi32>
    %slice3A_2515 = vector.extract_strided_slice %mul3A_5 {offsets = [1024, 0], sizes = [512, 32], strides = [1, 1]} : vector<2048x32xf32> to vector<512x32xf32>
    %slice3A_2516 = vector.extract_strided_slice %broadcast_in_dim3A {offsets = [1024, 0], sizes = [512, 1], strides = [1, 1]} : vector<2048x1xf32> to vector<512x1xf32>
    %dot_general3A_2517 = arith.constant dense<0.000000e+00> : vector<512x512xf32>
    %dot_general3A_2518 = tpu.matmul %slice3A_2515, %get3A_2434, %dot_general3A_2517 {dimension_numbers = #tpu.dot_dimension_numbers<[1], [1], [0], [0], [0, 0, 1, 0], [], []>, transpose_lhs_hint = false} : vector<512x32xf32>, vector<512x32xf32>, vector<512x512xf32> -> vector<512x512xf32>
    %broadcast_in_dim3A_2519 = vector.shape_cast %get3A_2436 : vector<512xf32> to vector<1x512xf32>
    %add3A_2520 = vector.broadcast %slice3A_2516 : vector<512x1xf32> to vector<512x512xf32>
    %add3A_2521 = vector.broadcast %broadcast_in_dim3A_2519 : vector<1x512xf32> to vector<512x512xf32>
    %add3A_2522 = arith.addf %add3A_2520, %add3A_2521 : vector<512x512xf32>
    %add3A_2523 = arith.addf %add3A_2522, %dot_general3A_2518 : vector<512x512xf32>
    %slice3A_2524 = vector.extract_strided_slice %add3A_2523 {offsets = [0, 0], sizes = [512, 128], strides = [1, 1]} : vector<512x512xf32> to vector<512x128xf32>
    %slice3A_2525 = vector.extract_strided_slice %add3A_2523 {offsets = [0, 128], sizes = [512, 128], strides = [1, 1]} : vector<512x512xf32> to vector<512x128xf32>
    %slice3A_2526 = vector.extract_strided_slice %add3A_2523 {offsets = [0, 256], sizes = [512, 128], strides = [1, 1]} : vector<512x512xf32> to vector<512x128xf32>
    %slice3A_2527 = vector.extract_strided_slice %add3A_2523 {offsets = [0, 384], sizes = [512, 128], strides = [1, 1]} : vector<512x512xf32> to vector<512x128xf32>
    %min3A_2528 = arith.minimumf %slice3A_2524, %slice3A_2525 : vector<512x128xf32>
    %lt3A_2529 = arith.cmpf olt, %slice3A_2525, %slice3A_2524 : vector<512x128xf32>
    %jit3A_2530 = arith.constant 128 : i32
    %jit3A_2531 = arith.constant 0 : i32
    %broadcast_in_dim3A_2532 = vector.broadcast %jit3A_2530 : i32 to vector<512x128xi32>
    %broadcast_in_dim3A_2533 = vector.broadcast %jit3A_2531 : i32 to vector<512x128xi32>
    %select_n3A_2534 = arith.select %lt3A_2529, %broadcast_in_dim3A_2532, %broadcast_in_dim3A_2533 : vector<512x128xi1>, vector<512x128xi32>
    %min3A_2535 = arith.minimumf %slice3A_2526, %slice3A_2527 : vector<512x128xf32>
    %lt3A_2536 = arith.cmpf olt, %slice3A_2527, %slice3A_2526 : vector<512x128xf32>
    %jit3A_2537 = arith.constant 384 : i32
    %jit3A_2538 = arith.constant 256 : i32
    %broadcast_in_dim3A_2539 = vector.broadcast %jit3A_2537 : i32 to vector<512x128xi32>
    %broadcast_in_dim3A_2540 = vector.broadcast %jit3A_2538 : i32 to vector<512x128xi32>
    %select_n3A_2541 = arith.select %lt3A_2536, %broadcast_in_dim3A_2539, %broadcast_in_dim3A_2540 : vector<512x128xi1>, vector<512x128xi32>
    %min3A_2542 = arith.minimumf %min3A_2528, %min3A_2535 : vector<512x128xf32>
    %lt3A_2543 = arith.cmpf olt, %min3A_2535, %min3A_2528 : vector<512x128xf32>
    %add3A_2544 = arith.constant 7680 : i32
    %add3A_2545 = vector.broadcast %add3A_2544 : i32 to vector<512x128xi32>
    %add3A_2546 = arith.addi %select_n3A_2541, %add3A_2545 : vector<512x128xi32>
    %add3A_2547 = arith.constant 7680 : i32
    %add3A_2548 = vector.broadcast %add3A_2547 : i32 to vector<512x128xi32>
    %add3A_2549 = arith.addi %select_n3A_2534, %add3A_2548 : vector<512x128xi32>
    %select_n3A_2550 = arith.select %lt3A_2543, %add3A_2546, %add3A_2549 : vector<512x128xi1>, vector<512x128xi32>
    %lt3A_2551 = arith.cmpf olt, %min3A_2542, %min3A_2391 : vector<512x128xf32>
    %min3A_2552 = arith.minimumf %min3A_2391, %min3A_2542 : vector<512x128xf32>
    %select_n3A_2553 = arith.select %lt3A_2551, %select_n3A_2550, %select_n3A_2392 : vector<512x128xi1>, vector<512x128xi32>
    %slice3A_2554 = vector.extract_strided_slice %mul3A_5 {offsets = [1536, 0], sizes = [512, 32], strides = [1, 1]} : vector<2048x32xf32> to vector<512x32xf32>
    %slice3A_2555 = vector.extract_strided_slice %broadcast_in_dim3A {offsets = [1536, 0], sizes = [512, 1], strides = [1, 1]} : vector<2048x1xf32> to vector<512x1xf32>
    %dot_general3A_2556 = arith.constant dense<0.000000e+00> : vector<512x512xf32>
    %dot_general3A_2557 = tpu.matmul %slice3A_2554, %get3A_2434, %dot_general3A_2556 {dimension_numbers = #tpu.dot_dimension_numbers<[1], [1], [0], [0], [0, 0, 1, 0], [], []>, transpose_lhs_hint = false} : vector<512x32xf32>, vector<512x32xf32>, vector<512x512xf32> -> vector<512x512xf32>
    %broadcast_in_dim3A_2558 = vector.shape_cast %get3A_2436 : vector<512xf32> to vector<1x512xf32>
    %add3A_2559 = vector.broadcast %slice3A_2555 : vector<512x1xf32> to vector<512x512xf32>
    %add3A_2560 = vector.broadcast %broadcast_in_dim3A_2558 : vector<1x512xf32> to vector<512x512xf32>
    %add3A_2561 = arith.addf %add3A_2559, %add3A_2560 : vector<512x512xf32>
    %add3A_2562 = arith.addf %add3A_2561, %dot_general3A_2557 : vector<512x512xf32>
    %slice3A_2563 = vector.extract_strided_slice %add3A_2562 {offsets = [0, 0], sizes = [512, 128], strides = [1, 1]} : vector<512x512xf32> to vector<512x128xf32>
    %slice3A_2564 = vector.extract_strided_slice %add3A_2562 {offsets = [0, 128], sizes = [512, 128], strides = [1, 1]} : vector<512x512xf32> to vector<512x128xf32>
    %slice3A_2565 = vector.extract_strided_slice %add3A_2562 {offsets = [0, 256], sizes = [512, 128], strides = [1, 1]} : vector<512x512xf32> to vector<512x128xf32>
    %slice3A_2566 = vector.extract_strided_slice %add3A_2562 {offsets = [0, 384], sizes = [512, 128], strides = [1, 1]} : vector<512x512xf32> to vector<512x128xf32>
    %min3A_2567 = arith.minimumf %slice3A_2563, %slice3A_2564 : vector<512x128xf32>
    %lt3A_2568 = arith.cmpf olt, %slice3A_2564, %slice3A_2563 : vector<512x128xf32>
    %jit3A_2569 = arith.constant 128 : i32
    %jit3A_2570 = arith.constant 0 : i32
    %broadcast_in_dim3A_2571 = vector.broadcast %jit3A_2569 : i32 to vector<512x128xi32>
    %broadcast_in_dim3A_2572 = vector.broadcast %jit3A_2570 : i32 to vector<512x128xi32>
    %select_n3A_2573 = arith.select %lt3A_2568, %broadcast_in_dim3A_2571, %broadcast_in_dim3A_2572 : vector<512x128xi1>, vector<512x128xi32>
    %min3A_2574 = arith.minimumf %slice3A_2565, %slice3A_2566 : vector<512x128xf32>
    %lt3A_2575 = arith.cmpf olt, %slice3A_2566, %slice3A_2565 : vector<512x128xf32>
    %jit3A_2576 = arith.constant 384 : i32
    %jit3A_2577 = arith.constant 256 : i32
    %broadcast_in_dim3A_2578 = vector.broadcast %jit3A_2576 : i32 to vector<512x128xi32>
    %broadcast_in_dim3A_2579 = vector.broadcast %jit3A_2577 : i32 to vector<512x128xi32>
    %select_n3A_2580 = arith.select %lt3A_2575, %broadcast_in_dim3A_2578, %broadcast_in_dim3A_2579 : vector<512x128xi1>, vector<512x128xi32>
    %min3A_2581 = arith.minimumf %min3A_2567, %min3A_2574 : vector<512x128xf32>
    %lt3A_2582 = arith.cmpf olt, %min3A_2574, %min3A_2567 : vector<512x128xf32>
    %add3A_2583 = arith.constant 7680 : i32
    %add3A_2584 = vector.broadcast %add3A_2583 : i32 to vector<512x128xi32>
    %add3A_2585 = arith.addi %select_n3A_2580, %add3A_2584 : vector<512x128xi32>
    %add3A_2586 = arith.constant 7680 : i32
    %add3A_2587 = vector.broadcast %add3A_2586 : i32 to vector<512x128xi32>
    %add3A_2588 = arith.addi %select_n3A_2573, %add3A_2587 : vector<512x128xi32>
    %select_n3A_2589 = arith.select %lt3A_2582, %add3A_2585, %add3A_2588 : vector<512x128xi1>, vector<512x128xi32>
    %lt3A_2590 = arith.cmpf olt, %min3A_2581, %min3A_2430 : vector<512x128xf32>
    %min3A_2591 = arith.minimumf %min3A_2430, %min3A_2581 : vector<512x128xf32>
    %select_n3A_2592 = arith.select %lt3A_2590, %select_n3A_2589, %select_n3A_2431 : vector<512x128xi1>, vector<512x128xi32>
    %eq3A_2593 = arith.constant 0 : i32
    %eq3A_2594 = arith.cmpi eq, %arg0, %eq3A_2593 : i32
    %convert_element_type3A_2595 = arith.extui %eq3A_2594 : i1 to i32
    %cond3A_2596 = arith.constant 0 : i32
    %cond3A_2597 = arith.cmpi ne, %convert_element_type3A_2595, %cond3A_2596 : i32
    scf.if %cond3A_2597 {
      %broadcast_in_dim3A_2687 = arith.constant 0.000000e+00 : f32
      %broadcast_in_dim3A_2688 = vector.broadcast %broadcast_in_dim3A_2687 : f32 to vector<1x1xf32>
      %swap3A_2689 = arith.constant 0 : index
      %swap3A_2690 = arith.constant 0 : index
      %swap3A_2691 = vector.load %arg4[%swap3A_2689, %swap3A_2690] : memref<1x1xf32, #tpu.memory_space<vmem>>, vector<1x1xf32>
      tpu.vector_store %arg4[%swap3A_2689, %swap3A_2690], %broadcast_in_dim3A_2688 {strides = array<i32>} : memref<1x1xf32, #tpu.memory_space<vmem>>, vector<1x1xf32>,
    } else {
    }
    %broadcast_in_dim3A_2598 = arith.constant 0.000000e+00 : f32
    %broadcast_in_dim3A_2599 = vector.broadcast %broadcast_in_dim3A_2598 : f32 to vector<1x1xf32>
    %iota3A = tpu.iota {dimensions = array<i32: 1>} : vector<512x128xi32>
    %add3A_2600 = arith.addi %select_n3A_2475, %iota3A : vector<512x128xi32>
    %reduce_min3A = arith.constant dense<0x7F800000> : vector<512xf32>
    %reduce_min3A_2601 = vector.multi_reduction <minimumf>, %min3A_2474, %reduce_min3A [1] : vector<512x128xf32> to vector<512xf32>
    %broadcast_in_dim3A_2602 = vector.shape_cast %reduce_min3A_2601 : vector<512xf32> to vector<512x1xf32>
    %eq3A_2603 = vector.broadcast %broadcast_in_dim3A_2602 : vector<512x1xf32> to vector<512x128xf32>
    %eq3A_2604 = arith.cmpf oeq, %min3A_2474, %eq3A_2603 : vector<512x128xf32>
    %jit3A_2605 = arith.constant 2147483647 : i32
    %broadcast_in_dim3A_2606 = vector.broadcast %jit3A_2605 : i32 to vector<512x128xi32>
    %select_n3A_2607 = arith.select %eq3A_2604, %add3A_2600, %broadcast_in_dim3A_2606 : vector<512x128xi1>, vector<512x128xi32>
    %reduce_min3A_2608 = arith.constant dense<2147483647> : vector<512xi32>
    %reduce_min3A_2609 = vector.multi_reduction <minsi>, %select_n3A_2607, %reduce_min3A_2608 [1] : vector<512x128xi32> to vector<512xi32>
    %swap3A = arith.constant 0 : index
    %swap3A_2610 = vector.load %arg3[%swap3A] : memref<2048xi32, #tpu.memory_space<vmem>>, vector<512xi32>
    tpu.vector_store %arg3[%swap3A], %reduce_min3A_2609 {strides = array<i32>} : memref<2048xi32, #tpu.memory_space<vmem>>, vector<512xi32>,
    %reduce_sum3A_2611 = vector.shape_cast %broadcast_in_dim3A_2602 : vector<512x1xf32> to vector<1x512x1xf32>
    %reduce_sum3A_2612 = arith.constant dense<0.000000e+00> : vector<1xf32>
    %reduce_sum3A_2613 = vector.multi_reduction <add>, %reduce_sum3A_2611, %reduce_sum3A_2612 [1, 2] : vector<1x512x1xf32> to vector<1xf32>
    %reduce_sum3A_2614 = vector.shape_cast %reduce_sum3A_2613 : vector<1xf32> to vector<1x1x1xf32>
    %reduce_sum3A_2615 = vector.extract %reduce_sum3A_2614[0, 0, 0] : f32 from vector<1x1x1xf32>
    %reshape3A = vector.broadcast %reduce_sum3A_2615 : f32 to vector<1x1xf32>
    %add3A_2616 = arith.addf %broadcast_in_dim3A_2599, %reshape3A : vector<1x1xf32>
    %iota3A_2617 = tpu.iota {dimensions = array<i32: 1>} : vector<512x128xi32>
    %add3A_2618 = arith.addi %select_n3A_2514, %iota3A_2617 : vector<512x128xi32>
    %reduce_min3A_2619 = arith.constant dense<0x7F800000> : vector<512xf32>
    %reduce_min3A_2620 = vector.multi_reduction <minimumf>, %min3A_2513, %reduce_min3A_2619 [1] : vector<512x128xf32> to vector<512xf32>
    %broadcast_in_dim3A_2621 = vector.shape_cast %reduce_min3A_2620 : vector<512xf32> to vector<512x1xf32>
    %eq3A_2622 = vector.broadcast %broadcast_in_dim3A_2621 : vector<512x1xf32> to vector<512x128xf32>
    %eq3A_2623 = arith.cmpf oeq, %min3A_2513, %eq3A_2622 : vector<512x128xf32>
    %jit3A_2624 = arith.constant 2147483647 : i32
    %broadcast_in_dim3A_2625 = vector.broadcast %jit3A_2624 : i32 to vector<512x128xi32>
    %select_n3A_2626 = arith.select %eq3A_2623, %add3A_2618, %broadcast_in_dim3A_2625 : vector<512x128xi1>, vector<512x128xi32>
    %reduce_min3A_2627 = arith.constant dense<2147483647> : vector<512xi32>
    %reduce_min3A_2628 = vector.multi_reduction <minsi>, %select_n3A_2626, %reduce_min3A_2627 [1] : vector<512x128xi32> to vector<512xi32>
    %swap3A_2629 = arith.constant 512 : index
    %swap3A_2630 = vector.load %arg3[%swap3A_2629] : memref<2048xi32, #tpu.memory_space<vmem>>, vector<512xi32>
    tpu.vector_store %arg3[%swap3A_2629], %reduce_min3A_2628 {strides = array<i32>} : memref<2048xi32, #tpu.memory_space<vmem>>, vector<512xi32>,
    %reduce_sum3A_2631 = vector.shape_cast %broadcast_in_dim3A_2621 : vector<512x1xf32> to vector<1x512x1xf32>
    %reduce_sum3A_2632 = arith.constant dense<0.000000e+00> : vector<1xf32>
    %reduce_sum3A_2633 = vector.multi_reduction <add>, %reduce_sum3A_2631, %reduce_sum3A_2632 [1, 2] : vector<1x512x1xf32> to vector<1xf32>
    %reduce_sum3A_2634 = vector.shape_cast %reduce_sum3A_2633 : vector<1xf32> to vector<1x1x1xf32>
    %reduce_sum3A_2635 = vector.extract %reduce_sum3A_2634[0, 0, 0] : f32 from vector<1x1x1xf32>
    %reshape3A_2636 = vector.broadcast %reduce_sum3A_2635 : f32 to vector<1x1xf32>
    %add3A_2637 = arith.addf %add3A_2616, %reshape3A_2636 : vector<1x1xf32>
    %iota3A_2638 = tpu.iota {dimensions = array<i32: 1>} : vector<512x128xi32>
    %add3A_2639 = arith.addi %select_n3A_2553, %iota3A_2638 : vector<512x128xi32>
    %reduce_min3A_2640 = arith.constant dense<0x7F800000> : vector<512xf32>
    %reduce_min3A_2641 = vector.multi_reduction <minimumf>, %min3A_2552, %reduce_min3A_2640 [1] : vector<512x128xf32> to vector<512xf32>
    %broadcast_in_dim3A_2642 = vector.shape_cast %reduce_min3A_2641 : vector<512xf32> to vector<512x1xf32>
    %eq3A_2643 = vector.broadcast %broadcast_in_dim3A_2642 : vector<512x1xf32> to vector<512x128xf32>
    %eq3A_2644 = arith.cmpf oeq, %min3A_2552, %eq3A_2643 : vector<512x128xf32>
    %jit3A_2645 = arith.constant 2147483647 : i32
    %broadcast_in_dim3A_2646 = vector.broadcast %jit3A_2645 : i32 to vector<512x128xi32>
    %select_n3A_2647 = arith.select %eq3A_2644, %add3A_2639, %broadcast_in_dim3A_2646 : vector<512x128xi1>, vector<512x128xi32>
    %reduce_min3A_2648 = arith.constant dense<2147483647> : vector<512xi32>
    %reduce_min3A_2649 = vector.multi_reduction <minsi>, %select_n3A_2647, %reduce_min3A_2648 [1] : vector<512x128xi32> to vector<512xi32>
    %swap3A_2650 = arith.constant 1024 : index
    %swap3A_2651 = vector.load %arg3[%swap3A_2650] : memref<2048xi32, #tpu.memory_space<vmem>>, vector<512xi32>
    tpu.vector_store %arg3[%swap3A_2650], %reduce_min3A_2649 {strides = array<i32>} : memref<2048xi32, #tpu.memory_space<vmem>>, vector<512xi32>,
    %reduce_sum3A_2652 = vector.shape_cast %broadcast_in_dim3A_2642 : vector<512x1xf32> to vector<1x512x1xf32>
    %reduce_sum3A_2653 = arith.constant dense<0.000000e+00> : vector<1xf32>
    %reduce_sum3A_2654 = vector.multi_reduction <add>, %reduce_sum3A_2652, %reduce_sum3A_2653 [1, 2] : vector<1x512x1xf32> to vector<1xf32>
    %reduce_sum3A_2655 = vector.shape_cast %reduce_sum3A_2654 : vector<1xf32> to vector<1x1x1xf32>
    %reduce_sum3A_2656 = vector.extract %reduce_sum3A_2655[0, 0, 0] : f32 from vector<1x1x1xf32>
    %reshape3A_2657 = vector.broadcast %reduce_sum3A_2656 : f32 to vector<1x1xf32>
    %add3A_2658 = arith.addf %add3A_2637, %reshape3A_2657 : vector<1x1xf32>
    %iota3A_2659 = tpu.iota {dimensions = array<i32: 1>} : vector<512x128xi32>
    %add3A_2660 = arith.addi %select_n3A_2592, %iota3A_2659 : vector<512x128xi32>
    %reduce_min3A_2661 = arith.constant dense<0x7F800000> : vector<512xf32>
    %reduce_min3A_2662 = vector.multi_reduction <minimumf>, %min3A_2591, %reduce_min3A_2661 [1] : vector<512x128xf32> to vector<512xf32>
    %broadcast_in_dim3A_2663 = vector.shape_cast %reduce_min3A_2662 : vector<512xf32> to vector<512x1xf32>
    %eq3A_2664 = vector.broadcast %broadcast_in_dim3A_2663 : vector<512x1xf32> to vector<512x128xf32>
    %eq3A_2665 = arith.cmpf oeq, %min3A_2591, %eq3A_2664 : vector<512x128xf32>
    %jit3A_2666 = arith.constant 2147483647 : i32
    %broadcast_in_dim3A_2667 = vector.broadcast %jit3A_2666 : i32 to vector<512x128xi32>
    %select_n3A_2668 = arith.select %eq3A_2665, %add3A_2660, %broadcast_in_dim3A_2667 : vector<512x128xi1>, vector<512x128xi32>
    %reduce_min3A_2669 = arith.constant dense<2147483647> : vector<512xi32>
    %reduce_min3A_2670 = vector.multi_reduction <minsi>, %select_n3A_2668, %reduce_min3A_2669 [1] : vector<512x128xi32> to vector<512xi32>
    %swap3A_2671 = arith.constant 1536 : index
    %swap3A_2672 = vector.load %arg3[%swap3A_2671] : memref<2048xi32, #tpu.memory_space<vmem>>, vector<512xi32>
    tpu.vector_store %arg3[%swap3A_2671], %reduce_min3A_2670 {strides = array<i32>} : memref<2048xi32, #tpu.memory_space<vmem>>, vector<512xi32>,
    %reduce_sum3A_2673 = vector.shape_cast %broadcast_in_dim3A_2663 : vector<512x1xf32> to vector<1x512x1xf32>
    %reduce_sum3A_2674 = arith.constant dense<0.000000e+00> : vector<1xf32>
    %reduce_sum3A_2675 = vector.multi_reduction <add>, %reduce_sum3A_2673, %reduce_sum3A_2674 [1, 2] : vector<1x512x1xf32> to vector<1xf32>
    %reduce_sum3A_2676 = vector.shape_cast %reduce_sum3A_2675 : vector<1xf32> to vector<1x1x1xf32>
    %reduce_sum3A_2677 = vector.extract %reduce_sum3A_2676[0, 0, 0] : f32 from vector<1x1x1xf32>
    %reshape3A_2678 = vector.broadcast %reduce_sum3A_2677 : f32 to vector<1x1xf32>
    %add3A_2679 = arith.addf %add3A_2658, %reshape3A_2678 : vector<1x1xf32>
    %get3A_2680 = arith.constant 0 : index
    %get3A_2681 = arith.constant 0 : index
    %get3A_2682 = vector.load %arg4[%get3A_2680, %get3A_2681] : memref<1x1xf32, #tpu.memory_space<vmem>>, vector<1x1xf32>
    %add3A_2683 = arith.addf %get3A_2682, %add3A_2679 : vector<1x1xf32>
    %swap3A_2684 = arith.constant 0 : index
    %swap3A_2685 = arith.constant 0 : index
    %swap3A_2686 = vector.load %arg4[%swap3A_2684, %swap3A_2685] : memref<1x1xf32, #tpu.memory_space<vmem>>, vector<1x1xf32>
    tpu.vector_store %arg4[%swap3A_2684, %swap3A_2685], %add3A_2683 {strides = array<i32>} : memref<1x1xf32, #tpu.memory_space<vmem>>, vector<1x1xf32>,
    return
  }
  func.func @transform_0(%arg0: i32) -> (i32, i32) {
    %c0_i32 = arith.constant 0 : i32
    %c0_i32_0 = arith.constant 0 : i32
    return %arg0, %c0_i32 : i32, i32
  }
  func.func @transform_1(%arg0: i32) -> (i32, i32) {
    %c0_i32 = arith.constant 0 : i32
    %c0_i32_0 = arith.constant 0 : i32
    %c0_i32_1 = arith.constant 0 : i32
    return %c0_i32, %c0_i32_0 : i32, i32
  }
  func.func @transform_2(%arg0: i32) -> i32 {
    %c0_i32 = arith.constant 0 : i32
    return %arg0 : i32
  }
  func.func @transform_3(%arg0: i32) -> (i32, i32) {
    %c0_i32 = arith.constant 0 : i32
    %c0_i32_0 = arith.constant 0 : i32
    %c0_i32_1 = arith.constant 0 : i32
    return %c0_i32, %c0_i32_0 : i32, i32
  }
}

</mosaic_0001>

<sc_bundles>
// kernel: kernel.4.cloned.1.call-start
scs
__scs_entry_jumppad:
0x0: {  	(pc) =	sbr.rel $0x88, $3  }
0x1: {  	(tag) =	ssettag $0x0;
	lr =	simm.s32 $0x1  }
0x2: {  	[smem:$0x3F9F] =	sst lr;
	_ =	strace $0xD0000000  }
0x3: {  	_ = 	snop  }
0x4: {  	_ = 	snop  }
0x5: {  	_ = 	snop  }
0x6: {  	_ = 	snop  }
0x7: {  	_ = 	snop  }
__scs_overlays_trampoline_lowered:
0x8: {  	[smem:$0x3FAE] =	sst s0  }
0x9: {  	[smem:$0x3FAF] =	sst s1  }
0xa: {  	[smem:$0x3FB0] =	sst s2  }
0xb: {  	[smem:$0x3FB1] =	sst s3  }
0xc: {  	[smem:$0x3FB2] =	sst s4  }
0xd: {  	[smem:$0x3FB3] =	sst s5  }
0xe: {  	[smem:$0x3FB4] =	sst s6  }
0xf: {  	[smem:$0x3FB5] =	sst s7  }
0x10: {  	[smem:$0x3FB6] =	sst s8  }
0x11: {  	[smem:$0x3FB7] =	sst s9;
	s0 =	simm.s32 @!p0 $0x0  }
0x12: {  	s1 =	sld [smem:$0x3F9D];
	s0 =	simm.s32 @p0 $0x1  }
0x13: {  	[smem:$0x3FB8] =	sst s0;
	s0 =	simm.s32 @!p1 $0x0  }
0x14: {  	s2 =	sld [smem:$0x3F9C];
	s0 =	simm.s32 @p1 $0x1  }
0x15: {  	[smem:$0x3FB9] =	sst s0;
	s0 =	simm.s32 @!p2 $0x0  }
0x16: {  	s3 =	sld [smem:$0x3FDB];
	s0 =	simm.s32 @p2 $0x1  }
0x17: {  	s4 =	simm.s32 $0x1BF5;
	[smem:$0x3FBB] =	sst s0  }
0x18: {  	s0 =	sld [smem:$0x3F9E];
	_ =	swait.ge [sflag:s4], $0x0  }
0x19: {  	s7 =	sld [smem:$0x3F9F]  }
0x1a: {  	s8 =	sadd.s32 $0xFFFFE003, lr  }
0x1b: {  	s9 =	sadd.s32 $0xFFFFFEF7, lr;
	s5 =	simm.s32 $0xFFFFFFFF;
	p2 =	slt.u32 s8, $0xFFFFF086  }
0x1c: {  	p1 =	slt.u32 s9, $0xF7A;
	s5 =	simm.s32 @!p2 $0x0  }
0x1d: {  	s5 =	simm.s32 @p1 $0x1;
	p0 =	seq.s32 s7, s2  }
0x1e: {  	s7 =	smul.u32 @!p0 $0xF7A, s2;
	p2 =	seq.s32 @!p0 s5, $0x0  }
0x1f: {  	s9 =	smul.u32 $0xF7A, s1;
	s8 =	simm.s32 @!p0 $0x1BF5;
	p2 =	por !p2, p0  }
0x20: {  	[sflag:s8] =	ssyncset.s32 @!p0 $0xFFFFF086;
	s6 =	sadd.s32 @!p0 s3, s7;
	s7 =	simm.s32 @!p0 $0x108  }
0x21: {  	s3 =	sadd.s32 s3, s9;
	s6 =	sadd.s32 @!p0 $0x88, s6;
	s7 =	simm.s32 @p2 $0x1082  }
0x22: {  	[simem:s7], [sflag:s8] =	dma.local @!p0 [hbm:s6], $0xF7A  }
0x23: {  	s9 =	sor.u32 $0xD0000000, s2;
	s6 =	simm.s32 $0x108;
	_ =	swait.ge @!p0 [sflag:s8], $0x0  }
0x24: {  	s3 =	sadd.s32 $0x88, s3;
	s6 =	simm.s32 @!p1 $0x1082;
	[sflag:s4] =	ssyncset.s32 $0xFFFFF086  }
0x25: {  	[simem:s6], [sflag:s4] =	dma.local [hbm:s3], $0xF7A  }
0x26: {  	[smem:$0x3F9F] =	sst s1;
	(tag) =	ssettag s2;
	_ =	strace s9  }
0x27: {  	s1 =	sld [smem:$0x3FAF]  }
0x28: {  	s2 =	sld [smem:$0x3FB0]  }
0x29: {  	s4 =	sld [smem:$0x3FB2]  }
0x2a: {  	p0 =	seq.s32 s5, $0x0;
	s5 =	sld [smem:$0x3FB3]  }
0x2b: {  	s6 =	sld [smem:$0x3FB4]  }
0x2c: {  	s7 =	sld [smem:$0x3FB5]  }
0x2d: {  	s3 =	simm.s32 $0x108;
	s8 =	sld [smem:$0x3FB6]  }
0x2e: {  	s3 =	simm.s32 @!p0 $0x1082;
	s9 =	sld [smem:$0x3FB7]  }
0x2f: {  	lr =	sadd.s32 s0, s3;
	s0 =	sld [smem:$0x3FAE]  }
0x30: {  	s3 =	sld [smem:$0x3FB1]  }
0x31: {  	[smem:$0x3FBA] =	sst s10  }
0x32: {  	s10 =	sld [smem:$0x3FB8];
	_ =	sdelay $0x3  }
0x33: {  	p0 =	seq.s32 s10, $0x1;
	s10 =	sld [smem:$0x3FBA];
	_ =	sdelay $0x3  }
0x34: {  	[smem:$0x3FBA] =	sst s10  }
0x35: {  	s10 =	sld [smem:$0x3FB9];
	_ =	sdelay $0x3  }
0x36: {  	p1 =	seq.s32 s10, $0x1;
	s10 =	sld [smem:$0x3FBA];
	_ =	sdelay $0x3  }
0x37: {  	[smem:$0x3FBA] =	sst s10  }
0x38: {  	s10 =	sld [smem:$0x3FBB]  }
0x39: {  	_ = 	snop;
	(pc) =	sbr.ind lr, $3  }
0x3a: {  	_ = 	snop  }
0x3b: {  	_ = 	snop  }
0x3c: {  	p2 =	seq.s32 s10, $0x1;
	s10 =	sld [smem:$0x3FBA]  }
0x3d: {  	_ =	shalt  }
0x3e: {  	_ =	shalt  }
0x3f: {  	_ =	shalt  }
0x40: {  	_ =	shalt  }
0x41: {  	_ =	shalt  }
0x42: {  	_ =	shalt  }
0x43: {  	_ =	shalt  }
0x44: {  	_ =	shalt  }
0x45: {  	_ =	shalt  }
0x46: {  	_ =	shalt  }
0x47: {  	_ =	shalt  }
0x48: {  	_ =	shalt  }
0x49: {  	_ =	shalt  }
0x4a: {  	_ =	shalt  }
0x4b: {  	_ =	shalt  }
0x4c: {  	_ =	shalt  }
0x4d: {  	_ =	shalt  }
0x4e: {  	_ =	shalt  }
0x4f: {  	_ =	shalt  }
0x50: {  	_ =	shalt  }
0x51: {  	_ =	shalt  }
0x52: {  	_ =	shalt  }
0x53: {  	_ =	shalt  }
0x54: {  	_ =	shalt  }
0x55: {  	_ =	shalt  }
0x56: {  	_ =	shalt  }
0x57: {  	_ =	shalt  }
0x58: {  	_ =	shalt  }
0x59: {  	_ =	shalt  }
0x5a: {  	_ =	shalt  }
0x5b: {  	_ =	shalt  }
0x5c: {  	_ =	shalt  }
0x5d: {  	_ =	shalt  }
0x5e: {  	_ =	shalt  }
0x5f: {  	_ =	shalt  }
0x60: {  	_ =	shalt  }
0x61: {  	_ =	shalt  }
0x62: {  	_ =	shalt  }
0x63: {  	_ =	shalt  }
0x64: {  	_ =	shalt  }
0x65: {  	_ =	shalt  }
0x66: {  	_ =	shalt  }
0x67: {  	_ =	shalt  }
0x68: {  	_ =	shalt  }
0x69: {  	_ =	shalt  }
0x6a: {  	_ =	shalt  }
0x6b: {  	_ =	shalt  }
0x6c: {  	_ =	shalt  }
0x6d: {  	_ =	shalt  }
0x6e: {  	_ =	shalt  }
0x6f: {  	_ =	shalt  }
0x70: {  	_ =	shalt  }
0x71: {  	_ =	shalt  }
0x72: {  	_ =	shalt  }
0x73: {  	_ =	shalt  }
0x74: {  	_ =	shalt  }
0x75: {  	_ =	shalt  }
0x76: {  	_ =	shalt  }
0x77: {  	_ =	shalt  }
0x78: {  	_ =	shalt  }
0x79: {  	_ =	shalt  }
0x7a: {  	_ =	shalt  }
0x7b: {  	_ =	shalt  }
0x7c: {  	_ =	shalt  }
0x7d: {  	_ =	shalt  }
0x7e: {  	_ =	shalt  }
0x7f: {  	_ =	shalt  }
0x80: {  	_ =	shalt  }
0x81: {  	_ =	shalt  }
0x82: {  	_ =	shalt  }
0x83: {  	_ =	shalt  }
0x84: {  	_ =	shalt  }
0x85: {  	_ =	shalt  }
0x86: {  	_ =	shalt  }
0x87: {  	_ =	shalt  }
.Lfunc_end0:
.L_simem_size_0:
called_computation_lowered:
.L_overlay_start_0:
0x88: {  	s2 =	sld [smem:$0x3FD9]  }
0x89: {  	s3 =	sld [smem:$0x3FFE];
	_ =	sdelay $0x1  }
0x8a: {  	s1 =	srdreg.scid  }
0x8b: {  	s0 =	sand.u32 $0x1, s1  }
0x8c: {  	s14 =	sshll.u32 s0, $0xA;
	s2 =	sadd.s32 s3, s2  }
0x8d: {  	s2 =	sadd.s32 s2, s14  }
0x8e: {  	[smem:$0x3FC6] =	sst s2  }
0x8f: {  	_ = 	snop  }
0x90: {  	s2 =	sld [smem:$0x3FD0];
	_ =	sdelay $0x2  }
0x91: {  	s15 =	simm.s32 $0xA;
	s4 =	simm.s32 $0x10  }
0x92: {  	[smem:s4], [sflag:s15] =	dma.local [hbm:s2], $0x1  }
0x93: {  	_ =	swait.eq [sflag:s15], $0x1  }
0x94: {  	[sflag:s15] =	ssyncset.done $0x0  }
0x95: {  	[sflag:s15] =	ssyncadd.s32 $0xFFFFFFFF  }
0x96: {  	s16 =	sld [smem:$0x10];
	(tm) =	ssettm $0x1  }
0x97: {  	s17 =	sld [smem:$0x3FFB];
	_ =	sdelay $0x3  }
0x98: {  	_ =	strace s17  }
0x99: {  	s3 =	sld [smem:$0x3FFC];
	_ =	sdelay $0x3  }
0x9a: {  	_ =	strace s3  }
0x9b: {  	s3 =	sld [smem:$0x3FFD];
	_ =	sdelay $0x3  }
0x9c: {  	_ =	strace s3  }
0x9d: {  	_ =	strace $0x8FFFFFFF  }
0x9e: {  	s18 =	sld [smem:$0x3FDB];
	_ =	sdelay $0x1  }
0x9f: {  	s19 =	simm.s32 $_scs_section_size  }
0xa0: {  	s5 =	simm.s32 $_size__tile_overlayer_lowered;
	s6 =	simm.s32 $_tile_overlayer_lowered  }
0xa1: {  	s22 =	simm.s32 $0x1BFF;
	s21 =	sshll.u32 s6, $0x1;
	s3 =	sadd.s32 s19, s18  }
0xa2: {  	s7 =	simm.s32 $0x0;
	s20 =	sshll.u32 s5, $0x1;
	s5 =	sadd.s32 s21, s3  }
0xa3: {  	[timem:s7], [sflag:s22] =	dma.local [hbm:s5], s20  }
0xa4: {  	_ =	swait.ge [sflag:s22], s20  }
0xa5: {  	s4 =	ssub.s32 $0x0, s20;
	[sflag:s22] =	ssyncset.done $0x0  }
0xa6: {  	[sflag:s22] =	ssyncadd.s32 s4;
	_ =	sdelay $0x1  }
0xa7: {  	s23 =	simm.s32 $0x1B8B  }
0xa8: {  	_ =	swait.ge [sflag:s23], $0x1  }
0xa9: {  	[sflag:s23] =	ssyncset.done $0x0  }
0xaa: {  	s25 =	simm.s32 $0x1B8E;
	s24 =	sld [smem:$0x3FFE];
	[sflag:s23] =	ssyncadd.s32 $0xFFFFFFFF  }
0xab: {  	s26 =	simm.s32 $execute0_lowered;
	[smem:$0x3FD2] =	sst s25  }
0xac: {  	s5 =	sshll.u32 s26, $0x1;
	_ =	strace $0x80000046;
	[dreg:$0x1] =	wrdreg $0xFFFFFFFF  }
0xad: {  	s28 =	simm.s32 $_size_execute0_lowered;
	s3 =	sadd.s32 s3, s5;
	[dreg:$0x0] =	wrdreg $0x0  }
0xae: {  	s5 =	sshll.u32 s28, $0x1;
	[dreg:$0x2] =	wrdreg s3  }
0xaf: {  	[dreg:$0x3] =	wrdreg s5  }
0xb0: {  	[dreg:$0x4] =	wrdreg $0xC0  }
0xb1: {  	_ =	task [dreg:s7], $0x5FFFF  }
0xb2: {  	[dreg:$0x1] =	wrdreg $0xFFFFFFFF  }
0xb3: {  	[dreg:$0x0] =	wrdreg $0x60  }
0xb4: {  	[dreg:$0x2] =	wrdreg s24  }
0xb5: {  	[dreg:$0x3] =	wrdreg s16  }
0xb6: {  	[dreg:$0x4] =	wrdreg $0x9  }
0xb7: {  	_ =	task.clear_ibuf [dreg:s7], $0x5FFFF;
	_ =	strace $0x90000046  }
0xb8: {  	s29 =	simm.s32 $0x9;
	_ =	strace $0x80000048  }
0xb9: {  	_ =	swait.ge [sflag:s29], $0x1  }
0xba: {  	[sflag:s29] =	ssyncadd.s32 $0xFFFFFFFF  }
0xbb: {  	_ =	strace $0x90000048  }
0xbc: {  	_ =	sfence  }
0xbd: {  	s30 =	sld [smem:$0x0];
	_ =	sdelay $0x2  }
0xbe: {  	s31 =	sshll.u32 s1, $0xD;
	s1 =	sshrl.u32 s1, $0x2  }
0xbf: {  	s3 =	sand.u32 $0x4000, s31;
	s1 =	sadd.s32 s1, s30  }
0xc0: {  	s0 =	sor.u32 s3, s0;
	s1 =	sshll.u32 s1, $0x11  }
0xc1: {  	s0 =	sor.u32 s1, s0  }
0xc2: {  	s0 =	sadd.s32 $0x8F2B, s0  }
0xc3: {  	[sflag:s0] =	ssyncadd.remote.s32 $0x1  }
0xc4: {  	_ =	sfence.sel $0xFFFF  }
0xc5: {  	[dreg:$0x0] =	wrdreg $0xFFFFFFFF;
	(pc) =	sbr.abs _section_cstart, $3  }
0xc6: {  	[dreg:$0x1] =	wrdreg $0xFFFFFFFF  }
0xc7: {  	_ =	task.clear_ibuf [dreg:s7], $0x2FFFF;
	_ =	strace $0x9FFFFFFF  }
0xc8: {  	(tm) =	ssettm $0x7FFFFFFF  }
0xc9: {  	_ =	shalt  }
tec
execute0_lowered:
.L_overlay_start_1:
0x0: {  	(tag) =	ssettag $0x1  }
0x1: {  	s1 =	srdreg.scid;
	s0 =	stileid.u32  }
0x2: {  	s5 =	rddreg [dreg:$0x0];
	s24 =	sand.u32 $0x1, s1;
	s30 =	sshll.u32 s0, $0x1  }
0x3: {  	s22 =	rddreg [dreg:$0x1];
	s23 =	sor.u32 s24, s30  }
0x4: {  	s2 =	simm.s32 $0x0;
	s1 =	rddreg [dreg:$0x2];
	s3 =	sshll.u32 s23, $0x7  }
0x5: {  	[smem:$0x7FF] =	sst s2;
	s3 =	sadd.s32 s3, s5  }
0x6: {  	_ =	strace $0x80000047;
	s4 =	sadd.s32 $0x8A00, s3;
	s3 =	simm.s32 $0x2  }
0x7: {  	[tilespmem:s2], [sflag:$0x2] =	stream.linear.gather [hbm4b:s4+s2], $0x400, $0x38;
	[tilespmem:$0x8400] =	vst v63  }
0x8: {  	_ =	swait.ge [sflag:s3], $0x400  }
0x9: {  	s6 =	simm.s32 $0x80;
	[sflag:s3] =	ssyncset.done $0x0  }
0xa: {  	s7 =	simm.s32 $0x400;
	s5 =	sadd.s32 $0xA00, s5;
	[sflag:s3] =	ssyncadd.s32 $0xFFFFFC00  }
0xb: {  	[tilespmem:s7], [sflag:$0x1] =	stream.indirect.gather [hbm4b:s5+s6], $0x20, s2, s6, $0xb8;
	[tilespmem:$0x8400] =	vst v63  }
0xc: {  	s8 =	simm.s32 $0x1400  }
0xd: {  	[tilespmem:s8], [sflag:$0x1] =	stream.indirect.gather [hbm4b:s5+s6], $0x20, s6, s6, $0xb8;
	[tilespmem:$0x8400] =	vst v63  }
0xe: {  	s9 =	simm.s32 $0x100;
	s10 =	simm.s32 $0x2400  }
0xf: {  	[tilespmem:s10], [sflag:$0x1] =	stream.indirect.gather [hbm4b:s5+s6], $0x20, s9, s6, $0xb8;
	[tilespmem:$0x8400] =	vst v63  }
0x10: {  	s11 =	simm.s32 $0x180;
	s12 =	simm.s32 $0x3400  }
0x11: {  	[tilespmem:s12], [sflag:$0x1] =	stream.indirect.gather [hbm4b:s5+s6], $0x20, s11, s6, $0xb8;
	[tilespmem:$0x8400] =	vst v63  }
0x12: {  	s13 =	simm.s32 $0x200;
	s14 =	simm.s32 $0x4400  }
0x13: {  	[tilespmem:s14], [sflag:$0x1] =	stream.indirect.gather [hbm4b:s5+s6], $0x20, s13, s6, $0xb8;
	[tilespmem:$0x8400] =	vst v63  }
0x14: {  	s15 =	simm.s32 $0x280;
	s16 =	simm.s32 $0x5400  }
0x15: {  	[tilespmem:s16], [sflag:$0x1] =	stream.indirect.gather [hbm4b:s5+s6], $0x20, s15, s6, $0xb8;
	[tilespmem:$0x8400] =	vst v63  }
0x16: {  	s17 =	simm.s32 $0x300;
	s18 =	simm.s32 $0x6400  }
0x17: {  	[tilespmem:s18], [sflag:$0x1] =	stream.indirect.gather [hbm4b:s5+s6], $0x20, s17, s6, $0xb8;
	[tilespmem:$0x8400] =	vst v63  }
0x18: {  	s19 =	simm.s32 $0x380;
	s20 =	simm.s32 $0x7400;
	s21 =	simm.s32 $0x1  }
0x19: {  	[tilespmem:s20], [sflag:$0x1] =	stream.indirect.gather [hbm4b:s5+s6], $0x20, s19, s6, $0xb8;
	[tilespmem:$0x8400] =	vst v63  }
0x1a: {  	_ =	swait.ge [sflag:s21], $0x1000  }
0x1b: {  	[sflag:s21] =	ssyncset.done $0x0  }
0x1c: {  	[sflag:s21] =	ssyncadd.s32 $0xFFFFF000  }
0x1d: {  	_ =	swait.ge [sflag:s21], $0x1000  }
0x1e: {  	[sflag:s21] =	ssyncset.done $0x0  }
0x1f: {  	[sflag:s21] =	ssyncadd.s32 $0xFFFFF000  }
0x20: {  	_ =	swait.ge [sflag:s21], $0x1000  }
0x21: {  	[sflag:s21] =	ssyncset.done $0x0  }
0x22: {  	[sflag:s21] =	ssyncadd.s32 $0xFFFFF000  }
0x23: {  	_ =	swait.ge [sflag:s21], $0x1000  }
0x24: {  	[sflag:s21] =	ssyncset.done $0x0  }
0x25: {  	[sflag:s21] =	ssyncadd.s32 $0xFFFFF000  }
0x26: {  	_ =	swait.ge [sflag:s21], $0x1000  }
0x27: {  	[sflag:s21] =	ssyncset.done $0x0  }
0x28: {  	[sflag:s21] =	ssyncadd.s32 $0xFFFFF000  }
0x29: {  	_ =	swait.ge [sflag:s21], $0x1000  }
0x2a: {  	[sflag:s21] =	ssyncset.done $0x0  }
0x2b: {  	s24 =	ssub.s32 $0x2, s24;
	[sflag:s21] =	ssyncadd.s32 $0xFFFFF000  }
0x2c: {  	s25 =	sshrl.u32 s24, $0x1;
	_ =	swait.ge [sflag:s21], $0x1000  }
0x2d: {  	s24 =	ssub.s32 s24, s25;
	[sflag:s21] =	ssyncset.done $0x0  }
0x2e: {  	s31 =	smax.u32 s24, $0x1;
	[sflag:s21] =	ssyncadd.s32 $0xFFFFF000  }
0x2f: {  	p0 =	sne.s32 s31, $0x1;
	_ =	swait.ge [sflag:s21], $0x1000  }
.Ltmp0:
0x30: {  	s23 =	sshll.u32 s23, $0xC;
	[sflag:s21] =	ssyncset.done $0x0;
	(pc) =	sbr.rel @!p0 .LBB2_2-.Ltmp0, $4  }
0x31: {  	s22 =	sadd.s32 s22, s23;
	[sflag:s21] =	ssyncadd.s32 $0xFFFFF000  }
0x32: {  	[hbm4b:s22+s2] =	stream.linear.scatter [tilespmem:s7], [sflag:$0x2], $0x8000, $0x38;
	[tilespmem:$0x8400] =	vst v63  }
0x33: {  	_ =	swait.ge [sflag:s3], $0x8000  }
0x34: {  	s23 =	sadd.s32 $0xFFFFFFFF, s31;
	[sflag:s3] =	ssyncset.done $0x0  }
.LBB2_1:
0x35: {  	p0 =	sne.s32 s23, $0x1;
	s23 =	sadd.s32 $0xFFFFFFFF, s23;
	[sflag:s3] =	ssyncadd.s32 $0xFFFF8000  }
0x36: {  	[tilespmem:s2], [sflag:$0x2] =	stream.linear.gather [hbm4b:s4+s2], $0x400, $0x38;
	[tilespmem:$0x8400] =	vst v63  }
0x37: {  	_ =	swait.ge [sflag:s3], $0x400  }
0x38: {  	[sflag:s3] =	ssyncset.done $0x0  }
0x39: {  	[sflag:s3] =	ssyncadd.s32 $0xFFFFFC00  }
0x3a: {  	[tilespmem:s7], [sflag:$0x1] =	stream.indirect.gather [hbm4b:s5+s6], $0x20, s2, s6, $0xb8;
	[tilespmem:$0x8400] =	vst v63  }
0x3b: {  	_ = 	snop  }
0x3c: {  	[tilespmem:s8], [sflag:$0x1] =	stream.indirect.gather [hbm4b:s5+s6], $0x20, s6, s6, $0xb8;
	[tilespmem:$0x8400] =	vst v63  }
0x3d: {  	_ = 	snop  }
0x3e: {  	[tilespmem:s10], [sflag:$0x1] =	stream.indirect.gather [hbm4b:s5+s6], $0x20, s9, s6, $0xb8;
	[tilespmem:$0x8400] =	vst v63  }
0x3f: {  	_ = 	snop  }
0x40: {  	[tilespmem:s12], [sflag:$0x1] =	stream.indirect.gather [hbm4b:s5+s6], $0x20, s11, s6, $0xb8;
	[tilespmem:$0x8400] =	vst v63  }
0x41: {  	_ = 	snop  }
0x42: {  	[tilespmem:s14], [sflag:$0x1] =	stream.indirect.gather [hbm4b:s5+s6], $0x20, s13, s6, $0xb8;
	[tilespmem:$0x8400] =	vst v63  }
0x43: {  	_ = 	snop  }
0x44: {  	[tilespmem:s16], [sflag:$0x1] =	stream.indirect.gather [hbm4b:s5+s6], $0x20, s15, s6, $0xb8;
	[tilespmem:$0x8400] =	vst v63  }
0x45: {  	_ = 	snop  }
0x46: {  	[tilespmem:s18], [sflag:$0x1] =	stream.indirect.gather [hbm4b:s5+s6], $0x20, s17, s6, $0xb8;
	[tilespmem:$0x8400] =	vst v63  }
0x47: {  	_ = 	snop  }
0x48: {  	[tilespmem:s20], [sflag:$0x1] =	stream.indirect.gather [hbm4b:s5+s6], $0x20, s19, s6, $0xb8;
	[tilespmem:$0x8400] =	vst v63  }
0x49: {  	_ =	swait.ge [sflag:s21], $0x1000  }
0x4a: {  	[sflag:s21] =	ssyncset.done $0x0  }
0x4b: {  	[sflag:s21] =	ssyncadd.s32 $0xFFFFF000  }
0x4c: {  	_ =	swait.ge [sflag:s21], $0x1000  }
0x4d: {  	[sflag:s21] =	ssyncset.done $0x0  }
0x4e: {  	[sflag:s21] =	ssyncadd.s32 $0xFFFFF000  }
0x4f: {  	_ =	swait.ge [sflag:s21], $0x1000  }
0x50: {  	[sflag:s21] =	ssyncset.done $0x0  }
0x51: {  	[sflag:s21] =	ssyncadd.s32 $0xFFFFF000  }
0x52: {  	_ =	swait.ge [sflag:s21], $0x1000  }
0x53: {  	[sflag:s21] =	ssyncset.done $0x0  }
0x54: {  	[sflag:s21] =	ssyncadd.s32 $0xFFFFF000  }
0x55: {  	_ =	swait.ge [sflag:s21], $0x1000  }
0x56: {  	[sflag:s21] =	ssyncset.done $0x0  }
0x57: {  	[sflag:s21] =	ssyncadd.s32 $0xFFFFF000  }
0x58: {  	_ =	swait.ge [sflag:s21], $0x1000  }
0x59: {  	[sflag:s21] =	ssyncset.done $0x0  }
0x5a: {  	[sflag:s21] =	ssyncadd.s32 $0xFFFFF000  }
0x5b: {  	_ =	swait.ge [sflag:s21], $0x1000  }
0x5c: {  	[sflag:s21] =	ssyncset.done $0x0  }
0x5d: {  	[sflag:s21] =	ssyncadd.s32 $0xFFFFF000  }
0x5e: {  	_ =	swait.ge [sflag:s21], $0x1000  }
.Ltmp1:
0x5f: {  	[sflag:s21] =	ssyncset.done $0x0;
	(pc) =	sbr.rel @p0 .LBB2_1-.Ltmp1, $4  }
0x60: {  	[sflag:s21] =	ssyncadd.s32 $0xFFFFF000  }
0x61: {  	[hbm4b:s22+s2] =	stream.linear.scatter [tilespmem:s7], [sflag:$0x2], $0x8000, $0x38;
	[tilespmem:$0x8400] =	vst v63  }
0x62: {  	_ =	swait.ge [sflag:s3], $0x8000  }
0x63: {  	[sflag:s3] =	ssyncset.done $0x0  }
.LBB2_2:
0x64: {  	[sflag:s3] =	ssyncadd.s32 $0xFFFF8000  }
0x65: {  	_ =	sfence.sel $0x180000  }
0x66: {  	[bflag:$0x0] =	sbarrier.arrive $0xFFFF  }
0x67: {  	p0 =	sne.s32 s0, $0x0;
	_ =	strace $0x90000047  }
0x68: {  	s0 =	sadd.s32 @!p0 $0x100000, s1;
	[bflag:$0x2] =	sbarrier.arrive $0xFFFF  }
0x69: {  	[sflag:s0] =	ssyncadd.tile.s32 @!p0 $0x1;
	_ =	shalt  }
.Lfunc_end2:
_tile_overlayer_lowered:
.L_overlay_start_2:
0x6a: {  	(tag) =	ssettag $0x2  }
0x6b: {  	s0 =	rddreg [dreg:$0x0];
	s2 =	stileid.u32  }
0x6c: {  	s1 =	rddreg [dreg:$0x1];
	p0 =	sne.s32 s2, $0x0  }
0x6d: {  	s3 =	rddreg [dreg:$0x2];
	[bflag:$0x3] =	sbarrier.arrive $0xFFFF;
	s2 =	simm.s32 @!p0 $0x1C02  }
0x6e: {  	[timem:s3], [sflag:s2] =	dma.local @!p0 [hbm:s0], s1  }
0x6f: {  	s0 =	simm.s32 @!p0 $0x2  }
0x70: {  	_ =	swait.ge @!p0 [sflag:s0], s1  }
0x71: {  	s1 =	ssub.s32 @!p0 $0x0, s1;
	[sflag:s0] =	ssyncset.done @!p0 $0x0  }
0x72: {  	[sflag:s0] =	ssyncadd.s32 @!p0 s1  }
0x73: {  	[bflag:$0x3] =	sbarrier.arrive $0xFFFF  }
0x74: {  	_ =	shalt  }

</sc_bundles>
